<compile_context>
chip_gen: v7x
topology: tpu7x:2x2x1
jax: 0.10.2.dev20260603
libtpu: 0.0.44.dev20260713+nightly
codegen_flags: <defaults>
</compile_context>

<pallas_src>
import functools

import jax
import jax.numpy as jnp
import numpy as np
from jax import lax
from jax.experimental import pallas as pl
from jax.experimental.pallas import tpu as pltpu
from jax.experimental.pallas import tpu_sc as plsc

N_NODES = 10000
N_EDGES = 320000
HEADS = 8
DH = 8
HID = 64

NC = 2
NS = 16
NTILES = NC * NS
EDGES_PER_TILE = N_EDGES // NTILES
EDGE_BATCH = 40
N_BATCHES = EDGES_PER_TILE // EDGE_BATCH
N_PAD = 10240
ROWS_PER_TILE = N_PAD // NS

_P = np.empty(64, np.int32)
for _h in range(HEADS):
    for _d in range(DH):
        _col = 16 * (_d // 2) + (_h if _d % 2 == 0 else 15 - _h)
        _P[_col] = _h * DH + _d



def _edge_body(qt, kvt, et, src, dst, zac,
               out_acc,
               acc, srcb, dstb, kvb, qb, eb, ob,
               semA, semB, semI0, semI1):
    cid = lax.axis_index("c")
    sid = lax.axis_index("s")
    wid = cid * NS + sid

    r0 = sid * ROWS_PER_TILE
    pltpu.sync_copy(zac.at[pl.ds(r0, ROWS_PER_TILE)],
                    acc.at[pl.ds(r0, ROWS_PER_TILE)])

    def zrow(i, c):
        for j in range(5, 8):
            ob[i, pl.ds(j * 16, 16)] = jnp.zeros((16,), jnp.float32)
        return c

    lax.fori_loop(0, EDGE_BATCH, zrow, 0)
    plsc.subcore_barrier()

    base0 = wid * EDGES_PER_TILE

    def fire(b, buf, sem, semI):
        base = base0 + b * EDGE_BATCH
        ci = pltpu.async_copy(src.at[pl.ds(base, EDGE_BATCH)],
                              srcb.at[buf], semI)
        cj = pltpu.async_copy(dst.at[pl.ds(base, EDGE_BATCH)],
                              dstb.at[buf], semI)
        ci.wait()
        cj.wait()
        pltpu.async_copy(kvt.at[srcb.at[buf]], kvb.at[buf], sem)
        pltpu.async_copy(qt.at[dstb.at[buf]], qb.at[buf], sem)
        pltpu.async_copy(et.at[pl.ds(base, EDGE_BATCH)], eb.at[buf], sem)

    def drain_gathers(buf, sem):
        pltpu.make_async_copy(kvt.at[pl.ds(0, EDGE_BATCH)], kvb.at[buf],
                              sem).wait()
        pltpu.make_async_copy(qt.at[pl.ds(0, EDGE_BATCH)], qb.at[buf],
                              sem).wait()
        pltpu.make_async_copy(et.at[pl.ds(0, EDGE_BATCH)], eb.at[buf],
                              sem).wait()

    def compute(buf):
        def edge(i, carry2):
            t = None
            for j in range(4):
                sl = pl.ds(j * 16, 16)
                kq = kvb[buf, i, sl] * qb[buf, i, sl] * eb[buf, i, sl]
                t = kq if t is None else t + kq
            s = t + lax.rev(t, (0,))
            s = jnp.minimum(jnp.maximum(s, -5.0), 5.0)
            w = jnp.exp(s)
            for j in range(4):
                ob[i, pl.ds(j * 16, 16)] = kvb[buf, i, pl.ds(64 + j * 16, 16)] * w
            ob[i, pl.ds(64, 16)] = w
            return carry2

        lax.fori_loop(0, EDGE_BATCH, edge, 0)
        pltpu.sync_copy(ob, acc.at[dstb.at[buf]], add=True)

    fire(0, 0, semA, semI0)

    def pair(g, carry):
        b0 = 2 * g

        @pl.when(b0 + 1 < N_BATCHES)
        def _():
            fire(b0 + 1, 1, semB, semI1)

        drain_gathers(0, semA)
        compute(0)

        @pl.when(b0 + 2 < N_BATCHES)
        def _():
            fire(b0 + 2, 0, semA, semI0)

        @pl.when(b0 + 1 < N_BATCHES)
        def _():
            drain_gathers(1, semB)
            compute(1)

        return carry

    lax.fori_loop(0, (N_BATCHES + 1) // 2, pair, 0)
    plsc.subcore_barrier()

    pltpu.sync_copy(acc.at[pl.ds(r0, ROWS_PER_TILE)],
                    out_acc.at[cid, pl.ds(r0, ROWS_PER_TILE)])


@functools.cache
def _edge_call():
    return pl.kernel(
        _edge_body,
        out_type=jax.ShapeDtypeStruct((NC, N_PAD, 128), jnp.float32),
        mesh=plsc.VectorSubcoreMesh(core_axis_name="c", subcore_axis_name="s"),
        scratch_types=[
            pltpu.VMEM_SHARED((N_PAD, 128), jnp.float32),
            pltpu.VMEM((2, EDGE_BATCH), jnp.int32),
            pltpu.VMEM((2, EDGE_BATCH), jnp.int32),
            pltpu.VMEM((2, EDGE_BATCH, 128), jnp.float32),
            pltpu.VMEM((2, EDGE_BATCH, 128), jnp.float32),
            pltpu.VMEM((2, EDGE_BATCH, 64), jnp.float32),
            pltpu.VMEM((EDGE_BATCH, 128), jnp.float32),
            pltpu.SemaphoreType.DMA,
            pltpu.SemaphoreType.DMA,
            pltpu.SemaphoreType.DMA,
            pltpu.SemaphoreType.DMA,
        ],
    )


def _edge_phase(qt, kvt, et, src, dst):
    zac = jnp.zeros((N_PAD, 128), jnp.float32)
    return _edge_call()(qt, kvt, et, src, dst, zac)



def _dot(a, b):
    return jnp.dot(a, b, preferred_element_type=jnp.float32)


def _mean0(x):
    s = x
    for _ in range(4):
        half = s.shape[0] // 2
        s = s[:half] + s[half:]
    return jnp.sum(s, axis=0, keepdims=True) * np.float32(1.0 / x.shape[0])


def _bn_fwd(x, g, b):
    m = _mean0(x)
    v = _mean0((x - m) ** 2)
    return g * (x - m) * jax.lax.rsqrt(v + 1e-5) + b


def _prep_body(h_r, wh_r, bh_r, wq_r, wkv_r, hh_o, qt_o, kvt_o):
    hh = _dot(h_r[...], wh_r[...]) + bh_r[...]
    hh_o[...] = hh
    q = _dot(hh, wq_r[...])
    qt_o[...] = jnp.concatenate([q, jnp.zeros_like(q)], axis=1)
    kvt_o[...] = _dot(hh, wkv_r[...])


def _prep(h, wh, bh, wq_t, wkv_t):
    f = jax.ShapeDtypeStruct
    return pl.pallas_call(
        _prep_body,
        out_shape=(
            f((N_NODES, HID), jnp.float32),
            f((N_NODES, 128), jnp.float32),
            f((N_NODES, 128), jnp.float32),
        ),
    )(h, wh, bh, wq_t, wkv_t)


_EBLK = 3200


def _eproj_body(e_r, m_r, c_r, et_o):
    et_o[...] = _dot(e_r[...], m_r[...]) + c_r[...]


def _eproj(e, m, c):
    return pl.pallas_call(
        _eproj_body,
        grid=(N_EDGES // _EBLK,),
        in_specs=[
            pl.BlockSpec((_EBLK, 16), lambda i: (i, 0)),
            pl.BlockSpec((16, 64), lambda i: (0, 0)),
            pl.BlockSpec((1, 64), lambda i: (0, 0)),
        ],
        out_specs=pl.BlockSpec((_EBLK, 64), lambda i: (i, 0)),
        out_shape=jax.ShapeDtypeStruct((N_EDGES, 64), jnp.float32),
    )(e, m, c)


def _attn_out(part, wo_p, bo):
    p = (part[0] + part[1])[:N_NODES]
    wv = p[:, 0:64]
    z16 = p[:, 64:80]
    zc = jnp.concatenate([z16, z16, z16, z16], axis=1)
    ha = wv / (zc + 1e-6)
    return _dot(ha, wo_p) + bo


def _ffn(x, w1, b1, w2, b2):
    t = jax.nn.relu(_dot(x, w1) + b1)
    return _dot(t, w2) + b2


def _post0_body(part_r, hh0_r, wo_r, bo_r, g1_r, be1_r, w1_r, b1_r,
                w2_r, b2_r, g2_r, be2_r, wq_r, wkv_r,
                qt_o, kvt_o):
    hh = _attn_out(part_r[...], wo_r[...], bo_r[...])
    hh = hh0_r[...] + hh
    hh = _bn_fwd(hh, g1_r[...], be1_r[...])
    hh = hh + _ffn(hh, w1_r[...], b1_r[...], w2_r[...], b2_r[...])
    hh = _bn_fwd(hh, g2_r[...], be2_r[...])
    q = _dot(hh, wq_r[...])
    qt_o[...] = jnp.concatenate([q, jnp.zeros_like(q)], axis=1)
    kvt_o[...] = _dot(hh, wkv_r[...])


def _post0(part, hh0, wo_p, bo, g1, be1, w1, b1, w2, b2, g2, be2,
           wq1_t, wkv1_t):
    f = jax.ShapeDtypeStruct
    return pl.pallas_call(
        _post0_body,
        out_shape=(
            f((N_NODES, 128), jnp.float32),
            f((N_NODES, 128), jnp.float32),
        ),
    )(part, hh0, wo_p, bo, g1, be1, w1, b1, w2, b2, g2, be2,
      wq1_t, wkv1_t)


def _post1_body(part_r, wo_r, bo_r, g1_r, be1_r, w1_r, b1_r,
                w2_r, b2_r, g2_r, be2_r, mw0_r, mb0_r, mw1_r, mb1_r,
                mw2_r, mb2_r, y_o):
    hh = _attn_out(part_r[...], wo_r[...], bo_r[...])
    hh = _bn_fwd(hh, g1_r[...], be1_r[...])
    hh = _ffn(hh, w1_r[...], b1_r[...], w2_r[...], b2_r[...])
    hh = _bn_fwd(hh, g2_r[...], be2_r[...])
    hg = _mean0(hh)
    y = jax.nn.relu(_dot(hg, mw0_r[...]) + mb0_r[...])
    y = jax.nn.relu(_dot(y, mw1_r[...]) + mb1_r[...])
    y_o[...] = _dot(y, mw2_r[...]) + mb2_r[...]


def _post1(part, wo_p, bo, g1, be1, w1, b1, w2, b2, g2, be2,
           mw0, mb0, mw1, mb1, mw2, mb2):
    return pl.pallas_call(
        _post1_body,
        out_shape=jax.ShapeDtypeStruct((1, 3), jnp.float32),
    )(part, wo_p, bo, g1, be1, w1, b1, w2, b2, g2, be2,
      mw0, mb0, mw1, mb1, mw2, mb2)



def _row(v):
    return v.reshape(1, -1)


def kernel(h, e, edge_index, params):
    p0 = params['layer0']
    p1 = params['layer1']
    scale = np.float32(1.0 / np.sqrt(DH))

    wq0 = p0['Wq'][:, _P] * scale
    wk0 = p0['Wk'][:, _P]
    wv0 = p0['Wv'][:, _P]
    wq1 = p1['Wq'][:, _P] * scale
    wk1 = p1['Wk'][:, _P]
    wv1 = p1['Wv'][:, _P]
    wo0 = p0['Wo'][_P, :]
    wo1 = p1['Wo'][_P, :]
    m0 = (params['We_emb'] @ p0['We'])[:, _P]
    c0 = _row((params['be_emb'] @ p0['We'])[_P])
    m1 = (params['We_emb'] @ p1['We'])[:, _P]
    c1 = _row((params['be_emb'] @ p1['We'])[_P])

    src = edge_index[0]
    dst = edge_index[1]

    wkv0 = jnp.concatenate([wk0, wv0], axis=1)
    wkv1 = jnp.concatenate([wk1, wv1], axis=1)

    hh0, qt0, kvt0 = _prep(h, params['Wh'], _row(params['bh']), wq0, wkv0)
    et0 = _eproj(e, m0, c0)

    part0 = _edge_phase(qt0, kvt0, et0, src, dst)
    et1 = _eproj(e, m1, c1)
    qt1, kvt1 = _post0(
        part0, hh0, wo0, _row(p0['bo']),
        _row(p0['bn1_g']), _row(p0['bn1_b']),
        p0['W1'], _row(p0['b1']), p0['W2'], _row(p0['b2']),
        _row(p0['bn2_g']), _row(p0['bn2_b']),
        wq1, wkv1)

    part1 = _edge_phase(qt1, kvt1, et1, src, dst)
    y = _post1(
        part1, wo1, _row(p1['bo']),
        _row(p1['bn1_g']), _row(p1['bn1_b']),
        p1['W1'], _row(p1['b1']), p1['W2'], _row(p1['b2']),
        _row(p1['bn2_g']), _row(p1['bn2_b']),
        params['mlp_W0'], _row(params['mlp_b0']),
        params['mlp_W1'], _row(params['mlp_b1']),
        params['mlp_W2'], _row(params['mlp_b2']))
    return y

# --- scband reference (transcript-rebuilt; emitter-appended) ---
"""Pipeline reference for scband-san-46961172414543 (READ-ONLY COPY).

The authoritative reference and input builder live on the scoring server;
editing this copy changes nothing except your own understanding.
"""

import jax, jax.numpy as jnp
import numpy as np

N_NODES = 10000
N_EDGES = 320000
D_IN = 128
D_EDGE = 16
HID = 64
OUT_DIM = 64
HEADS = 8
PRED = 3


def _uniform(key, shape, fan_in):
    s = 1.0 / np.sqrt(fan_in)
    return jax.random.uniform(key, shape, minval=-s, maxval=s, dtype=jnp.float32)


def _init_layer(key, in_dim, out_dim):
    ks = jax.random.split(key, 8)
    return {
        'Wq': _uniform(ks[0], (in_dim, out_dim), in_dim),
        'Wk': _uniform(ks[1], (in_dim, out_dim), in_dim),
        'We': _uniform(ks[2], (in_dim, out_dim), in_dim),
        'Wv': _uniform(ks[3], (in_dim, out_dim), in_dim),
        'Wo': _uniform(ks[4], (out_dim, out_dim), out_dim),
        'bo': jnp.zeros((out_dim,), jnp.float32),
        'bn1_g': jnp.ones((out_dim,), jnp.float32),
        'bn1_b': jnp.zeros((out_dim,), jnp.float32),
        'W1': _uniform(ks[5], (out_dim, out_dim * 2), out_dim),
        'b1': jnp.zeros((out_dim * 2,), jnp.float32),
        'W2': _uniform(ks[6], (out_dim * 2, out_dim), out_dim * 2),
        'b2': jnp.zeros((out_dim,), jnp.float32),
        'bn2_g': jnp.ones((out_dim,), jnp.float32),
        'bn2_b': jnp.zeros((out_dim,), jnp.float32),
    }


def setup_inputs(seed: int = 0):
    key = jax.random.key(seed)
    ks = jax.random.split(key, 12)
    h = jax.random.normal(ks[0], (N_NODES, D_IN), dtype=jnp.float32)
    e = jax.random.normal(ks[1], (N_EDGES, D_EDGE), dtype=jnp.float32)
    edge_index = jax.random.randint(ks[2], (2, N_EDGES), 0, N_NODES, dtype=jnp.int32)
    params = {
        'Wh': _uniform(ks[3], (D_IN, HID), D_IN),
        'bh': jnp.zeros((HID,), jnp.float32),
        'We_emb': _uniform(ks[4], (D_EDGE, HID), D_EDGE),
        'be_emb': jnp.zeros((HID,), jnp.float32),
        'layer0': _init_layer(ks[5], HID, HID),
        'layer1': _init_layer(ks[6], HID, OUT_DIM),
        'mlp_W0': _uniform(ks[7], (OUT_DIM, OUT_DIM // 2), OUT_DIM),
        'mlp_b0': jnp.zeros((OUT_DIM // 2,), jnp.float32),
        'mlp_W1': _uniform(ks[8], (OUT_DIM // 2, OUT_DIM // 4), OUT_DIM // 2),
        'mlp_b1': jnp.zeros((OUT_DIM // 4,), jnp.float32),
        'mlp_W2': _uniform(ks[9], (OUT_DIM // 4, PRED), OUT_DIM // 4),
        'mlp_b2': jnp.zeros((PRED,), jnp.float32),
    }
    return {'h': h, 'e': e, 'edge_index': edge_index, 'params': params}


def _bn(x, g, b):
    # BatchNorm1d in training mode (torch module default): batch statistics
    m = jnp.mean(x, axis=0)
    v = jnp.var(x, axis=0)
    return g * (x - m) / jnp.sqrt(v + 1e-5) + b


def _attention(h, eft, edge_index, p, heads, out_dim):
    dh = out_dim // heads
    n = h.shape[0]
    Q = (h @ p['Wq']).reshape(n, heads, dh)
    K = (h @ p['Wk']).reshape(n, heads, dh)
    Ee = (eft @ p['We']).reshape(-1, heads, dh)
    V = (h @ p['Wv']).reshape(n, heads, dh)
    src = edge_index[0]
    dst = edge_index[1]
    # src_dot_dst: K_src * Q_dst (elementwise), scale, multiply by edge feats, exp(clamp(sum))
    score = K[src] * Q[dst]
    score = score / np.sqrt(dh)
    score = score * Ee
    score_soft = jnp.exp(jnp.clip(jnp.sum(score, axis=-1, keepdims=True), -5.0, 5.0))
    wV = jax.ops.segment_sum(V[src] * score_soft, dst, num_segments=n)
    z = jax.ops.segment_sum(score_soft, dst, num_segments=n)
    return wV / (z + 1e-6)


def _gt_layer(h, eft, edge_index, p, heads, out_dim, residual):
    h_in1 = h
    ha = _attention(h, eft, edge_index, p, heads, out_dim).reshape(-1, out_dim)
    hh = ha @ p['Wo'] + p['bo']
    if residual:
        hh = h_in1 + hh
    hh = _bn(hh, p['bn1_g'], p['bn1_b'])
    h_in2 = hh
    hh = jax.nn.relu(hh @ p['W1'] + p['b1'])
    hh = hh @ p['W2'] + p['b2']
    if residual:
        hh = h_in2 + hh
    hh = _bn(hh, p['bn2_g'], p['bn2_b'])
    return hh, eft


def _forward(h, e, edge_index, params):
    hh = h @ params['Wh'] + params['bh']
    ee = e @ params['We_emb'] + params['be_emb']
    hh, ee = _gt_layer(hh, ee, edge_index, params['layer0'], HEADS, HID, True)
    hh, ee = _gt_layer(hh, ee, edge_index, params['layer1'], HEADS, OUT_DIM, False)
    # readout == 'mean' on a single graph -> [1, OUT_DIM]
    hg = jnp.mean(hh, axis=0, keepdims=True)
    # MLPReadout (standard DGL benchmark, L=2): 64 -> 32 -> 16 -> 3 with ReLU
    y = jax.nn.relu(hg @ params['mlp_W0'] + params['mlp_b0'])
    y = jax.nn.relu(y @ params['mlp_W1'] + params['mlp_b1'])
    y = y @ params['mlp_W2'] + params['mlp_b2']
    return y


def reference(h, e, edge_index, params):
    return _forward(h, e, edge_index, params)

if __name__ == "__main__":
    import jax
    _d = setup_inputs()
    print(jax.jit(kernel)(*tuple(_d.values())))

</pallas_src>

<mosaic_0001>
#map = affine_map<(d0, d1) -> (0, 0)>
#map1 = affine_map<(d0, d1) -> (0)>
#map2 = affine_map<(d0, d1) -> (0, 0, 0)>
module attributes {stable_mosaic.version = 14 : i64} {
  func.func @_edge_body(%arg0: i32, %arg1: i32, %arg2: memref<10000x128xf32, #tpu.memory_space<hbm>>, %arg3: memref<10000x128xf32, #tpu.memory_space<hbm>>, %arg4: memref<320000x64xf32, #tpu.memory_space<hbm>>, %arg5: memref<320000xi32, #tpu.memory_space<hbm>>, %arg6: memref<320000xi32, #tpu.memory_space<hbm>>, %arg7: memref<10240x128xf32, #tpu.memory_space<hbm>>, %arg8: memref<2x10240x128xf32, #tpu.memory_space<hbm>>, %arg9: memref<10240x128xf32, #tpu.memory_space<vmem_shared>>, %arg10: memref<2x40xi32, #tpu.memory_space<vmem>>, %arg11: memref<2x40xi32, #tpu.memory_space<vmem>>, %arg12: memref<2x40x128xf32, #tpu.memory_space<vmem>>, %arg13: memref<2x40x128xf32, #tpu.memory_space<vmem>>, %arg14: memref<2x40x64xf32, #tpu.memory_space<vmem>>, %arg15: memref<40x128xf32, #tpu.memory_space<vmem>>, %arg16: memref<!tpu.dma_semaphore, #tpu.memory_space<semaphore_mem>>, %arg17: memref<!tpu.dma_semaphore, #tpu.memory_space<semaphore_mem>>, %arg18: memref<!tpu.dma_semaphore, #tpu.memory_space<semaphore_mem>>, %arg19: memref<!tpu.dma_semaphore, #tpu.memory_space<semaphore_mem>>) attributes {dimension_semantics = [#tpu.dimension_semantics<core_parallel>, #tpu.dimension_semantics<subcore_parallel>], iteration_bounds = array<i64: 2, 16>, scalar_prefetch = 0 : i64, scratch_operands = 11 : i64, tpu.core_type = #tpu.core_type<sc_vector_subcore>, window_params = [{transform_indices = #map}, {transform_indices = #map}, {transform_indices = #map}, {transform_indices = #map1}, {transform_indices = #map1}, {transform_indices = #map}, {transform_indices = #map2}]} {
    %mul3A = arith.constant 16 : i32
    %mul3A_0 = arith.muli %arg0, %mul3A : i32
    %add3A = arith.addi %mul3A_0, %arg1 : i32
    %mul3A_1 = arith.constant 640 : i32
    %mul3A_2 = arith.muli %arg1, %mul3A_1 : i32
    "tpu.region"() ({
      %run_scoped3A = tpu.sem_alloc : memref<!tpu.dma_semaphore, #tpu.memory_space<semaphore_mem>>
      %dma_start3A_90 = arith.constant 0 : i32
      %dma_start3A_91 = tpu.memref_slice %arg9[%mul3A_2, %dma_start3A_90] : memref<10240x128xf32, #tpu.memory_space<vmem_shared>> -> memref<640x128xf32, #tpu.memory_space<vmem_shared>>
      %dma_start3A_92 = arith.constant 0 : i32
      %dma_start3A_93 = tpu.memref_slice %arg7[%mul3A_2, %dma_start3A_92] : memref<10240x128xf32, #tpu.memory_space<hbm>> -> memref<640x128xf32, #tpu.memory_space<hbm>>
      tpu.enqueue_dma source(%dma_start3A_93 : memref<640x128xf32, #tpu.memory_space<hbm>>) target(%dma_start3A_91 : memref<640x128xf32, #tpu.memory_space<vmem_shared>>) target_semaphore(%run_scoped3A : memref<!tpu.dma_semaphore, #tpu.memory_space<semaphore_mem>>)
      %dma_wait3A_94 = arith.constant 0 : i32
      %dma_wait3A_95 = tpu.memref_slice %arg9[%mul3A_2, %dma_wait3A_94] : memref<10240x128xf32, #tpu.memory_space<vmem_shared>> -> memref<640x128xf32, #tpu.memory_space<vmem_shared>>
      %dma_wait3A_96 = arith.constant 0 : i32
      %dma_wait3A_97 = tpu.memref_slice %arg7[%mul3A_2, %dma_wait3A_96] : memref<10240x128xf32, #tpu.memory_space<hbm>> -> memref<640x128xf32, #tpu.memory_space<hbm>>
      tpu.wait_dma2 semaphore(%run_scoped3A : memref<!tpu.dma_semaphore, #tpu.memory_space<semaphore_mem>>) src(%dma_wait3A_97 : memref<640x128xf32, #tpu.memory_space<hbm>>) dst(%dma_wait3A_95 : memref<640x128xf32, #tpu.memory_space<vmem_shared>>)
      tpu.yield
    }) : () -> ()
    %scan3A = arith.constant 0 : i32
    %scan3A_3 = arith.constant 0 : i32
    %scan3A_4 = arith.constant 40 : i32
    %scan3A_5 = arith.addi %scan3A_3, %scan3A_4 : i32
    %scan3A_6 = arith.constant 1 : i32
    scf.for %scan3A_90 = %scan3A_3 to %scan3A_5 step %scan3A_6  : i32 {
      %broadcast_in_dim3A = arith.constant 0.000000e+00 : f32
      %broadcast_in_dim3A_91 = vector.broadcast %broadcast_in_dim3A : f32 to vector<16xf32>
      %swap3A = arith.index_cast %scan3A_90 : i32 to index
      %swap3A_92 = arith.constant 80 : index
      %swap3A_93 = tpu.vector_load %arg15[%swap3A, %swap3A_92] {strides = array<i32>} : memref<40x128xf32, #tpu.memory_space<vmem>>, vector<1x16xf32>,
      %swap3A_94 = vector.shape_cast %swap3A_93 : vector<1x16xf32> to vector<16xf32>
      %swap3A_95 = vector.shape_cast %broadcast_in_dim3A_91 : vector<16xf32> to vector<1x16xf32>
      tpu.vector_store %arg15[%swap3A, %swap3A_92], %swap3A_95 {strides = array<i32>} : memref<40x128xf32, #tpu.memory_space<vmem>>, vector<1x16xf32>,
      %broadcast_in_dim3A_96 = arith.constant 0.000000e+00 : f32
      %broadcast_in_dim3A_97 = vector.broadcast %broadcast_in_dim3A_96 : f32 to vector<16xf32>
      %swap3A_98 = arith.index_cast %scan3A_90 : i32 to index
      %swap3A_99 = arith.constant 96 : index
      %swap3A_100 = tpu.vector_load %arg15[%swap3A_98, %swap3A_99] {strides = array<i32>} : memref<40x128xf32, #tpu.memory_space<vmem>>, vector<1x16xf32>,
      %swap3A_101 = vector.shape_cast %swap3A_100 : vector<1x16xf32> to vector<16xf32>
      %swap3A_102 = vector.shape_cast %broadcast_in_dim3A_97 : vector<16xf32> to vector<1x16xf32>
      tpu.vector_store %arg15[%swap3A_98, %swap3A_99], %swap3A_102 {strides = array<i32>} : memref<40x128xf32, #tpu.memory_space<vmem>>, vector<1x16xf32>,
      %broadcast_in_dim3A_103 = arith.constant 0.000000e+00 : f32
      %broadcast_in_dim3A_104 = vector.broadcast %broadcast_in_dim3A_103 : f32 to vector<16xf32>
      %swap3A_105 = arith.index_cast %scan3A_90 : i32 to index
      %swap3A_106 = arith.constant 112 : index
      %swap3A_107 = tpu.vector_load %arg15[%swap3A_105, %swap3A_106] {strides = array<i32>} : memref<40x128xf32, #tpu.memory_space<vmem>>, vector<1x16xf32>,
      %swap3A_108 = vector.shape_cast %swap3A_107 : vector<1x16xf32> to vector<16xf32>
      %swap3A_109 = vector.shape_cast %broadcast_in_dim3A_104 : vector<16xf32> to vector<1x16xf32>
      tpu.vector_store %arg15[%swap3A_105, %swap3A_106], %swap3A_109 {strides = array<i32>} : memref<40x128xf32, #tpu.memory_space<vmem>>, vector<1x16xf32>,
    }
    %scan3A_7 = arith.constant 40 : i32
    %barrier3A = arith.constant 0 : index
    tpu.barrier barrier_id(%barrier3A)
    %mul3A_8 = arith.constant 10000 : i32
    %mul3A_9 = arith.muli %add3A, %mul3A_8 : i32
    %add3A_10 = arith.constant 0 : i32
    %add3A_11 = arith.addi %mul3A_9, %add3A_10 : i32
    %dma_start3A = arith.constant 0 : i32
    %dma_start3A_12 = arith.constant 0 : i32
    %dma_start3A_13 = tpu.memref_slice %arg10[%dma_start3A, %dma_start3A_12] : memref<2x40xi32, #tpu.memory_space<vmem>> -> memref<1x40xi32, #tpu.memory_space<vmem>>
    %dma_start3A_14 = tpu.memref_squeeze %dma_start3A_13 : memref<1x40xi32, #tpu.memory_space<vmem>> -> memref<40xi32, #tpu.memory_space<vmem>>
    %dma_start3A_15 = tpu.memref_slice %arg5[%add3A_11] : memref<320000xi32, #tpu.memory_space<hbm>> -> memref<40xi32, #tpu.memory_space<hbm>>
    %dma_start3A_16 = arith.constant 0 : i32
    %dma_start3A_17 = tpu.memref_slice %arg10[%dma_start3A, %dma_start3A_16] : memref<2x40xi32, #tpu.memory_space<vmem>> -> memref<1x40xi32, #tpu.memory_space<vmem>>
    %dma_start3A_18 = tpu.memref_squeeze %dma_start3A_17 : memref<1x40xi32, #tpu.memory_space<vmem>> -> memref<40xi32, #tpu.memory_space<vmem>>
    %dma_start3A_19 = tpu.memref_slice %arg5[%add3A_11] : memref<320000xi32, #tpu.memory_space<hbm>> -> memref<40xi32, #tpu.memory_space<hbm>>
    tpu.enqueue_dma source(%dma_start3A_19 : memref<40xi32, #tpu.memory_space<hbm>>) target(%dma_start3A_18 : memref<40xi32, #tpu.memory_space<vmem>>) target_semaphore(%arg18 : memref<!tpu.dma_semaphore, #tpu.memory_space<semaphore_mem>>)
    %dma_start3A_20 = arith.constant 0 : i32
    %dma_start3A_21 = arith.constant 0 : i32
    %dma_start3A_22 = tpu.memref_slice %arg11[%dma_start3A_20, %dma_start3A_21] : memref<2x40xi32, #tpu.memory_space<vmem>> -> memref<1x40xi32, #tpu.memory_space<vmem>>
    %dma_start3A_23 = tpu.memref_squeeze %dma_start3A_22 : memref<1x40xi32, #tpu.memory_space<vmem>> -> memref<40xi32, #tpu.memory_space<vmem>>
    %dma_start3A_24 = tpu.memref_slice %arg6[%add3A_11] : memref<320000xi32, #tpu.memory_space<hbm>> -> memref<40xi32, #tpu.memory_space<hbm>>
    %dma_start3A_25 = arith.constant 0 : i32
    %dma_start3A_26 = tpu.memref_slice %arg11[%dma_start3A_20, %dma_start3A_25] : memref<2x40xi32, #tpu.memory_space<vmem>> -> memref<1x40xi32, #tpu.memory_space<vmem>>
    %dma_start3A_27 = tpu.memref_squeeze %dma_start3A_26 : memref<1x40xi32, #tpu.memory_space<vmem>> -> memref<40xi32, #tpu.memory_space<vmem>>
    %dma_start3A_28 = tpu.memref_slice %arg6[%add3A_11] : memref<320000xi32, #tpu.memory_space<hbm>> -> memref<40xi32, #tpu.memory_space<hbm>>
    tpu.enqueue_dma source(%dma_start3A_28 : memref<40xi32, #tpu.memory_space<hbm>>) target(%dma_start3A_27 : memref<40xi32, #tpu.memory_space<vmem>>) target_semaphore(%arg18 : memref<!tpu.dma_semaphore, #tpu.memory_space<semaphore_mem>>)
    %dma_wait3A = arith.constant 0 : i32
    %dma_wait3A_29 = arith.constant 0 : i32
    %dma_wait3A_30 = tpu.memref_slice %arg10[%dma_wait3A, %dma_wait3A_29] : memref<2x40xi32, #tpu.memory_space<vmem>> -> memref<1x40xi32, #tpu.memory_space<vmem>>
    %dma_wait3A_31 = tpu.memref_squeeze %dma_wait3A_30 : memref<1x40xi32, #tpu.memory_space<vmem>> -> memref<40xi32, #tpu.memory_space<vmem>>
    %dma_wait3A_32 = tpu.memref_slice %arg5[%add3A_11] : memref<320000xi32, #tpu.memory_space<hbm>> -> memref<40xi32, #tpu.memory_space<hbm>>
    %dma_wait3A_33 = arith.constant 0 : i32
    %dma_wait3A_34 = tpu.memref_slice %arg10[%dma_wait3A, %dma_wait3A_33] : memref<2x40xi32, #tpu.memory_space<vmem>> -> memref<1x40xi32, #tpu.memory_space<vmem>>
    %dma_wait3A_35 = tpu.memref_squeeze %dma_wait3A_34 : memref<1x40xi32, #tpu.memory_space<vmem>> -> memref<40xi32, #tpu.memory_space<vmem>>
    %dma_wait3A_36 = tpu.memref_slice %arg5[%add3A_11] : memref<320000xi32, #tpu.memory_space<hbm>> -> memref<40xi32, #tpu.memory_space<hbm>>
    tpu.wait_dma2 semaphore(%arg18 : memref<!tpu.dma_semaphore, #tpu.memory_space<semaphore_mem>>) src(%dma_wait3A_36 : memref<40xi32, #tpu.memory_space<hbm>>) dst(%dma_wait3A_35 : memref<40xi32, #tpu.memory_space<vmem>>)
    %dma_wait3A_37 = arith.constant 0 : i32
    %dma_wait3A_38 = arith.constant 0 : i32
    %dma_wait3A_39 = tpu.memref_slice %arg11[%dma_wait3A_37, %dma_wait3A_38] : memref<2x40xi32, #tpu.memory_space<vmem>> -> memref<1x40xi32, #tpu.memory_space<vmem>>
    %dma_wait3A_40 = tpu.memref_squeeze %dma_wait3A_39 : memref<1x40xi32, #tpu.memory_space<vmem>> -> memref<40xi32, #tpu.memory_space<vmem>>
    %dma_wait3A_41 = tpu.memref_slice %arg6[%add3A_11] : memref<320000xi32, #tpu.memory_space<hbm>> -> memref<40xi32, #tpu.memory_space<hbm>>
    %dma_wait3A_42 = arith.constant 0 : i32
    %dma_wait3A_43 = tpu.memref_slice %arg11[%dma_wait3A_37, %dma_wait3A_42] : memref<2x40xi32, #tpu.memory_space<vmem>> -> memref<1x40xi32, #tpu.memory_space<vmem>>
    %dma_wait3A_44 = tpu.memref_squeeze %dma_wait3A_43 : memref<1x40xi32, #tpu.memory_space<vmem>> -> memref<40xi32, #tpu.memory_space<vmem>>
    %dma_wait3A_45 = tpu.memref_slice %arg6[%add3A_11] : memref<320000xi32, #tpu.memory_space<hbm>> -> memref<40xi32, #tpu.memory_space<hbm>>
    tpu.wait_dma2 semaphore(%arg18 : memref<!tpu.dma_semaphore, #tpu.memory_space<semaphore_mem>>) src(%dma_wait3A_45 : memref<40xi32, #tpu.memory_space<hbm>>) dst(%dma_wait3A_44 : memref<40xi32, #tpu.memory_space<vmem>>)
    %dma_start3A_46 = arith.constant 0 : i32
    %dma_start3A_47 = arith.constant 0 : i32
    %dma_start3A_48 = arith.constant 0 : i32
    %dma_start3A_49 = arith.constant 0 : i32
    %dma_start3A_50 = tpu.memref_slice %arg12[%dma_start3A_47, %dma_start3A_48, %dma_start3A_49] : memref<2x40x128xf32, #tpu.memory_space<vmem>> -> memref<1x40x128xf32, #tpu.memory_space<vmem>>
    %dma_start3A_51 = tpu.memref_squeeze %dma_start3A_50 : memref<1x40x128xf32, #tpu.memory_space<vmem>> -> memref<40x128xf32, #tpu.memory_space<vmem>>
    %dma_start3A_52 = arith.constant 0 : i32
    %dma_start3A_53 = tpu.memref_slice %arg10[%dma_start3A_46, %dma_start3A_52] : memref<2x40xi32, #tpu.memory_space<vmem>> -> memref<1x40xi32, #tpu.memory_space<vmem>>
    %dma_start3A_54 = tpu.memref_squeeze %dma_start3A_53 : memref<1x40xi32, #tpu.memory_space<vmem>> -> memref<40xi32, #tpu.memory_space<vmem>>
    %dma_start3A_55 = arith.constant 0 : i32
    %dma_start3A_56 = arith.constant 0 : i32
    %dma_start3A_57 = tpu.memref_slice %arg3[%dma_start3A_55, %dma_start3A_56] : memref<10000x128xf32, #tpu.memory_space<hbm>> -> memref<10000x128xf32, #tpu.memory_space<hbm>>
    tpu.enqueue_indirect_dma source(%dma_start3A_57 : memref<10000x128xf32, #tpu.memory_space<hbm>>) target(%dma_start3A_51 : memref<40x128xf32, #tpu.memory_space<vmem>>) offsets(%dma_start3A_54 : memref<40xi32, #tpu.memory_space<vmem>>) semaphore(%arg16 : memref<!tpu.dma_semaphore, #tpu.memory_space<semaphore_mem>>)
    %dma_start3A_58 = arith.constant 0 : i32
    %dma_start3A_59 = arith.constant 0 : i32
    %dma_start3A_60 = arith.constant 0 : i32
    %dma_start3A_61 = arith.constant 0 : i32
    %dma_start3A_62 = tpu.memref_slice %arg13[%dma_start3A_59, %dma_start3A_60, %dma_start3A_61] : memref<2x40x128xf32, #tpu.memory_space<vmem>> -> memref<1x40x128xf32, #tpu.memory_space<vmem>>
    %dma_start3A_63 = tpu.memref_squeeze %dma_start3A_62 : memref<1x40x128xf32, #tpu.memory_space<vmem>> -> memref<40x128xf32, #tpu.memory_space<vmem>>
    %dma_start3A_64 = arith.constant 0 : i32
    %dma_start3A_65 = tpu.memref_slice %arg11[%dma_start3A_58, %dma_start3A_64] : memref<2x40xi32, #tpu.memory_space<vmem>> -> memref<1x40xi32, #tpu.memory_space<vmem>>
    %dma_start3A_66 = tpu.memref_squeeze %dma_start3A_65 : memref<1x40xi32, #tpu.memory_space<vmem>> -> memref<40xi32, #tpu.memory_space<vmem>>
    %dma_start3A_67 = arith.constant 0 : i32
    %dma_start3A_68 = arith.constant 0 : i32
    %dma_start3A_69 = tpu.memref_slice %arg2[%dma_start3A_67, %dma_start3A_68] : memref<10000x128xf32, #tpu.memory_space<hbm>> -> memref<10000x128xf32, #tpu.memory_space<hbm>>
    tpu.enqueue_indirect_dma source(%dma_start3A_69 : memref<10000x128xf32, #tpu.memory_space<hbm>>) target(%dma_start3A_63 : memref<40x128xf32, #tpu.memory_space<vmem>>) offsets(%dma_start3A_66 : memref<40xi32, #tpu.memory_space<vmem>>) semaphore(%arg16 : memref<!tpu.dma_semaphore, #tpu.memory_space<semaphore_mem>>)
    %dma_start3A_70 = arith.constant 0 : i32
    %dma_start3A_71 = arith.constant 0 : i32
    %dma_start3A_72 = arith.constant 0 : i32
    %dma_start3A_73 = tpu.memref_slice %arg14[%dma_start3A_70, %dma_start3A_71, %dma_start3A_72] : memref<2x40x64xf32, #tpu.memory_space<vmem>> -> memref<1x40x64xf32, #tpu.memory_space<vmem>>
    %dma_start3A_74 = tpu.memref_squeeze %dma_start3A_73 : memref<1x40x64xf32, #tpu.memory_space<vmem>> -> memref<40x64xf32, #tpu.memory_space<vmem>>
    %dma_start3A_75 = arith.constant 0 : i32
    %dma_start3A_76 = tpu.memref_slice %arg4[%add3A_11, %dma_start3A_75] : memref<320000x64xf32, #tpu.memory_space<hbm>> -> memref<40x64xf32, #tpu.memory_space<hbm>>
    %dma_start3A_77 = arith.constant 0 : i32
    %dma_start3A_78 = arith.constant 0 : i32
    %dma_start3A_79 = tpu.memref_slice %arg14[%dma_start3A_70, %dma_start3A_77, %dma_start3A_78] : memref<2x40x64xf32, #tpu.memory_space<vmem>> -> memref<1x40x64xf32, #tpu.memory_space<vmem>>
    %dma_start3A_80 = tpu.memref_squeeze %dma_start3A_79 : memref<1x40x64xf32, #tpu.memory_space<vmem>> -> memref<40x64xf32, #tpu.memory_space<vmem>>
    %dma_start3A_81 = arith.constant 0 : i32
    %dma_start3A_82 = tpu.memref_slice %arg4[%add3A_11, %dma_start3A_81] : memref<320000x64xf32, #tpu.memory_space<hbm>> -> memref<40x64xf32, #tpu.memory_space<hbm>>
    tpu.enqueue_dma source(%dma_start3A_82 : memref<40x64xf32, #tpu.memory_space<hbm>>) target(%dma_start3A_80 : memref<40x64xf32, #tpu.memory_space<vmem>>) target_semaphore(%arg16 : memref<!tpu.dma_semaphore, #tpu.memory_space<semaphore_mem>>)
    %scan3A_83 = arith.constant 0 : i32
    %scan3A_84 = arith.constant 0 : i32
    %scan3A_85 = arith.constant 125 : i32
    %scan3A_86 = arith.addi %scan3A_84, %scan3A_85 : i32
    %scan3A_87 = arith.constant 1 : i32
    scf.for %scan3A_90 = %scan3A_84 to %scan3A_86 step %scan3A_87  : i32 {
      %mul3A_91 = arith.constant 2 : i32
      %mul3A_92 = arith.muli %mul3A_91, %scan3A_90 : i32
      %add3A_93 = arith.constant 1 : i32
      %add3A_94 = arith.addi %mul3A_92, %add3A_93 : i32
      %lt3A = arith.constant 250 : i32
      %lt3A_95 = arith.cmpi slt, %add3A_94, %lt3A : i32
      %convert_element_type3A = arith.extui %lt3A_95 : i1 to i32
      %cond3A = arith.constant 0 : i32
      %cond3A_96 = arith.cmpi ne, %convert_element_type3A, %cond3A : i32
      scf.if %cond3A_96 {
        %add3A_162 = arith.constant 1 : i32
        %add3A_163 = arith.addi %mul3A_92, %add3A_162 : i32
        %mul3A_164 = arith.constant 40 : i32
        %mul3A_165 = arith.muli %add3A_163, %mul3A_164 : i32
        %add3A_166 = arith.addi %mul3A_9, %mul3A_165 : i32
        %dma_start3A_167 = arith.constant 1 : i32
        %dma_start3A_168 = arith.constant 0 : i32
        %dma_start3A_169 = tpu.memref_slice %arg10[%dma_start3A_167, %dma_start3A_168] : memref<2x40xi32, #tpu.memory_space<vmem>> -> memref<1x40xi32, #tpu.memory_space<vmem>>
        %dma_start3A_170 = tpu.memref_squeeze %dma_start3A_169 : memref<1x40xi32, #tpu.memory_space<vmem>> -> memref<40xi32, #tpu.memory_space<vmem>>
        %dma_start3A_171 = tpu.memref_slice %arg5[%add3A_166] : memref<320000xi32, #tpu.memory_space<hbm>> -> memref<40xi32, #tpu.memory_space<hbm>>
        %dma_start3A_172 = arith.constant 0 : i32
        %dma_start3A_173 = tpu.memref_slice %arg10[%dma_start3A_167, %dma_start3A_172] : memref<2x40xi32, #tpu.memory_space<vmem>> -> memref<1x40xi32, #tpu.memory_space<vmem>>
        %dma_start3A_174 = tpu.memref_squeeze %dma_start3A_173 : memref<1x40xi32, #tpu.memory_space<vmem>> -> memref<40xi32, #tpu.memory_space<vmem>>
        %dma_start3A_175 = tpu.memref_slice %arg5[%add3A_166] : memref<320000xi32, #tpu.memory_space<hbm>> -> memref<40xi32, #tpu.memory_space<hbm>>
        tpu.enqueue_dma source(%dma_start3A_175 : memref<40xi32, #tpu.memory_space<hbm>>) target(%dma_start3A_174 : memref<40xi32, #tpu.memory_space<vmem>>) target_semaphore(%arg19 : memref<!tpu.dma_semaphore, #tpu.memory_space<semaphore_mem>>)
        %dma_start3A_176 = arith.constant 1 : i32
        %dma_start3A_177 = arith.constant 0 : i32
        %dma_start3A_178 = tpu.memref_slice %arg11[%dma_start3A_176, %dma_start3A_177] : memref<2x40xi32, #tpu.memory_space<vmem>> -> memref<1x40xi32, #tpu.memory_space<vmem>>
        %dma_start3A_179 = tpu.memref_squeeze %dma_start3A_178 : memref<1x40xi32, #tpu.memory_space<vmem>> -> memref<40xi32, #tpu.memory_space<vmem>>
        %dma_start3A_180 = tpu.memref_slice %arg6[%add3A_166] : memref<320000xi32, #tpu.memory_space<hbm>> -> memref<40xi32, #tpu.memory_space<hbm>>
        %dma_start3A_181 = arith.constant 0 : i32
        %dma_start3A_182 = tpu.memref_slice %arg11[%dma_start3A_176, %dma_start3A_181] : memref<2x40xi32, #tpu.memory_space<vmem>> -> memref<1x40xi32, #tpu.memory_space<vmem>>
        %dma_start3A_183 = tpu.memref_squeeze %dma_start3A_182 : memref<1x40xi32, #tpu.memory_space<vmem>> -> memref<40xi32, #tpu.memory_space<vmem>>
        %dma_start3A_184 = tpu.memref_slice %arg6[%add3A_166] : memref<320000xi32, #tpu.memory_space<hbm>> -> memref<40xi32, #tpu.memory_space<hbm>>
        tpu.enqueue_dma source(%dma_start3A_184 : memref<40xi32, #tpu.memory_space<hbm>>) target(%dma_start3A_183 : memref<40xi32, #tpu.memory_space<vmem>>) target_semaphore(%arg19 : memref<!tpu.dma_semaphore, #tpu.memory_space<semaphore_mem>>)
        %dma_wait3A_185 = arith.constant 1 : i32
        %dma_wait3A_186 = arith.constant 0 : i32
        %dma_wait3A_187 = tpu.memref_slice %arg10[%dma_wait3A_185, %dma_wait3A_186] : memref<2x40xi32, #tpu.memory_space<vmem>> -> memref<1x40xi32, #tpu.memory_space<vmem>>
        %dma_wait3A_188 = tpu.memref_squeeze %dma_wait3A_187 : memref<1x40xi32, #tpu.memory_space<vmem>> -> memref<40xi32, #tpu.memory_space<vmem>>
        %dma_wait3A_189 = tpu.memref_slice %arg5[%add3A_166] : memref<320000xi32, #tpu.memory_space<hbm>> -> memref<40xi32, #tpu.memory_space<hbm>>
        %dma_wait3A_190 = arith.constant 0 : i32
        %dma_wait3A_191 = tpu.memref_slice %arg10[%dma_wait3A_185, %dma_wait3A_190] : memref<2x40xi32, #tpu.memory_space<vmem>> -> memref<1x40xi32, #tpu.memory_space<vmem>>
        %dma_wait3A_192 = tpu.memref_squeeze %dma_wait3A_191 : memref<1x40xi32, #tpu.memory_space<vmem>> -> memref<40xi32, #tpu.memory_space<vmem>>
        %dma_wait3A_193 = tpu.memref_slice %arg5[%add3A_166] : memref<320000xi32, #tpu.memory_space<hbm>> -> memref<40xi32, #tpu.memory_space<hbm>>
        tpu.wait_dma2 semaphore(%arg19 : memref<!tpu.dma_semaphore, #tpu.memory_space<semaphore_mem>>) src(%dma_wait3A_193 : memref<40xi32, #tpu.memory_space<hbm>>) dst(%dma_wait3A_192 : memref<40xi32, #tpu.memory_space<vmem>>)
        %dma_wait3A_194 = arith.constant 1 : i32
        %dma_wait3A_195 = arith.constant 0 : i32
        %dma_wait3A_196 = tpu.memref_slice %arg11[%dma_wait3A_194, %dma_wait3A_195] : memref<2x40xi32, #tpu.memory_space<vmem>> -> memref<1x40xi32, #tpu.memory_space<vmem>>
        %dma_wait3A_197 = tpu.memref_squeeze %dma_wait3A_196 : memref<1x40xi32, #tpu.memory_space<vmem>> -> memref<40xi32, #tpu.memory_space<vmem>>
        %dma_wait3A_198 = tpu.memref_slice %arg6[%add3A_166] : memref<320000xi32, #tpu.memory_space<hbm>> -> memref<40xi32, #tpu.memory_space<hbm>>
        %dma_wait3A_199 = arith.constant 0 : i32
        %dma_wait3A_200 = tpu.memref_slice %arg11[%dma_wait3A_194, %dma_wait3A_199] : memref<2x40xi32, #tpu.memory_space<vmem>> -> memref<1x40xi32, #tpu.memory_space<vmem>>
        %dma_wait3A_201 = tpu.memref_squeeze %dma_wait3A_200 : memref<1x40xi32, #tpu.memory_space<vmem>> -> memref<40xi32, #tpu.memory_space<vmem>>
        %dma_wait3A_202 = tpu.memref_slice %arg6[%add3A_166] : memref<320000xi32, #tpu.memory_space<hbm>> -> memref<40xi32, #tpu.memory_space<hbm>>
        tpu.wait_dma2 semaphore(%arg19 : memref<!tpu.dma_semaphore, #tpu.memory_space<semaphore_mem>>) src(%dma_wait3A_202 : memref<40xi32, #tpu.memory_space<hbm>>) dst(%dma_wait3A_201 : memref<40xi32, #tpu.memory_space<vmem>>)
        %dma_start3A_203 = arith.constant 1 : i32
        %dma_start3A_204 = arith.constant 1 : i32
        %dma_start3A_205 = arith.constant 0 : i32
        %dma_start3A_206 = arith.constant 0 : i32
        %dma_start3A_207 = tpu.memref_slice %arg12[%dma_start3A_204, %dma_start3A_205, %dma_start3A_206] : memref<2x40x128xf32, #tpu.memory_space<vmem>> -> memref<1x40x128xf32, #tpu.memory_space<vmem>>
        %dma_start3A_208 = tpu.memref_squeeze %dma_start3A_207 : memref<1x40x128xf32, #tpu.memory_space<vmem>> -> memref<40x128xf32, #tpu.memory_space<vmem>>
        %dma_start3A_209 = arith.constant 0 : i32
        %dma_start3A_210 = tpu.memref_slice %arg10[%dma_start3A_203, %dma_start3A_209] : memref<2x40xi32, #tpu.memory_space<vmem>> -> memref<1x40xi32, #tpu.memory_space<vmem>>
        %dma_start3A_211 = tpu.memref_squeeze %dma_start3A_210 : memref<1x40xi32, #tpu.memory_space<vmem>> -> memref<40xi32, #tpu.memory_space<vmem>>
        %dma_start3A_212 = arith.constant 0 : i32
        %dma_start3A_213 = arith.constant 0 : i32
        %dma_start3A_214 = tpu.memref_slice %arg3[%dma_start3A_212, %dma_start3A_213] : memref<10000x128xf32, #tpu.memory_space<hbm>> -> memref<10000x128xf32, #tpu.memory_space<hbm>>
        tpu.enqueue_indirect_dma source(%dma_start3A_214 : memref<10000x128xf32, #tpu.memory_space<hbm>>) target(%dma_start3A_208 : memref<40x128xf32, #tpu.memory_space<vmem>>) offsets(%dma_start3A_211 : memref<40xi32, #tpu.memory_space<vmem>>) semaphore(%arg17 : memref<!tpu.dma_semaphore, #tpu.memory_space<semaphore_mem>>)
        %dma_start3A_215 = arith.constant 1 : i32
        %dma_start3A_216 = arith.constant 1 : i32
        %dma_start3A_217 = arith.constant 0 : i32
        %dma_start3A_218 = arith.constant 0 : i32
        %dma_start3A_219 = tpu.memref_slice %arg13[%dma_start3A_216, %dma_start3A_217, %dma_start3A_218] : memref<2x40x128xf32, #tpu.memory_space<vmem>> -> memref<1x40x128xf32, #tpu.memory_space<vmem>>
        %dma_start3A_220 = tpu.memref_squeeze %dma_start3A_219 : memref<1x40x128xf32, #tpu.memory_space<vmem>> -> memref<40x128xf32, #tpu.memory_space<vmem>>
        %dma_start3A_221 = arith.constant 0 : i32
        %dma_start3A_222 = tpu.memref_slice %arg11[%dma_start3A_215, %dma_start3A_221] : memref<2x40xi32, #tpu.memory_space<vmem>> -> memref<1x40xi32, #tpu.memory_space<vmem>>
        %dma_start3A_223 = tpu.memref_squeeze %dma_start3A_222 : memref<1x40xi32, #tpu.memory_space<vmem>> -> memref<40xi32, #tpu.memory_space<vmem>>
        %dma_start3A_224 = arith.constant 0 : i32
        %dma_start3A_225 = arith.constant 0 : i32
        %dma_start3A_226 = tpu.memref_slice %arg2[%dma_start3A_224, %dma_start3A_225] : memref<10000x128xf32, #tpu.memory_space<hbm>> -> memref<10000x128xf32, #tpu.memory_space<hbm>>
        tpu.enqueue_indirect_dma source(%dma_start3A_226 : memref<10000x128xf32, #tpu.memory_space<hbm>>) target(%dma_start3A_220 : memref<40x128xf32, #tpu.memory_space<vmem>>) offsets(%dma_start3A_223 : memref<40xi32, #tpu.memory_space<vmem>>) semaphore(%arg17 : memref<!tpu.dma_semaphore, #tpu.memory_space<semaphore_mem>>)
        %dma_start3A_227 = arith.constant 1 : i32
        %dma_start3A_228 = arith.constant 0 : i32
        %dma_start3A_229 = arith.constant 0 : i32
        %dma_start3A_230 = tpu.memref_slice %arg14[%dma_start3A_227, %dma_start3A_228, %dma_start3A_229] : memref<2x40x64xf32, #tpu.memory_space<vmem>> -> memref<1x40x64xf32, #tpu.memory_space<vmem>>
        %dma_start3A_231 = tpu.memref_squeeze %dma_start3A_230 : memref<1x40x64xf32, #tpu.memory_space<vmem>> -> memref<40x64xf32, #tpu.memory_space<vmem>>
        %dma_start3A_232 = arith.constant 0 : i32
        %dma_start3A_233 = tpu.memref_slice %arg4[%add3A_166, %dma_start3A_232] : memref<320000x64xf32, #tpu.memory_space<hbm>> -> memref<40x64xf32, #tpu.memory_space<hbm>>
        %dma_start3A_234 = arith.constant 0 : i32
        %dma_start3A_235 = arith.constant 0 : i32
        %dma_start3A_236 = tpu.memref_slice %arg14[%dma_start3A_227, %dma_start3A_234, %dma_start3A_235] : memref<2x40x64xf32, #tpu.memory_space<vmem>> -> memref<1x40x64xf32, #tpu.memory_space<vmem>>
        %dma_start3A_237 = tpu.memref_squeeze %dma_start3A_236 : memref<1x40x64xf32, #tpu.memory_space<vmem>> -> memref<40x64xf32, #tpu.memory_space<vmem>>
        %dma_start3A_238 = arith.constant 0 : i32
        %dma_start3A_239 = tpu.memref_slice %arg4[%add3A_166, %dma_start3A_238] : memref<320000x64xf32, #tpu.memory_space<hbm>> -> memref<40x64xf32, #tpu.memory_space<hbm>>
        tpu.enqueue_dma source(%dma_start3A_239 : memref<40x64xf32, #tpu.memory_space<hbm>>) target(%dma_start3A_237 : memref<40x64xf32, #tpu.memory_space<vmem>>) target_semaphore(%arg17 : memref<!tpu.dma_semaphore, #tpu.memory_space<semaphore_mem>>)
      } else {
      }
      %dma_wait3A_97 = arith.constant 0 : i32
      %dma_wait3A_98 = arith.constant 0 : i32
      %dma_wait3A_99 = arith.constant 0 : i32
      %dma_wait3A_100 = tpu.memref_slice %arg12[%dma_wait3A_97, %dma_wait3A_98, %dma_wait3A_99] : memref<2x40x128xf32, #tpu.memory_space<vmem>> -> memref<1x40x128xf32, #tpu.memory_space<vmem>>
      %dma_wait3A_101 = tpu.memref_squeeze %dma_wait3A_100 : memref<1x40x128xf32, #tpu.memory_space<vmem>> -> memref<40x128xf32, #tpu.memory_space<vmem>>
      %dma_wait3A_102 = arith.constant 0 : i32
      %dma_wait3A_103 = arith.constant 0 : i32
      %dma_wait3A_104 = tpu.memref_slice %arg3[%dma_wait3A_102, %dma_wait3A_103] : memref<10000x128xf32, #tpu.memory_space<hbm>> -> memref<40x128xf32, #tpu.memory_space<hbm>>
      %dma_wait3A_105 = arith.constant 0 : i32
      %dma_wait3A_106 = arith.constant 0 : i32
      %dma_wait3A_107 = tpu.memref_slice %arg12[%dma_wait3A_97, %dma_wait3A_105, %dma_wait3A_106] : memref<2x40x128xf32, #tpu.memory_space<vmem>> -> memref<1x40x128xf32, #tpu.memory_space<vmem>>
      %dma_wait3A_108 = tpu.memref_squeeze %dma_wait3A_107 : memref<1x40x128xf32, #tpu.memory_space<vmem>> -> memref<40x128xf32, #tpu.memory_space<vmem>>
      %dma_wait3A_109 = arith.constant 0 : i32
      %dma_wait3A_110 = arith.constant 0 : i32
      %dma_wait3A_111 = tpu.memref_slice %arg3[%dma_wait3A_109, %dma_wait3A_110] : memref<10000x128xf32, #tpu.memory_space<hbm>> -> memref<40x128xf32, #tpu.memory_space<hbm>>
      tpu.wait_dma2 semaphore(%arg16 : memref<!tpu.dma_semaphore, #tpu.memory_space<semaphore_mem>>) src(%dma_wait3A_111 : memref<40x128xf32, #tpu.memory_space<hbm>>) dst(%dma_wait3A_108 : memref<40x128xf32, #tpu.memory_space<vmem>>)
      %dma_wait3A_112 = arith.constant 0 : i32
      %dma_wait3A_113 = arith.constant 0 : i32
      %dma_wait3A_114 = arith.constant 0 : i32
      %dma_wait3A_115 = tpu.memref_slice %arg13[%dma_wait3A_112, %dma_wait3A_113, %dma_wait3A_114] : memref<2x40x128xf32, #tpu.memory_space<vmem>> -> memref<1x40x128xf32, #tpu.memory_space<vmem>>
      %dma_wait3A_116 = tpu.memref_squeeze %dma_wait3A_115 : memref<1x40x128xf32, #tpu.memory_space<vmem>> -> memref<40x128xf32, #tpu.memory_space<vmem>>
      %dma_wait3A_117 = arith.constant 0 : i32
      %dma_wait3A_118 = arith.constant 0 : i32
      %dma_wait3A_119 = tpu.memref_slice %arg2[%dma_wait3A_117, %dma_wait3A_118] : memref<10000x128xf32, #tpu.memory_space<hbm>> -> memref<40x128xf32, #tpu.memory_space<hbm>>
      %dma_wait3A_120 = arith.constant 0 : i32
      %dma_wait3A_121 = arith.constant 0 : i32
      %dma_wait3A_122 = tpu.memref_slice %arg13[%dma_wait3A_112, %dma_wait3A_120, %dma_wait3A_121] : memref<2x40x128xf32, #tpu.memory_space<vmem>> -> memref<1x40x128xf32, #tpu.memory_space<vmem>>
      %dma_wait3A_123 = tpu.memref_squeeze %dma_wait3A_122 : memref<1x40x128xf32, #tpu.memory_space<vmem>> -> memref<40x128xf32, #tpu.memory_space<vmem>>
      %dma_wait3A_124 = arith.constant 0 : i32
      %dma_wait3A_125 = arith.constant 0 : i32
      %dma_wait3A_126 = tpu.memref_slice %arg2[%dma_wait3A_124, %dma_wait3A_125] : memref<10000x128xf32, #tpu.memory_space<hbm>> -> memref<40x128xf32, #tpu.memory_space<hbm>>
      tpu.wait_dma2 semaphore(%arg16 : memref<!tpu.dma_semaphore, #tpu.memory_space<semaphore_mem>>) src(%dma_wait3A_126 : memref<40x128xf32, #tpu.memory_space<hbm>>) dst(%dma_wait3A_123 : memref<40x128xf32, #tpu.memory_space<vmem>>)
      %dma_wait3A_127 = arith.constant 0 : i32
      %dma_wait3A_128 = arith.constant 0 : i32
      %dma_wait3A_129 = arith.constant 0 : i32
      %dma_wait3A_130 = tpu.memref_slice %arg14[%dma_wait3A_127, %dma_wait3A_128, %dma_wait3A_129] : memref<2x40x64xf32, #tpu.memory_space<vmem>> -> memref<1x40x64xf32, #tpu.memory_space<vmem>>
      %dma_wait3A_131 = tpu.memref_squeeze %dma_wait3A_130 : memref<1x40x64xf32, #tpu.memory_space<vmem>> -> memref<40x64xf32, #tpu.memory_space<vmem>>
      %dma_wait3A_132 = arith.constant 0 : i32
      %dma_wait3A_133 = arith.constant 0 : i32
      %dma_wait3A_134 = tpu.memref_slice %arg4[%dma_wait3A_132, %dma_wait3A_133] : memref<320000x64xf32, #tpu.memory_space<hbm>> -> memref<40x64xf32, #tpu.memory_space<hbm>>
      %dma_wait3A_135 = arith.constant 0 : i32
      %dma_wait3A_136 = arith.constant 0 : i32
      %dma_wait3A_137 = tpu.memref_slice %arg14[%dma_wait3A_127, %dma_wait3A_135, %dma_wait3A_136] : memref<2x40x64xf32, #tpu.memory_space<vmem>> -> memref<1x40x64xf32, #tpu.memory_space<vmem>>
      %dma_wait3A_138 = tpu.memref_squeeze %dma_wait3A_137 : memref<1x40x64xf32, #tpu.memory_space<vmem>> -> memref<40x64xf32, #tpu.memory_space<vmem>>
      %dma_wait3A_139 = arith.constant 0 : i32
      %dma_wait3A_140 = arith.constant 0 : i32
      %dma_wait3A_141 = tpu.memref_slice %arg4[%dma_wait3A_139, %dma_wait3A_140] : memref<320000x64xf32, #tpu.memory_space<hbm>> -> memref<40x64xf32, #tpu.memory_space<hbm>>
      tpu.wait_dma2 semaphore(%arg16 : memref<!tpu.dma_semaphore, #tpu.memory_space<semaphore_mem>>) src(%dma_wait3A_141 : memref<40x64xf32, #tpu.memory_space<hbm>>) dst(%dma_wait3A_138 : memref<40x64xf32, #tpu.memory_space<vmem>>)
      %scan3A_142 = arith.constant 0 : i32
      %scan3A_143 = arith.constant 0 : i32
      %scan3A_144 = arith.constant 40 : i32
      %scan3A_145 = arith.addi %scan3A_143, %scan3A_144 : i32
      %scan3A_146 = arith.constant 1 : i32
      scf.for %scan3A_162 = %scan3A_143 to %scan3A_145 step %scan3A_146  : i32 {
        %get3A = arith.constant 0 : i32
        %get3A_163 = arith.index_cast %get3A : i32 to index
        %get3A_164 = arith.index_cast %scan3A_162 : i32 to index
        %get3A_165 = arith.constant 0 : index
        %get3A_166 = tpu.vector_load %arg12[%get3A_163, %get3A_164, %get3A_165] {strides = array<i32>} : memref<2x40x128xf32, #tpu.memory_space<vmem>>, vector<1x1x16xf32>,
        %get3A_167 = vector.shape_cast %get3A_166 : vector<1x1x16xf32> to vector<16xf32>
        %get3A_168 = arith.constant 0 : i32
        %get3A_169 = arith.index_cast %get3A_168 : i32 to index
        %get3A_170 = arith.index_cast %scan3A_162 : i32 to index
        %get3A_171 = arith.constant 0 : index
        %get3A_172 = tpu.vector_load %arg13[%get3A_169, %get3A_170, %get3A_171] {strides = array<i32>} : memref<2x40x128xf32, #tpu.memory_space<vmem>>, vector<1x1x16xf32>,
        %get3A_173 = vector.shape_cast %get3A_172 : vector<1x1x16xf32> to vector<16xf32>
        %mul3A_174 = arith.mulf %get3A_167, %get3A_173 : vector<16xf32>
        %get3A_175 = arith.constant 0 : i32
        %get3A_176 = arith.index_cast %get3A_175 : i32 to index
        %get3A_177 = arith.index_cast %scan3A_162 : i32 to index
        %get3A_178 = arith.constant 0 : index
        %get3A_179 = tpu.vector_load %arg14[%get3A_176, %get3A_177, %get3A_178] {strides = array<i32>} : memref<2x40x64xf32, #tpu.memory_space<vmem>>, vector<1x1x16xf32>,
        %get3A_180 = vector.shape_cast %get3A_179 : vector<1x1x16xf32> to vector<16xf32>
        %mul3A_181 = arith.mulf %mul3A_174, %get3A_180 : vector<16xf32>
        %get3A_182 = arith.constant 0 : i32
        %get3A_183 = arith.index_cast %get3A_182 : i32 to index
        %get3A_184 = arith.index_cast %scan3A_162 : i32 to index
        %get3A_185 = arith.constant 16 : index
        %get3A_186 = tpu.vector_load %arg12[%get3A_183, %get3A_184, %get3A_185] {strides = array<i32>} : memref<2x40x128xf32, #tpu.memory_space<vmem>>, vector<1x1x16xf32>,
        %get3A_187 = vector.shape_cast %get3A_186 : vector<1x1x16xf32> to vector<16xf32>
        %get3A_188 = arith.constant 0 : i32
        %get3A_189 = arith.index_cast %get3A_188 : i32 to index
        %get3A_190 = arith.index_cast %scan3A_162 : i32 to index
        %get3A_191 = arith.constant 16 : index
        %get3A_192 = tpu.vector_load %arg13[%get3A_189, %get3A_190, %get3A_191] {strides = array<i32>} : memref<2x40x128xf32, #tpu.memory_space<vmem>>, vector<1x1x16xf32>,
        %get3A_193 = vector.shape_cast %get3A_192 : vector<1x1x16xf32> to vector<16xf32>
        %mul3A_194 = arith.mulf %get3A_187, %get3A_193 : vector<16xf32>
        %get3A_195 = arith.constant 0 : i32
        %get3A_196 = arith.index_cast %get3A_195 : i32 to index
        %get3A_197 = arith.index_cast %scan3A_162 : i32 to index
        %get3A_198 = arith.constant 16 : index
        %get3A_199 = tpu.vector_load %arg14[%get3A_196, %get3A_197, %get3A_198] {strides = array<i32>} : memref<2x40x64xf32, #tpu.memory_space<vmem>>, vector<1x1x16xf32>,
        %get3A_200 = vector.shape_cast %get3A_199 : vector<1x1x16xf32> to vector<16xf32>
        %mul3A_201 = arith.mulf %mul3A_194, %get3A_200 : vector<16xf32>
        %add3A_202 = arith.addf %mul3A_181, %mul3A_201 : vector<16xf32>
        %get3A_203 = arith.constant 0 : i32
        %get3A_204 = arith.index_cast %get3A_203 : i32 to index
        %get3A_205 = arith.index_cast %scan3A_162 : i32 to index
        %get3A_206 = arith.constant 32 : index
        %get3A_207 = tpu.vector_load %arg12[%get3A_204, %get3A_205, %get3A_206] {strides = array<i32>} : memref<2x40x128xf32, #tpu.memory_space<vmem>>, vector<1x1x16xf32>,
        %get3A_208 = vector.shape_cast %get3A_207 : vector<1x1x16xf32> to vector<16xf32>
        %get3A_209 = arith.constant 0 : i32
        %get3A_210 = arith.index_cast %get3A_209 : i32 to index
        %get3A_211 = arith.index_cast %scan3A_162 : i32 to index
        %get3A_212 = arith.constant 32 : index
        %get3A_213 = tpu.vector_load %arg13[%get3A_210, %get3A_211, %get3A_212] {strides = array<i32>} : memref<2x40x128xf32, #tpu.memory_space<vmem>>, vector<1x1x16xf32>,
        %get3A_214 = vector.shape_cast %get3A_213 : vector<1x1x16xf32> to vector<16xf32>
        %mul3A_215 = arith.mulf %get3A_208, %get3A_214 : vector<16xf32>
        %get3A_216 = arith.constant 0 : i32
        %get3A_217 = arith.index_cast %get3A_216 : i32 to index
        %get3A_218 = arith.index_cast %scan3A_162 : i32 to index
        %get3A_219 = arith.constant 32 : index
        %get3A_220 = tpu.vector_load %arg14[%get3A_217, %get3A_218, %get3A_219] {strides = array<i32>} : memref<2x40x64xf32, #tpu.memory_space<vmem>>, vector<1x1x16xf32>,
        %get3A_221 = vector.shape_cast %get3A_220 : vector<1x1x16xf32> to vector<16xf32>
        %mul3A_222 = arith.mulf %mul3A_215, %get3A_221 : vector<16xf32>
        %add3A_223 = arith.addf %add3A_202, %mul3A_222 : vector<16xf32>
        %get3A_224 = arith.constant 0 : i32
        %get3A_225 = arith.index_cast %get3A_224 : i32 to index
        %get3A_226 = arith.index_cast %scan3A_162 : i32 to index
        %get3A_227 = arith.constant 48 : index
        %get3A_228 = tpu.vector_load %arg12[%get3A_225, %get3A_226, %get3A_227] {strides = array<i32>} : memref<2x40x128xf32, #tpu.memory_space<vmem>>, vector<1x1x16xf32>,
        %get3A_229 = vector.shape_cast %get3A_228 : vector<1x1x16xf32> to vector<16xf32>
        %get3A_230 = arith.constant 0 : i32
        %get3A_231 = arith.index_cast %get3A_230 : i32 to index
        %get3A_232 = arith.index_cast %scan3A_162 : i32 to index
        %get3A_233 = arith.constant 48 : index
        %get3A_234 = tpu.vector_load %arg13[%get3A_231, %get3A_232, %get3A_233] {strides = array<i32>} : memref<2x40x128xf32, #tpu.memory_space<vmem>>, vector<1x1x16xf32>,
        %get3A_235 = vector.shape_cast %get3A_234 : vector<1x1x16xf32> to vector<16xf32>
        %mul3A_236 = arith.mulf %get3A_229, %get3A_235 : vector<16xf32>
        %get3A_237 = arith.constant 0 : i32
        %get3A_238 = arith.index_cast %get3A_237 : i32 to index
        %get3A_239 = arith.index_cast %scan3A_162 : i32 to index
        %get3A_240 = arith.constant 48 : index
        %get3A_241 = tpu.vector_load %arg14[%get3A_238, %get3A_239, %get3A_240] {strides = array<i32>} : memref<2x40x64xf32, #tpu.memory_space<vmem>>, vector<1x1x16xf32>,
        %get3A_242 = vector.shape_cast %get3A_241 : vector<1x1x16xf32> to vector<16xf32>
        %mul3A_243 = arith.mulf %mul3A_236, %get3A_242 : vector<16xf32>
        %add3A_244 = arith.addf %add3A_223, %mul3A_243 : vector<16xf32>
        %rev3A = arith.constant 15 : i32
        %rev3A_245 = vector.broadcast %rev3A : i32 to vector<16xi32>
        %rev3A_246 = tpu.iota {dimensions = array<i32: 0>} : vector<16xi32>
        %rev3A_247 = arith.subi %rev3A_245, %rev3A_246 : vector<16xi32>
        %rev3A_248 = tpu.dynamic_gather %add3A_244[%rev3A_247] in [0] : vector<16xf32>, vector<16xi32> -> vector<16xf32>
        %add3A_249 = arith.addf %add3A_244, %rev3A_248 : vector<16xf32>
        %max3A = arith.constant -5.000000e+00 : f32
        %max3A_250 = vector.broadcast %max3A : f32 to vector<16xf32>
        %max3A_251 = arith.maximumf %add3A_249, %max3A_250 : vector<16xf32>
        %min3A = arith.constant 5.000000e+00 : f32
        %min3A_252 = vector.broadcast %min3A : f32 to vector<16xf32>
        %min3A_253 = arith.minimumf %max3A_251, %min3A_252 : vector<16xf32>
        %exp3A = math.exp %min3A_253 : vector<16xf32>
        %get3A_254 = arith.constant 0 : i32
        %get3A_255 = arith.index_cast %get3A_254 : i32 to index
        %get3A_256 = arith.index_cast %scan3A_162 : i32 to index
        %get3A_257 = arith.constant 64 : index
        %get3A_258 = tpu.vector_load %arg12[%get3A_255, %get3A_256, %get3A_257] {strides = array<i32>} : memref<2x40x128xf32, #tpu.memory_space<vmem>>, vector<1x1x16xf32>,
        %get3A_259 = vector.shape_cast %get3A_258 : vector<1x1x16xf32> to vector<16xf32>
        %mul3A_260 = arith.mulf %get3A_259, %exp3A : vector<16xf32>
        %swap3A = arith.index_cast %scan3A_162 : i32 to index
        %swap3A_261 = arith.constant 0 : index
        %swap3A_262 = tpu.vector_load %arg15[%swap3A, %swap3A_261] {strides = array<i32>} : memref<40x128xf32, #tpu.memory_space<vmem>>, vector<1x16xf32>,
        %swap3A_263 = vector.shape_cast %swap3A_262 : vector<1x16xf32> to vector<16xf32>
        %swap3A_264 = vector.shape_cast %mul3A_260 : vector<16xf32> to vector<1x16xf32>
        tpu.vector_store %arg15[%swap3A, %swap3A_261], %swap3A_264 {strides = array<i32>} : memref<40x128xf32, #tpu.memory_space<vmem>>, vector<1x16xf32>,
        %get3A_265 = arith.constant 0 : i32
        %get3A_266 = arith.index_cast %get3A_265 : i32 to index
        %get3A_267 = arith.index_cast %scan3A_162 : i32 to index
        %get3A_268 = arith.constant 80 : index
        %get3A_269 = tpu.vector_load %arg12[%get3A_266, %get3A_267, %get3A_268] {strides = array<i32>} : memref<2x40x128xf32, #tpu.memory_space<vmem>>, vector<1x1x16xf32>,
        %get3A_270 = vector.shape_cast %get3A_269 : vector<1x1x16xf32> to vector<16xf32>
        %mul3A_271 = arith.mulf %get3A_270, %exp3A : vector<16xf32>
        %swap3A_272 = arith.index_cast %scan3A_162 : i32 to index
        %swap3A_273 = arith.constant 16 : index
        %swap3A_274 = tpu.vector_load %arg15[%swap3A_272, %swap3A_273] {strides = array<i32>} : memref<40x128xf32, #tpu.memory_space<vmem>>, vector<1x16xf32>,
        %swap3A_275 = vector.shape_cast %swap3A_274 : vector<1x16xf32> to vector<16xf32>
        %swap3A_276 = vector.shape_cast %mul3A_271 : vector<16xf32> to vector<1x16xf32>
        tpu.vector_store %arg15[%swap3A_272, %swap3A_273], %swap3A_276 {strides = array<i32>} : memref<40x128xf32, #tpu.memory_space<vmem>>, vector<1x16xf32>,
        %get3A_277 = arith.constant 0 : i32
        %get3A_278 = arith.index_cast %get3A_277 : i32 to index
        %get3A_279 = arith.index_cast %scan3A_162 : i32 to index
        %get3A_280 = arith.constant 96 : index
        %get3A_281 = tpu.vector_load %arg12[%get3A_278, %get3A_279, %get3A_280] {strides = array<i32>} : memref<2x40x128xf32, #tpu.memory_space<vmem>>, vector<1x1x16xf32>,
        %get3A_282 = vector.shape_cast %get3A_281 : vector<1x1x16xf32> to vector<16xf32>
        %mul3A_283 = arith.mulf %get3A_282, %exp3A : vector<16xf32>
        %swap3A_284 = arith.index_cast %scan3A_162 : i32 to index
        %swap3A_285 = arith.constant 32 : index
        %swap3A_286 = tpu.vector_load %arg15[%swap3A_284, %swap3A_285] {strides = array<i32>} : memref<40x128xf32, #tpu.memory_space<vmem>>, vector<1x16xf32>,
        %swap3A_287 = vector.shape_cast %swap3A_286 : vector<1x16xf32> to vector<16xf32>
        %swap3A_288 = vector.shape_cast %mul3A_283 : vector<16xf32> to vector<1x16xf32>
        tpu.vector_store %arg15[%swap3A_284, %swap3A_285], %swap3A_288 {strides = array<i32>} : memref<40x128xf32, #tpu.memory_space<vmem>>, vector<1x16xf32>,
        %get3A_289 = arith.constant 0 : i32
        %get3A_290 = arith.index_cast %get3A_289 : i32 to index
        %get3A_291 = arith.index_cast %scan3A_162 : i32 to index
        %get3A_292 = arith.constant 112 : index
        %get3A_293 = tpu.vector_load %arg12[%get3A_290, %get3A_291, %get3A_292] {strides = array<i32>} : memref<2x40x128xf32, #tpu.memory_space<vmem>>, vector<1x1x16xf32>,
        %get3A_294 = vector.shape_cast %get3A_293 : vector<1x1x16xf32> to vector<16xf32>
        %mul3A_295 = arith.mulf %get3A_294, %exp3A : vector<16xf32>
        %swap3A_296 = arith.index_cast %scan3A_162 : i32 to index
        %swap3A_297 = arith.constant 48 : index
        %swap3A_298 = tpu.vector_load %arg15[%swap3A_296, %swap3A_297] {strides = array<i32>} : memref<40x128xf32, #tpu.memory_space<vmem>>, vector<1x16xf32>,
        %swap3A_299 = vector.shape_cast %swap3A_298 : vector<1x16xf32> to vector<16xf32>
        %swap3A_300 = vector.shape_cast %mul3A_295 : vector<16xf32> to vector<1x16xf32>
        tpu.vector_store %arg15[%swap3A_296, %swap3A_297], %swap3A_300 {strides = array<i32>} : memref<40x128xf32, #tpu.memory_space<vmem>>, vector<1x16xf32>,
        %swap3A_301 = arith.index_cast %scan3A_162 : i32 to index
        %swap3A_302 = arith.constant 64 : index
        %swap3A_303 = tpu.vector_load %arg15[%swap3A_301, %swap3A_302] {strides = array<i32>} : memref<40x128xf32, #tpu.memory_space<vmem>>, vector<1x16xf32>,
        %swap3A_304 = vector.shape_cast %swap3A_303 : vector<1x16xf32> to vector<16xf32>
        %swap3A_305 = vector.shape_cast %exp3A : vector<16xf32> to vector<1x16xf32>
        tpu.vector_store %arg15[%swap3A_301, %swap3A_302], %swap3A_305 {strides = array<i32>} : memref<40x128xf32, #tpu.memory_space<vmem>>, vector<1x16xf32>,
      }
      %scan3A_147 = arith.constant 40 : i32
      %run_scoped3A = arith.constant 0 : i32
      "tpu.region"() ({
        %run_scoped3A_162 = tpu.sem_alloc : memref<!tpu.dma_semaphore, #tpu.memory_space<semaphore_mem>>
        %dma_start3A_163 = arith.constant 0 : i32
        %dma_start3A_164 = tpu.memref_slice %arg11[%run_scoped3A, %dma_start3A_163] : memref<2x40xi32, #tpu.memory_space<vmem>> -> memref<1x40xi32, #tpu.memory_space<vmem>>
        %dma_start3A_165 = tpu.memref_squeeze %dma_start3A_164 : memref<1x40xi32, #tpu.memory_space<vmem>> -> memref<40xi32, #tpu.memory_space<vmem>>
        %dma_start3A_166 = arith.constant 0 : i32
        %dma_start3A_167 = arith.constant 0 : i32
        %dma_start3A_168 = tpu.memref_slice %arg9[%dma_start3A_166, %dma_start3A_167] : memref<10240x128xf32, #tpu.memory_space<vmem_shared>> -> memref<10240x128xf32, #tpu.memory_space<vmem_shared>>
        tpu.enqueue_indirect_dma source(%arg15 : memref<40x128xf32, #tpu.memory_space<vmem>>) target(%dma_start3A_168 : memref<10240x128xf32, #tpu.memory_space<vmem_shared>>) offsets(%dma_start3A_165 : memref<40xi32, #tpu.memory_space<vmem>>) semaphore(%run_scoped3A_162 : memref<!tpu.dma_semaphore, #tpu.memory_space<semaphore_mem>>) {add = true}
        %dma_wait3A_169 = arith.constant 0 : i32
        %dma_wait3A_170 = tpu.memref_slice %arg11[%run_scoped3A, %dma_wait3A_169] : memref<2x40xi32, #tpu.memory_space<vmem>> -> memref<1x40xi32, #tpu.memory_space<vmem>>
        %dma_wait3A_171 = tpu.memref_squeeze %dma_wait3A_170 : memref<1x40xi32, #tpu.memory_space<vmem>> -> memref<40xi32, #tpu.memory_space<vmem>>
        %dma_wait3A_172 = arith.constant 0 : i32
        %dma_wait3A_173 = arith.constant 0 : i32
        %dma_wait3A_174 = tpu.memref_slice %arg9[%dma_wait3A_172, %dma_wait3A_173] : memref<10240x128xf32, #tpu.memory_space<vmem_shared>> -> memref<10240x128xf32, #tpu.memory_space<vmem_shared>>
        tpu.wait_indirect_dma semaphore(%run_scoped3A_162 : memref<!tpu.dma_semaphore, #tpu.memory_space<semaphore_mem>>) src(%arg15 : memref<40x128xf32, #tpu.memory_space<vmem>>) dst(%dma_wait3A_174 : memref<10240x128xf32, #tpu.memory_space<vmem_shared>>)
        tpu.yield
      }) : () -> ()
      %add3A_148 = arith.constant 2 : i32
      %add3A_149 = arith.addi %mul3A_92, %add3A_148 : i32
      %lt3A_150 = arith.constant 250 : i32
      %lt3A_151 = arith.cmpi slt, %add3A_149, %lt3A_150 : i32
      %convert_element_type3A_152 = arith.extui %lt3A_151 : i1 to i32
      %cond3A_153 = arith.constant 0 : i32
      %cond3A_154 = arith.cmpi ne, %convert_element_type3A_152, %cond3A_153 : i32
      scf.if %cond3A_154 {
        %add3A_162 = arith.constant 2 : i32
        %add3A_163 = arith.addi %mul3A_92, %add3A_162 : i32
        %mul3A_164 = arith.constant 40 : i32
        %mul3A_165 = arith.muli %add3A_163, %mul3A_164 : i32
        %add3A_166 = arith.addi %mul3A_9, %mul3A_165 : i32
        %dma_start3A_167 = arith.constant 0 : i32
        %dma_start3A_168 = arith.constant 0 : i32
        %dma_start3A_169 = tpu.memref_slice %arg10[%dma_start3A_167, %dma_start3A_168] : memref<2x40xi32, #tpu.memory_space<vmem>> -> memref<1x40xi32, #tpu.memory_space<vmem>>
        %dma_start3A_170 = tpu.memref_squeeze %dma_start3A_169 : memref<1x40xi32, #tpu.memory_space<vmem>> -> memref<40xi32, #tpu.memory_space<vmem>>
        %dma_start3A_171 = tpu.memref_slice %arg5[%add3A_166] : memref<320000xi32, #tpu.memory_space<hbm>> -> memref<40xi32, #tpu.memory_space<hbm>>
        %dma_start3A_172 = arith.constant 0 : i32
        %dma_start3A_173 = tpu.memref_slice %arg10[%dma_start3A_167, %dma_start3A_172] : memref<2x40xi32, #tpu.memory_space<vmem>> -> memref<1x40xi32, #tpu.memory_space<vmem>>
        %dma_start3A_174 = tpu.memref_squeeze %dma_start3A_173 : memref<1x40xi32, #tpu.memory_space<vmem>> -> memref<40xi32, #tpu.memory_space<vmem>>
        %dma_start3A_175 = tpu.memref_slice %arg5[%add3A_166] : memref<320000xi32, #tpu.memory_space<hbm>> -> memref<40xi32, #tpu.memory_space<hbm>>
        tpu.enqueue_dma source(%dma_start3A_175 : memref<40xi32, #tpu.memory_space<hbm>>) target(%dma_start3A_174 : memref<40xi32, #tpu.memory_space<vmem>>) target_semaphore(%arg18 : memref<!tpu.dma_semaphore, #tpu.memory_space<semaphore_mem>>)
        %dma_start3A_176 = arith.constant 0 : i32
        %dma_start3A_177 = arith.constant 0 : i32
        %dma_start3A_178 = tpu.memref_slice %arg11[%dma_start3A_176, %dma_start3A_177] : memref<2x40xi32, #tpu.memory_space<vmem>> -> memref<1x40xi32, #tpu.memory_space<vmem>>
        %dma_start3A_179 = tpu.memref_squeeze %dma_start3A_178 : memref<1x40xi32, #tpu.memory_space<vmem>> -> memref<40xi32, #tpu.memory_space<vmem>>
        %dma_start3A_180 = tpu.memref_slice %arg6[%add3A_166] : memref<320000xi32, #tpu.memory_space<hbm>> -> memref<40xi32, #tpu.memory_space<hbm>>
        %dma_start3A_181 = arith.constant 0 : i32
        %dma_start3A_182 = tpu.memref_slice %arg11[%dma_start3A_176, %dma_start3A_181] : memref<2x40xi32, #tpu.memory_space<vmem>> -> memref<1x40xi32, #tpu.memory_space<vmem>>
        %dma_start3A_183 = tpu.memref_squeeze %dma_start3A_182 : memref<1x40xi32, #tpu.memory_space<vmem>> -> memref<40xi32, #tpu.memory_space<vmem>>
        %dma_start3A_184 = tpu.memref_slice %arg6[%add3A_166] : memref<320000xi32, #tpu.memory_space<hbm>> -> memref<40xi32, #tpu.memory_space<hbm>>
        tpu.enqueue_dma source(%dma_start3A_184 : memref<40xi32, #tpu.memory_space<hbm>>) target(%dma_start3A_183 : memref<40xi32, #tpu.memory_space<vmem>>) target_semaphore(%arg18 : memref<!tpu.dma_semaphore, #tpu.memory_space<semaphore_mem>>)
        %dma_wait3A_185 = arith.constant 0 : i32
        %dma_wait3A_186 = arith.constant 0 : i32
        %dma_wait3A_187 = tpu.memref_slice %arg10[%dma_wait3A_185, %dma_wait3A_186] : memref<2x40xi32, #tpu.memory_space<vmem>> -> memref<1x40xi32, #tpu.memory_space<vmem>>
        %dma_wait3A_188 = tpu.memref_squeeze %dma_wait3A_187 : memref<1x40xi32, #tpu.memory_space<vmem>> -> memref<40xi32, #tpu.memory_space<vmem>>
        %dma_wait3A_189 = tpu.memref_slice %arg5[%add3A_166] : memref<320000xi32, #tpu.memory_space<hbm>> -> memref<40xi32, #tpu.memory_space<hbm>>
        %dma_wait3A_190 = arith.constant 0 : i32
        %dma_wait3A_191 = tpu.memref_slice %arg10[%dma_wait3A_185, %dma_wait3A_190] : memref<2x40xi32, #tpu.memory_space<vmem>> -> memref<1x40xi32, #tpu.memory_space<vmem>>
        %dma_wait3A_192 = tpu.memref_squeeze %dma_wait3A_191 : memref<1x40xi32, #tpu.memory_space<vmem>> -> memref<40xi32, #tpu.memory_space<vmem>>
        %dma_wait3A_193 = tpu.memref_slice %arg5[%add3A_166] : memref<320000xi32, #tpu.memory_space<hbm>> -> memref<40xi32, #tpu.memory_space<hbm>>
        tpu.wait_dma2 semaphore(%arg18 : memref<!tpu.dma_semaphore, #tpu.memory_space<semaphore_mem>>) src(%dma_wait3A_193 : memref<40xi32, #tpu.memory_space<hbm>>) dst(%dma_wait3A_192 : memref<40xi32, #tpu.memory_space<vmem>>)
        %dma_wait3A_194 = arith.constant 0 : i32
        %dma_wait3A_195 = arith.constant 0 : i32
        %dma_wait3A_196 = tpu.memref_slice %arg11[%dma_wait3A_194, %dma_wait3A_195] : memref<2x40xi32, #tpu.memory_space<vmem>> -> memref<1x40xi32, #tpu.memory_space<vmem>>
        %dma_wait3A_197 = tpu.memref_squeeze %dma_wait3A_196 : memref<1x40xi32, #tpu.memory_space<vmem>> -> memref<40xi32, #tpu.memory_space<vmem>>
        %dma_wait3A_198 = tpu.memref_slice %arg6[%add3A_166] : memref<320000xi32, #tpu.memory_space<hbm>> -> memref<40xi32, #tpu.memory_space<hbm>>
        %dma_wait3A_199 = arith.constant 0 : i32
        %dma_wait3A_200 = tpu.memref_slice %arg11[%dma_wait3A_194, %dma_wait3A_199] : memref<2x40xi32, #tpu.memory_space<vmem>> -> memref<1x40xi32, #tpu.memory_space<vmem>>
        %dma_wait3A_201 = tpu.memref_squeeze %dma_wait3A_200 : memref<1x40xi32, #tpu.memory_space<vmem>> -> memref<40xi32, #tpu.memory_space<vmem>>
        %dma_wait3A_202 = tpu.memref_slice %arg6[%add3A_166] : memref<320000xi32, #tpu.memory_space<hbm>> -> memref<40xi32, #tpu.memory_space<hbm>>
        tpu.wait_dma2 semaphore(%arg18 : memref<!tpu.dma_semaphore, #tpu.memory_space<semaphore_mem>>) src(%dma_wait3A_202 : memref<40xi32, #tpu.memory_space<hbm>>) dst(%dma_wait3A_201 : memref<40xi32, #tpu.memory_space<vmem>>)
        %dma_start3A_203 = arith.constant 0 : i32
        %dma_start3A_204 = arith.constant 0 : i32
        %dma_start3A_205 = arith.constant 0 : i32
        %dma_start3A_206 = arith.constant 0 : i32
        %dma_start3A_207 = tpu.memref_slice %arg12[%dma_start3A_204, %dma_start3A_205, %dma_start3A_206] : memref<2x40x128xf32, #tpu.memory_space<vmem>> -> memref<1x40x128xf32, #tpu.memory_space<vmem>>
        %dma_start3A_208 = tpu.memref_squeeze %dma_start3A_207 : memref<1x40x128xf32, #tpu.memory_space<vmem>> -> memref<40x128xf32, #tpu.memory_space<vmem>>
        %dma_start3A_209 = arith.constant 0 : i32
        %dma_start3A_210 = tpu.memref_slice %arg10[%dma_start3A_203, %dma_start3A_209] : memref<2x40xi32, #tpu.memory_space<vmem>> -> memref<1x40xi32, #tpu.memory_space<vmem>>
        %dma_start3A_211 = tpu.memref_squeeze %dma_start3A_210 : memref<1x40xi32, #tpu.memory_space<vmem>> -> memref<40xi32, #tpu.memory_space<vmem>>
        %dma_start3A_212 = arith.constant 0 : i32
        %dma_start3A_213 = arith.constant 0 : i32
        %dma_start3A_214 = tpu.memref_slice %arg3[%dma_start3A_212, %dma_start3A_213] : memref<10000x128xf32, #tpu.memory_space<hbm>> -> memref<10000x128xf32, #tpu.memory_space<hbm>>
        tpu.enqueue_indirect_dma source(%dma_start3A_214 : memref<10000x128xf32, #tpu.memory_space<hbm>>) target(%dma_start3A_208 : memref<40x128xf32, #tpu.memory_space<vmem>>) offsets(%dma_start3A_211 : memref<40xi32, #tpu.memory_space<vmem>>) semaphore(%arg16 : memref<!tpu.dma_semaphore, #tpu.memory_space<semaphore_mem>>)
        %dma_start3A_215 = arith.constant 0 : i32
        %dma_start3A_216 = arith.constant 0 : i32
        %dma_start3A_217 = arith.constant 0 : i32
        %dma_start3A_218 = arith.constant 0 : i32
        %dma_start3A_219 = tpu.memref_slice %arg13[%dma_start3A_216, %dma_start3A_217, %dma_start3A_218] : memref<2x40x128xf32, #tpu.memory_space<vmem>> -> memref<1x40x128xf32, #tpu.memory_space<vmem>>
        %dma_start3A_220 = tpu.memref_squeeze %dma_start3A_219 : memref<1x40x128xf32, #tpu.memory_space<vmem>> -> memref<40x128xf32, #tpu.memory_space<vmem>>
        %dma_start3A_221 = arith.constant 0 : i32
        %dma_start3A_222 = tpu.memref_slice %arg11[%dma_start3A_215, %dma_start3A_221] : memref<2x40xi32, #tpu.memory_space<vmem>> -> memref<1x40xi32, #tpu.memory_space<vmem>>
        %dma_start3A_223 = tpu.memref_squeeze %dma_start3A_222 : memref<1x40xi32, #tpu.memory_space<vmem>> -> memref<40xi32, #tpu.memory_space<vmem>>
        %dma_start3A_224 = arith.constant 0 : i32
        %dma_start3A_225 = arith.constant 0 : i32
        %dma_start3A_226 = tpu.memref_slice %arg2[%dma_start3A_224, %dma_start3A_225] : memref<10000x128xf32, #tpu.memory_space<hbm>> -> memref<10000x128xf32, #tpu.memory_space<hbm>>
        tpu.enqueue_indirect_dma source(%dma_start3A_226 : memref<10000x128xf32, #tpu.memory_space<hbm>>) target(%dma_start3A_220 : memref<40x128xf32, #tpu.memory_space<vmem>>) offsets(%dma_start3A_223 : memref<40xi32, #tpu.memory_space<vmem>>) semaphore(%arg16 : memref<!tpu.dma_semaphore, #tpu.memory_space<semaphore_mem>>)
        %dma_start3A_227 = arith.constant 0 : i32
        %dma_start3A_228 = arith.constant 0 : i32
        %dma_start3A_229 = arith.constant 0 : i32
        %dma_start3A_230 = tpu.memref_slice %arg14[%dma_start3A_227, %dma_start3A_228, %dma_start3A_229] : memref<2x40x64xf32, #tpu.memory_space<vmem>> -> memref<1x40x64xf32, #tpu.memory_space<vmem>>
        %dma_start3A_231 = tpu.memref_squeeze %dma_start3A_230 : memref<1x40x64xf32, #tpu.memory_space<vmem>> -> memref<40x64xf32, #tpu.memory_space<vmem>>
        %dma_start3A_232 = arith.constant 0 : i32
        %dma_start3A_233 = tpu.memref_slice %arg4[%add3A_166, %dma_start3A_232] : memref<320000x64xf32, #tpu.memory_space<hbm>> -> memref<40x64xf32, #tpu.memory_space<hbm>>
        %dma_start3A_234 = arith.constant 0 : i32
        %dma_start3A_235 = arith.constant 0 : i32
        %dma_start3A_236 = tpu.memref_slice %arg14[%dma_start3A_227, %dma_start3A_234, %dma_start3A_235] : memref<2x40x64xf32, #tpu.memory_space<vmem>> -> memref<1x40x64xf32, #tpu.memory_space<vmem>>
        %dma_start3A_237 = tpu.memref_squeeze %dma_start3A_236 : memref<1x40x64xf32, #tpu.memory_space<vmem>> -> memref<40x64xf32, #tpu.memory_space<vmem>>
        %dma_start3A_238 = arith.constant 0 : i32
        %dma_start3A_239 = tpu.memref_slice %arg4[%add3A_166, %dma_start3A_238] : memref<320000x64xf32, #tpu.memory_space<hbm>> -> memref<40x64xf32, #tpu.memory_space<hbm>>
        tpu.enqueue_dma source(%dma_start3A_239 : memref<40x64xf32, #tpu.memory_space<hbm>>) target(%dma_start3A_237 : memref<40x64xf32, #tpu.memory_space<vmem>>) target_semaphore(%arg16 : memref<!tpu.dma_semaphore, #tpu.memory_space<semaphore_mem>>)
      } else {
      }
      %add3A_155 = arith.constant 1 : i32
      %add3A_156 = arith.addi %mul3A_92, %add3A_155 : i32
      %lt3A_157 = arith.constant 250 : i32
      %lt3A_158 = arith.cmpi slt, %add3A_156, %lt3A_157 : i32
      %convert_element_type3A_159 = arith.extui %lt3A_158 : i1 to i32
      %cond3A_160 = arith.constant 0 : i32
      %cond3A_161 = arith.cmpi ne, %convert_element_type3A_159, %cond3A_160 : i32
      scf.if %cond3A_161 {
        %dma_wait3A_162 = arith.constant 1 : i32
        %dma_wait3A_163 = arith.constant 0 : i32
        %dma_wait3A_164 = arith.constant 0 : i32
        %dma_wait3A_165 = tpu.memref_slice %arg12[%dma_wait3A_162, %dma_wait3A_163, %dma_wait3A_164] : memref<2x40x128xf32, #tpu.memory_space<vmem>> -> memref<1x40x128xf32, #tpu.memory_space<vmem>>
        %dma_wait3A_166 = tpu.memref_squeeze %dma_wait3A_165 : memref<1x40x128xf32, #tpu.memory_space<vmem>> -> memref<40x128xf32, #tpu.memory_space<vmem>>
        %dma_wait3A_167 = arith.constant 0 : i32
        %dma_wait3A_168 = arith.constant 0 : i32
        %dma_wait3A_169 = tpu.memref_slice %arg3[%dma_wait3A_167, %dma_wait3A_168] : memref<10000x128xf32, #tpu.memory_space<hbm>> -> memref<40x128xf32, #tpu.memory_space<hbm>>
        %dma_wait3A_170 = arith.constant 0 : i32
        %dma_wait3A_171 = arith.constant 0 : i32
        %dma_wait3A_172 = tpu.memref_slice %arg12[%dma_wait3A_162, %dma_wait3A_170, %dma_wait3A_171] : memref<2x40x128xf32, #tpu.memory_space<vmem>> -> memref<1x40x128xf32, #tpu.memory_space<vmem>>
        %dma_wait3A_173 = tpu.memref_squeeze %dma_wait3A_172 : memref<1x40x128xf32, #tpu.memory_space<vmem>> -> memref<40x128xf32, #tpu.memory_space<vmem>>
        %dma_wait3A_174 = arith.constant 0 : i32
        %dma_wait3A_175 = arith.constant 0 : i32
        %dma_wait3A_176 = tpu.memref_slice %arg3[%dma_wait3A_174, %dma_wait3A_175] : memref<10000x128xf32, #tpu.memory_space<hbm>> -> memref<40x128xf32, #tpu.memory_space<hbm>>
        tpu.wait_dma2 semaphore(%arg17 : memref<!tpu.dma_semaphore, #tpu.memory_space<semaphore_mem>>) src(%dma_wait3A_176 : memref<40x128xf32, #tpu.memory_space<hbm>>) dst(%dma_wait3A_173 : memref<40x128xf32, #tpu.memory_space<vmem>>)
        %dma_wait3A_177 = arith.constant 1 : i32
        %dma_wait3A_178 = arith.constant 0 : i32
        %dma_wait3A_179 = arith.constant 0 : i32
        %dma_wait3A_180 = tpu.memref_slice %arg13[%dma_wait3A_177, %dma_wait3A_178, %dma_wait3A_179] : memref<2x40x128xf32, #tpu.memory_space<vmem>> -> memref<1x40x128xf32, #tpu.memory_space<vmem>>
        %dma_wait3A_181 = tpu.memref_squeeze %dma_wait3A_180 : memref<1x40x128xf32, #tpu.memory_space<vmem>> -> memref<40x128xf32, #tpu.memory_space<vmem>>
        %dma_wait3A_182 = arith.constant 0 : i32
        %dma_wait3A_183 = arith.constant 0 : i32
        %dma_wait3A_184 = tpu.memref_slice %arg2[%dma_wait3A_182, %dma_wait3A_183] : memref<10000x128xf32, #tpu.memory_space<hbm>> -> memref<40x128xf32, #tpu.memory_space<hbm>>
        %dma_wait3A_185 = arith.constant 0 : i32
        %dma_wait3A_186 = arith.constant 0 : i32
        %dma_wait3A_187 = tpu.memref_slice %arg13[%dma_wait3A_177, %dma_wait3A_185, %dma_wait3A_186] : memref<2x40x128xf32, #tpu.memory_space<vmem>> -> memref<1x40x128xf32, #tpu.memory_space<vmem>>
        %dma_wait3A_188 = tpu.memref_squeeze %dma_wait3A_187 : memref<1x40x128xf32, #tpu.memory_space<vmem>> -> memref<40x128xf32, #tpu.memory_space<vmem>>
        %dma_wait3A_189 = arith.constant 0 : i32
        %dma_wait3A_190 = arith.constant 0 : i32
        %dma_wait3A_191 = tpu.memref_slice %arg2[%dma_wait3A_189, %dma_wait3A_190] : memref<10000x128xf32, #tpu.memory_space<hbm>> -> memref<40x128xf32, #tpu.memory_space<hbm>>
        tpu.wait_dma2 semaphore(%arg17 : memref<!tpu.dma_semaphore, #tpu.memory_space<semaphore_mem>>) src(%dma_wait3A_191 : memref<40x128xf32, #tpu.memory_space<hbm>>) dst(%dma_wait3A_188 : memref<40x128xf32, #tpu.memory_space<vmem>>)
        %dma_wait3A_192 = arith.constant 1 : i32
        %dma_wait3A_193 = arith.constant 0 : i32
        %dma_wait3A_194 = arith.constant 0 : i32
        %dma_wait3A_195 = tpu.memref_slice %arg14[%dma_wait3A_192, %dma_wait3A_193, %dma_wait3A_194] : memref<2x40x64xf32, #tpu.memory_space<vmem>> -> memref<1x40x64xf32, #tpu.memory_space<vmem>>
        %dma_wait3A_196 = tpu.memref_squeeze %dma_wait3A_195 : memref<1x40x64xf32, #tpu.memory_space<vmem>> -> memref<40x64xf32, #tpu.memory_space<vmem>>
        %dma_wait3A_197 = arith.constant 0 : i32
        %dma_wait3A_198 = arith.constant 0 : i32
        %dma_wait3A_199 = tpu.memref_slice %arg4[%dma_wait3A_197, %dma_wait3A_198] : memref<320000x64xf32, #tpu.memory_space<hbm>> -> memref<40x64xf32, #tpu.memory_space<hbm>>
        %dma_wait3A_200 = arith.constant 0 : i32
        %dma_wait3A_201 = arith.constant 0 : i32
        %dma_wait3A_202 = tpu.memref_slice %arg14[%dma_wait3A_192, %dma_wait3A_200, %dma_wait3A_201] : memref<2x40x64xf32, #tpu.memory_space<vmem>> -> memref<1x40x64xf32, #tpu.memory_space<vmem>>
        %dma_wait3A_203 = tpu.memref_squeeze %dma_wait3A_202 : memref<1x40x64xf32, #tpu.memory_space<vmem>> -> memref<40x64xf32, #tpu.memory_space<vmem>>
        %dma_wait3A_204 = arith.constant 0 : i32
        %dma_wait3A_205 = arith.constant 0 : i32
        %dma_wait3A_206 = tpu.memref_slice %arg4[%dma_wait3A_204, %dma_wait3A_205] : memref<320000x64xf32, #tpu.memory_space<hbm>> -> memref<40x64xf32, #tpu.memory_space<hbm>>
        tpu.wait_dma2 semaphore(%arg17 : memref<!tpu.dma_semaphore, #tpu.memory_space<semaphore_mem>>) src(%dma_wait3A_206 : memref<40x64xf32, #tpu.memory_space<hbm>>) dst(%dma_wait3A_203 : memref<40x64xf32, #tpu.memory_space<vmem>>)
        %scan3A_207 = arith.constant 0 : i32
        %scan3A_208 = arith.constant 0 : i32
        %scan3A_209 = arith.constant 40 : i32
        %scan3A_210 = arith.addi %scan3A_208, %scan3A_209 : i32
        %scan3A_211 = arith.constant 1 : i32
        scf.for %scan3A_214 = %scan3A_208 to %scan3A_210 step %scan3A_211  : i32 {
          %get3A = arith.constant 1 : i32
          %get3A_215 = arith.index_cast %get3A : i32 to index
          %get3A_216 = arith.index_cast %scan3A_214 : i32 to index
          %get3A_217 = arith.constant 0 : index
          %get3A_218 = tpu.vector_load %arg12[%get3A_215, %get3A_216, %get3A_217] {strides = array<i32>} : memref<2x40x128xf32, #tpu.memory_space<vmem>>, vector<1x1x16xf32>,
          %get3A_219 = vector.shape_cast %get3A_218 : vector<1x1x16xf32> to vector<16xf32>
          %get3A_220 = arith.constant 1 : i32
          %get3A_221 = arith.index_cast %get3A_220 : i32 to index
          %get3A_222 = arith.index_cast %scan3A_214 : i32 to index
          %get3A_223 = arith.constant 0 : index
          %get3A_224 = tpu.vector_load %arg13[%get3A_221, %get3A_222, %get3A_223] {strides = array<i32>} : memref<2x40x128xf32, #tpu.memory_space<vmem>>, vector<1x1x16xf32>,
          %get3A_225 = vector.shape_cast %get3A_224 : vector<1x1x16xf32> to vector<16xf32>
          %mul3A_226 = arith.mulf %get3A_219, %get3A_225 : vector<16xf32>
          %get3A_227 = arith.constant 1 : i32
          %get3A_228 = arith.index_cast %get3A_227 : i32 to index
          %get3A_229 = arith.index_cast %scan3A_214 : i32 to index
          %get3A_230 = arith.constant 0 : index
          %get3A_231 = tpu.vector_load %arg14[%get3A_228, %get3A_229, %get3A_230] {strides = array<i32>} : memref<2x40x64xf32, #tpu.memory_space<vmem>>, vector<1x1x16xf32>,
          %get3A_232 = vector.shape_cast %get3A_231 : vector<1x1x16xf32> to vector<16xf32>
          %mul3A_233 = arith.mulf %mul3A_226, %get3A_232 : vector<16xf32>
          %get3A_234 = arith.constant 1 : i32
          %get3A_235 = arith.index_cast %get3A_234 : i32 to index
          %get3A_236 = arith.index_cast %scan3A_214 : i32 to index
          %get3A_237 = arith.constant 16 : index
          %get3A_238 = tpu.vector_load %arg12[%get3A_235, %get3A_236, %get3A_237] {strides = array<i32>} : memref<2x40x128xf32, #tpu.memory_space<vmem>>, vector<1x1x16xf32>,
          %get3A_239 = vector.shape_cast %get3A_238 : vector<1x1x16xf32> to vector<16xf32>
          %get3A_240 = arith.constant 1 : i32
          %get3A_241 = arith.index_cast %get3A_240 : i32 to index
          %get3A_242 = arith.index_cast %scan3A_214 : i32 to index
          %get3A_243 = arith.constant 16 : index
          %get3A_244 = tpu.vector_load %arg13[%get3A_241, %get3A_242, %get3A_243] {strides = array<i32>} : memref<2x40x128xf32, #tpu.memory_space<vmem>>, vector<1x1x16xf32>,
          %get3A_245 = vector.shape_cast %get3A_244 : vector<1x1x16xf32> to vector<16xf32>
          %mul3A_246 = arith.mulf %get3A_239, %get3A_245 : vector<16xf32>
          %get3A_247 = arith.constant 1 : i32
          %get3A_248 = arith.index_cast %get3A_247 : i32 to index
          %get3A_249 = arith.index_cast %scan3A_214 : i32 to index
          %get3A_250 = arith.constant 16 : index
          %get3A_251 = tpu.vector_load %arg14[%get3A_248, %get3A_249, %get3A_250] {strides = array<i32>} : memref<2x40x64xf32, #tpu.memory_space<vmem>>, vector<1x1x16xf32>,
          %get3A_252 = vector.shape_cast %get3A_251 : vector<1x1x16xf32> to vector<16xf32>
          %mul3A_253 = arith.mulf %mul3A_246, %get3A_252 : vector<16xf32>
          %add3A_254 = arith.addf %mul3A_233, %mul3A_253 : vector<16xf32>
          %get3A_255 = arith.constant 1 : i32
          %get3A_256 = arith.index_cast %get3A_255 : i32 to index
          %get3A_257 = arith.index_cast %scan3A_214 : i32 to index
          %get3A_258 = arith.constant 32 : index
          %get3A_259 = tpu.vector_load %arg12[%get3A_256, %get3A_257, %get3A_258] {strides = array<i32>} : memref<2x40x128xf32, #tpu.memory_space<vmem>>, vector<1x1x16xf32>,
          %get3A_260 = vector.shape_cast %get3A_259 : vector<1x1x16xf32> to vector<16xf32>
          %get3A_261 = arith.constant 1 : i32
          %get3A_262 = arith.index_cast %get3A_261 : i32 to index
          %get3A_263 = arith.index_cast %scan3A_214 : i32 to index
          %get3A_264 = arith.constant 32 : index
          %get3A_265 = tpu.vector_load %arg13[%get3A_262, %get3A_263, %get3A_264] {strides = array<i32>} : memref<2x40x128xf32, #tpu.memory_space<vmem>>, vector<1x1x16xf32>,
          %get3A_266 = vector.shape_cast %get3A_265 : vector<1x1x16xf32> to vector<16xf32>
          %mul3A_267 = arith.mulf %get3A_260, %get3A_266 : vector<16xf32>
          %get3A_268 = arith.constant 1 : i32
          %get3A_269 = arith.index_cast %get3A_268 : i32 to index
          %get3A_270 = arith.index_cast %scan3A_214 : i32 to index
          %get3A_271 = arith.constant 32 : index
          %get3A_272 = tpu.vector_load %arg14[%get3A_269, %get3A_270, %get3A_271] {strides = array<i32>} : memref<2x40x64xf32, #tpu.memory_space<vmem>>, vector<1x1x16xf32>,
          %get3A_273 = vector.shape_cast %get3A_272 : vector<1x1x16xf32> to vector<16xf32>
          %mul3A_274 = arith.mulf %mul3A_267, %get3A_273 : vector<16xf32>
          %add3A_275 = arith.addf %add3A_254, %mul3A_274 : vector<16xf32>
          %get3A_276 = arith.constant 1 : i32
          %get3A_277 = arith.index_cast %get3A_276 : i32 to index
          %get3A_278 = arith.index_cast %scan3A_214 : i32 to index
          %get3A_279 = arith.constant 48 : index
          %get3A_280 = tpu.vector_load %arg12[%get3A_277, %get3A_278, %get3A_279] {strides = array<i32>} : memref<2x40x128xf32, #tpu.memory_space<vmem>>, vector<1x1x16xf32>,
          %get3A_281 = vector.shape_cast %get3A_280 : vector<1x1x16xf32> to vector<16xf32>
          %get3A_282 = arith.constant 1 : i32
          %get3A_283 = arith.index_cast %get3A_282 : i32 to index
          %get3A_284 = arith.index_cast %scan3A_214 : i32 to index
          %get3A_285 = arith.constant 48 : index
          %get3A_286 = tpu.vector_load %arg13[%get3A_283, %get3A_284, %get3A_285] {strides = array<i32>} : memref<2x40x128xf32, #tpu.memory_space<vmem>>, vector<1x1x16xf32>,
          %get3A_287 = vector.shape_cast %get3A_286 : vector<1x1x16xf32> to vector<16xf32>
          %mul3A_288 = arith.mulf %get3A_281, %get3A_287 : vector<16xf32>
          %get3A_289 = arith.constant 1 : i32
          %get3A_290 = arith.index_cast %get3A_289 : i32 to index
          %get3A_291 = arith.index_cast %scan3A_214 : i32 to index
          %get3A_292 = arith.constant 48 : index
          %get3A_293 = tpu.vector_load %arg14[%get3A_290, %get3A_291, %get3A_292] {strides = array<i32>} : memref<2x40x64xf32, #tpu.memory_space<vmem>>, vector<1x1x16xf32>,
          %get3A_294 = vector.shape_cast %get3A_293 : vector<1x1x16xf32> to vector<16xf32>
          %mul3A_295 = arith.mulf %mul3A_288, %get3A_294 : vector<16xf32>
          %add3A_296 = arith.addf %add3A_275, %mul3A_295 : vector<16xf32>
          %rev3A = arith.constant 15 : i32
          %rev3A_297 = vector.broadcast %rev3A : i32 to vector<16xi32>
          %rev3A_298 = tpu.iota {dimensions = array<i32: 0>} : vector<16xi32>
          %rev3A_299 = arith.subi %rev3A_297, %rev3A_298 : vector<16xi32>
          %rev3A_300 = tpu.dynamic_gather %add3A_296[%rev3A_299] in [0] : vector<16xf32>, vector<16xi32> -> vector<16xf32>
          %add3A_301 = arith.addf %add3A_296, %rev3A_300 : vector<16xf32>
          %max3A = arith.constant -5.000000e+00 : f32
          %max3A_302 = vector.broadcast %max3A : f32 to vector<16xf32>
          %max3A_303 = arith.maximumf %add3A_301, %max3A_302 : vector<16xf32>
          %min3A = arith.constant 5.000000e+00 : f32
          %min3A_304 = vector.broadcast %min3A : f32 to vector<16xf32>
          %min3A_305 = arith.minimumf %max3A_303, %min3A_304 : vector<16xf32>
          %exp3A = math.exp %min3A_305 : vector<16xf32>
          %get3A_306 = arith.constant 1 : i32
          %get3A_307 = arith.index_cast %get3A_306 : i32 to index
          %get3A_308 = arith.index_cast %scan3A_214 : i32 to index
          %get3A_309 = arith.constant 64 : index
          %get3A_310 = tpu.vector_load %arg12[%get3A_307, %get3A_308, %get3A_309] {strides = array<i32>} : memref<2x40x128xf32, #tpu.memory_space<vmem>>, vector<1x1x16xf32>,
          %get3A_311 = vector.shape_cast %get3A_310 : vector<1x1x16xf32> to vector<16xf32>
          %mul3A_312 = arith.mulf %get3A_311, %exp3A : vector<16xf32>
          %swap3A = arith.index_cast %scan3A_214 : i32 to index
          %swap3A_313 = arith.constant 0 : index
          %swap3A_314 = tpu.vector_load %arg15[%swap3A, %swap3A_313] {strides = array<i32>} : memref<40x128xf32, #tpu.memory_space<vmem>>, vector<1x16xf32>,
          %swap3A_315 = vector.shape_cast %swap3A_314 : vector<1x16xf32> to vector<16xf32>
          %swap3A_316 = vector.shape_cast %mul3A_312 : vector<16xf32> to vector<1x16xf32>
          tpu.vector_store %arg15[%swap3A, %swap3A_313], %swap3A_316 {strides = array<i32>} : memref<40x128xf32, #tpu.memory_space<vmem>>, vector<1x16xf32>,
          %get3A_317 = arith.constant 1 : i32
          %get3A_318 = arith.index_cast %get3A_317 : i32 to index
          %get3A_319 = arith.index_cast %scan3A_214 : i32 to index
          %get3A_320 = arith.constant 80 : index
          %get3A_321 = tpu.vector_load %arg12[%get3A_318, %get3A_319, %get3A_320] {strides = array<i32>} : memref<2x40x128xf32, #tpu.memory_space<vmem>>, vector<1x1x16xf32>,
          %get3A_322 = vector.shape_cast %get3A_321 : vector<1x1x16xf32> to vector<16xf32>
          %mul3A_323 = arith.mulf %get3A_322, %exp3A : vector<16xf32>
          %swap3A_324 = arith.index_cast %scan3A_214 : i32 to index
          %swap3A_325 = arith.constant 16 : index
          %swap3A_326 = tpu.vector_load %arg15[%swap3A_324, %swap3A_325] {strides = array<i32>} : memref<40x128xf32, #tpu.memory_space<vmem>>, vector<1x16xf32>,
          %swap3A_327 = vector.shape_cast %swap3A_326 : vector<1x16xf32> to vector<16xf32>
          %swap3A_328 = vector.shape_cast %mul3A_323 : vector<16xf32> to vector<1x16xf32>
          tpu.vector_store %arg15[%swap3A_324, %swap3A_325], %swap3A_328 {strides = array<i32>} : memref<40x128xf32, #tpu.memory_space<vmem>>, vector<1x16xf32>,
          %get3A_329 = arith.constant 1 : i32
          %get3A_330 = arith.index_cast %get3A_329 : i32 to index
          %get3A_331 = arith.index_cast %scan3A_214 : i32 to index
          %get3A_332 = arith.constant 96 : index
          %get3A_333 = tpu.vector_load %arg12[%get3A_330, %get3A_331, %get3A_332] {strides = array<i32>} : memref<2x40x128xf32, #tpu.memory_space<vmem>>, vector<1x1x16xf32>,
          %get3A_334 = vector.shape_cast %get3A_333 : vector<1x1x16xf32> to vector<16xf32>
          %mul3A_335 = arith.mulf %get3A_334, %exp3A : vector<16xf32>
          %swap3A_336 = arith.index_cast %scan3A_214 : i32 to index
          %swap3A_337 = arith.constant 32 : index
          %swap3A_338 = tpu.vector_load %arg15[%swap3A_336, %swap3A_337] {strides = array<i32>} : memref<40x128xf32, #tpu.memory_space<vmem>>, vector<1x16xf32>,
          %swap3A_339 = vector.shape_cast %swap3A_338 : vector<1x16xf32> to vector<16xf32>
          %swap3A_340 = vector.shape_cast %mul3A_335 : vector<16xf32> to vector<1x16xf32>
          tpu.vector_store %arg15[%swap3A_336, %swap3A_337], %swap3A_340 {strides = array<i32>} : memref<40x128xf32, #tpu.memory_space<vmem>>, vector<1x16xf32>,
          %get3A_341 = arith.constant 1 : i32
          %get3A_342 = arith.index_cast %get3A_341 : i32 to index
          %get3A_343 = arith.index_cast %scan3A_214 : i32 to index
          %get3A_344 = arith.constant 112 : index
          %get3A_345 = tpu.vector_load %arg12[%get3A_342, %get3A_343, %get3A_344] {strides = array<i32>} : memref<2x40x128xf32, #tpu.memory_space<vmem>>, vector<1x1x16xf32>,
          %get3A_346 = vector.shape_cast %get3A_345 : vector<1x1x16xf32> to vector<16xf32>
          %mul3A_347 = arith.mulf %get3A_346, %exp3A : vector<16xf32>
          %swap3A_348 = arith.index_cast %scan3A_214 : i32 to index
          %swap3A_349 = arith.constant 48 : index
          %swap3A_350 = tpu.vector_load %arg15[%swap3A_348, %swap3A_349] {strides = array<i32>} : memref<40x128xf32, #tpu.memory_space<vmem>>, vector<1x16xf32>,
          %swap3A_351 = vector.shape_cast %swap3A_350 : vector<1x16xf32> to vector<16xf32>
          %swap3A_352 = vector.shape_cast %mul3A_347 : vector<16xf32> to vector<1x16xf32>
          tpu.vector_store %arg15[%swap3A_348, %swap3A_349], %swap3A_352 {strides = array<i32>} : memref<40x128xf32, #tpu.memory_space<vmem>>, vector<1x16xf32>,
          %swap3A_353 = arith.index_cast %scan3A_214 : i32 to index
          %swap3A_354 = arith.constant 64 : index
          %swap3A_355 = tpu.vector_load %arg15[%swap3A_353, %swap3A_354] {strides = array<i32>} : memref<40x128xf32, #tpu.memory_space<vmem>>, vector<1x16xf32>,
          %swap3A_356 = vector.shape_cast %swap3A_355 : vector<1x16xf32> to vector<16xf32>
          %swap3A_357 = vector.shape_cast %exp3A : vector<16xf32> to vector<1x16xf32>
          tpu.vector_store %arg15[%swap3A_353, %swap3A_354], %swap3A_357 {strides = array<i32>} : memref<40x128xf32, #tpu.memory_space<vmem>>, vector<1x16xf32>,
        }
        %scan3A_212 = arith.constant 40 : i32
        %run_scoped3A_213 = arith.constant 1 : i32
        "tpu.region"() ({
          %run_scoped3A_214 = tpu.sem_alloc : memref<!tpu.dma_semaphore, #tpu.memory_space<semaphore_mem>>
          %dma_start3A_215 = arith.constant 0 : i32
          %dma_start3A_216 = tpu.memref_slice %arg11[%run_scoped3A_213, %dma_start3A_215] : memref<2x40xi32, #tpu.memory_space<vmem>> -> memref<1x40xi32, #tpu.memory_space<vmem>>
          %dma_start3A_217 = tpu.memref_squeeze %dma_start3A_216 : memref<1x40xi32, #tpu.memory_space<vmem>> -> memref<40xi32, #tpu.memory_space<vmem>>
          %dma_start3A_218 = arith.constant 0 : i32
          %dma_start3A_219 = arith.constant 0 : i32
          %dma_start3A_220 = tpu.memref_slice %arg9[%dma_start3A_218, %dma_start3A_219] : memref<10240x128xf32, #tpu.memory_space<vmem_shared>> -> memref<10240x128xf32, #tpu.memory_space<vmem_shared>>
          tpu.enqueue_indirect_dma source(%arg15 : memref<40x128xf32, #tpu.memory_space<vmem>>) target(%dma_start3A_220 : memref<10240x128xf32, #tpu.memory_space<vmem_shared>>) offsets(%dma_start3A_217 : memref<40xi32, #tpu.memory_space<vmem>>) semaphore(%run_scoped3A_214 : memref<!tpu.dma_semaphore, #tpu.memory_space<semaphore_mem>>) {add = true}
          %dma_wait3A_221 = arith.constant 0 : i32
          %dma_wait3A_222 = tpu.memref_slice %arg11[%run_scoped3A_213, %dma_wait3A_221] : memref<2x40xi32, #tpu.memory_space<vmem>> -> memref<1x40xi32, #tpu.memory_space<vmem>>
          %dma_wait3A_223 = tpu.memref_squeeze %dma_wait3A_222 : memref<1x40xi32, #tpu.memory_space<vmem>> -> memref<40xi32, #tpu.memory_space<vmem>>
          %dma_wait3A_224 = arith.constant 0 : i32
          %dma_wait3A_225 = arith.constant 0 : i32
          %dma_wait3A_226 = tpu.memref_slice %arg9[%dma_wait3A_224, %dma_wait3A_225] : memref<10240x128xf32, #tpu.memory_space<vmem_shared>> -> memref<10240x128xf32, #tpu.memory_space<vmem_shared>>
          tpu.wait_indirect_dma semaphore(%run_scoped3A_214 : memref<!tpu.dma_semaphore, #tpu.memory_space<semaphore_mem>>) src(%arg15 : memref<40x128xf32, #tpu.memory_space<vmem>>) dst(%dma_wait3A_226 : memref<10240x128xf32, #tpu.memory_space<vmem_shared>>)
          tpu.yield
        }) : () -> ()
      } else {
      }
    }
    %scan3A_88 = arith.constant 125 : i32
    %barrier3A_89 = arith.constant 0 : index
    tpu.barrier barrier_id(%barrier3A_89)
    "tpu.region"() ({
      %run_scoped3A = tpu.sem_alloc : memref<!tpu.dma_semaphore, #tpu.memory_space<semaphore_mem>>
      %dma_start3A_90 = arith.constant 0 : i32
      %dma_start3A_91 = tpu.memref_slice %arg8[%arg0, %mul3A_2, %dma_start3A_90] : memref<2x10240x128xf32, #tpu.memory_space<hbm>> -> memref<1x640x128xf32, #tpu.memory_space<hbm>>
      %dma_start3A_92 = tpu.memref_squeeze %dma_start3A_91 : memref<1x640x128xf32, #tpu.memory_space<hbm>> -> memref<640x128xf32, #tpu.memory_space<hbm>>
      %dma_start3A_93 = arith.constant 0 : i32
      %dma_start3A_94 = tpu.memref_slice %arg9[%mul3A_2, %dma_start3A_93] : memref<10240x128xf32, #tpu.memory_space<vmem_shared>> -> memref<640x128xf32, #tpu.memory_space<vmem_shared>>
      tpu.enqueue_dma source(%dma_start3A_94 : memref<640x128xf32, #tpu.memory_space<vmem_shared>>) target(%dma_start3A_92 : memref<640x128xf32, #tpu.memory_space<hbm>>) target_semaphore(%run_scoped3A : memref<!tpu.dma_semaphore, #tpu.memory_space<semaphore_mem>>)
      %dma_wait3A_95 = arith.constant 0 : i32
      %dma_wait3A_96 = tpu.memref_slice %arg8[%arg0, %mul3A_2, %dma_wait3A_95] : memref<2x10240x128xf32, #tpu.memory_space<hbm>> -> memref<1x640x128xf32, #tpu.memory_space<hbm>>
      %dma_wait3A_97 = tpu.memref_squeeze %dma_wait3A_96 : memref<1x640x128xf32, #tpu.memory_space<hbm>> -> memref<640x128xf32, #tpu.memory_space<hbm>>
      %dma_wait3A_98 = arith.constant 0 : i32
      %dma_wait3A_99 = tpu.memref_slice %arg9[%mul3A_2, %dma_wait3A_98] : memref<10240x128xf32, #tpu.memory_space<vmem_shared>> -> memref<640x128xf32, #tpu.memory_space<vmem_shared>>
      tpu.wait_dma2 semaphore(%run_scoped3A : memref<!tpu.dma_semaphore, #tpu.memory_space<semaphore_mem>>) src(%dma_wait3A_99 : memref<640x128xf32, #tpu.memory_space<vmem_shared>>) dst(%dma_wait3A_97 : memref<640x128xf32, #tpu.memory_space<hbm>>)
      tpu.yield
    }) : () -> ()
    return
  }
}

#map = affine_map<(d0, d1) -> (0, 0)>
#map1 = affine_map<(d0, d1) -> (0)>
#map2 = affine_map<(d0, d1) -> (0, 0, 0)>
module attributes {stable_mosaic.version = 14 : i64} {
  func.func @_edge_body(%arg0: i32, %arg1: i32, %arg2: memref<10000x128xf32, #tpu.memory_space<hbm>>, %arg3: memref<10000x128xf32, #tpu.memory_space<hbm>>, %arg4: memref<320000x64xf32, #tpu.memory_space<hbm>>, %arg5: memref<320000xi32, #tpu.memory_space<hbm>>, %arg6: memref<320000xi32, #tpu.memory_space<hbm>>, %arg7: memref<10240x128xf32, #tpu.memory_space<hbm>>, %arg8: memref<2x10240x128xf32, #tpu.memory_space<hbm>>, %arg9: memref<10240x128xf32, #tpu.memory_space<vmem_shared>>, %arg10: memref<2x40xi32, #tpu.memory_space<vmem>>, %arg11: memref<2x40xi32, #tpu.memory_space<vmem>>, %arg12: memref<2x40x128xf32, #tpu.memory_space<vmem>>, %arg13: memref<2x40x128xf32, #tpu.memory_space<vmem>>, %arg14: memref<2x40x64xf32, #tpu.memory_space<vmem>>, %arg15: memref<40x128xf32, #tpu.memory_space<vmem>>, %arg16: memref<!tpu.dma_semaphore, #tpu.memory_space<semaphore_mem>>, %arg17: memref<!tpu.dma_semaphore, #tpu.memory_space<semaphore_mem>>, %arg18: memref<!tpu.dma_semaphore, #tpu.memory_space<semaphore_mem>>, %arg19: memref<!tpu.dma_semaphore, #tpu.memory_space<semaphore_mem>>) attributes {dimension_semantics = [#tpu.dimension_semantics<core_parallel>, #tpu.dimension_semantics<subcore_parallel>], iteration_bounds = array<i64: 2, 16>, scalar_prefetch = 0 : i64, scratch_operands = 11 : i64, tpu.core_type = #tpu.core_type<sc_vector_subcore>, window_params = [{transform_indices = #map}, {transform_indices = #map}, {transform_indices = #map}, {transform_indices = #map1}, {transform_indices = #map1}, {transform_indices = #map}, {transform_indices = #map2}]} {
    %mul3A = arith.constant 16 : i32
    %mul3A_0 = arith.muli %arg0, %mul3A : i32
    %add3A = arith.addi %mul3A_0, %arg1 : i32
    %mul3A_1 = arith.constant 640 : i32
    %mul3A_2 = arith.muli %arg1, %mul3A_1 : i32
    "tpu.region"() ({
      %run_scoped3A = tpu.sem_alloc : memref<!tpu.dma_semaphore, #tpu.memory_space<semaphore_mem>>
      %dma_start3A_90 = arith.constant 0 : i32
      %dma_start3A_91 = tpu.memref_slice %arg9[%mul3A_2, %dma_start3A_90] : memref<10240x128xf32, #tpu.memory_space<vmem_shared>> -> memref<640x128xf32, #tpu.memory_space<vmem_shared>>
      %dma_start3A_92 = arith.constant 0 : i32
      %dma_start3A_93 = tpu.memref_slice %arg7[%mul3A_2, %dma_start3A_92] : memref<10240x128xf32, #tpu.memory_space<hbm>> -> memref<640x128xf32, #tpu.memory_space<hbm>>
      tpu.enqueue_dma source(%dma_start3A_93 : memref<640x128xf32, #tpu.memory_space<hbm>>) target(%dma_start3A_91 : memref<640x128xf32, #tpu.memory_space<vmem_shared>>) target_semaphore(%run_scoped3A : memref<!tpu.dma_semaphore, #tpu.memory_space<semaphore_mem>>)
      %dma_wait3A_94 = arith.constant 0 : i32
      %dma_wait3A_95 = tpu.memref_slice %arg9[%mul3A_2, %dma_wait3A_94] : memref<10240x128xf32, #tpu.memory_space<vmem_shared>> -> memref<640x128xf32, #tpu.memory_space<vmem_shared>>
      %dma_wait3A_96 = arith.constant 0 : i32
      %dma_wait3A_97 = tpu.memref_slice %arg7[%mul3A_2, %dma_wait3A_96] : memref<10240x128xf32, #tpu.memory_space<hbm>> -> memref<640x128xf32, #tpu.memory_space<hbm>>
      tpu.wait_dma2 semaphore(%run_scoped3A : memref<!tpu.dma_semaphore, #tpu.memory_space<semaphore_mem>>) src(%dma_wait3A_97 : memref<640x128xf32, #tpu.memory_space<hbm>>) dst(%dma_wait3A_95 : memref<640x128xf32, #tpu.memory_space<vmem_shared>>)
      tpu.yield
    }) : () -> ()
    %scan3A = arith.constant 0 : i32
    %scan3A_3 = arith.constant 0 : i32
    %scan3A_4 = arith.constant 40 : i32
    %scan3A_5 = arith.addi %scan3A_3, %scan3A_4 : i32
    %scan3A_6 = arith.constant 1 : i32
    scf.for %scan3A_90 = %scan3A_3 to %scan3A_5 step %scan3A_6  : i32 {
      %broadcast_in_dim3A = arith.constant 0.000000e+00 : f32
      %broadcast_in_dim3A_91 = vector.broadcast %broadcast_in_dim3A : f32 to vector<16xf32>
      %swap3A = arith.index_cast %scan3A_90 : i32 to index
      %swap3A_92 = arith.constant 80 : index
      %swap3A_93 = tpu.vector_load %arg15[%swap3A, %swap3A_92] {strides = array<i32>} : memref<40x128xf32, #tpu.memory_space<vmem>>, vector<1x16xf32>,
      %swap3A_94 = vector.shape_cast %swap3A_93 : vector<1x16xf32> to vector<16xf32>
      %swap3A_95 = vector.shape_cast %broadcast_in_dim3A_91 : vector<16xf32> to vector<1x16xf32>
      tpu.vector_store %arg15[%swap3A, %swap3A_92], %swap3A_95 {strides = array<i32>} : memref<40x128xf32, #tpu.memory_space<vmem>>, vector<1x16xf32>,
      %broadcast_in_dim3A_96 = arith.constant 0.000000e+00 : f32
      %broadcast_in_dim3A_97 = vector.broadcast %broadcast_in_dim3A_96 : f32 to vector<16xf32>
      %swap3A_98 = arith.index_cast %scan3A_90 : i32 to index
      %swap3A_99 = arith.constant 96 : index
      %swap3A_100 = tpu.vector_load %arg15[%swap3A_98, %swap3A_99] {strides = array<i32>} : memref<40x128xf32, #tpu.memory_space<vmem>>, vector<1x16xf32>,
      %swap3A_101 = vector.shape_cast %swap3A_100 : vector<1x16xf32> to vector<16xf32>
      %swap3A_102 = vector.shape_cast %broadcast_in_dim3A_97 : vector<16xf32> to vector<1x16xf32>
      tpu.vector_store %arg15[%swap3A_98, %swap3A_99], %swap3A_102 {strides = array<i32>} : memref<40x128xf32, #tpu.memory_space<vmem>>, vector<1x16xf32>,
      %broadcast_in_dim3A_103 = arith.constant 0.000000e+00 : f32
      %broadcast_in_dim3A_104 = vector.broadcast %broadcast_in_dim3A_103 : f32 to vector<16xf32>
      %swap3A_105 = arith.index_cast %scan3A_90 : i32 to index
      %swap3A_106 = arith.constant 112 : index
      %swap3A_107 = tpu.vector_load %arg15[%swap3A_105, %swap3A_106] {strides = array<i32>} : memref<40x128xf32, #tpu.memory_space<vmem>>, vector<1x16xf32>,
      %swap3A_108 = vector.shape_cast %swap3A_107 : vector<1x16xf32> to vector<16xf32>
      %swap3A_109 = vector.shape_cast %broadcast_in_dim3A_104 : vector<16xf32> to vector<1x16xf32>
      tpu.vector_store %arg15[%swap3A_105, %swap3A_106], %swap3A_109 {strides = array<i32>} : memref<40x128xf32, #tpu.memory_space<vmem>>, vector<1x16xf32>,
    }
    %scan3A_7 = arith.constant 40 : i32
    %barrier3A = arith.constant 0 : index
    tpu.barrier barrier_id(%barrier3A)
    %mul3A_8 = arith.constant 10000 : i32
    %mul3A_9 = arith.muli %add3A, %mul3A_8 : i32
    %add3A_10 = arith.constant 0 : i32
    %add3A_11 = arith.addi %mul3A_9, %add3A_10 : i32
    %dma_start3A = arith.constant 0 : i32
    %dma_start3A_12 = arith.constant 0 : i32
    %dma_start3A_13 = tpu.memref_slice %arg10[%dma_start3A, %dma_start3A_12] : memref<2x40xi32, #tpu.memory_space<vmem>> -> memref<1x40xi32, #tpu.memory_space<vmem>>
    %dma_start3A_14 = tpu.memref_squeeze %dma_start3A_13 : memref<1x40xi32, #tpu.memory_space<vmem>> -> memref<40xi32, #tpu.memory_space<vmem>>
    %dma_start3A_15 = tpu.memref_slice %arg5[%add3A_11] : memref<320000xi32, #tpu.memory_space<hbm>> -> memref<40xi32, #tpu.memory_space<hbm>>
    %dma_start3A_16 = arith.constant 0 : i32
    %dma_start3A_17 = tpu.memref_slice %arg10[%dma_start3A, %dma_start3A_16] : memref<2x40xi32, #tpu.memory_space<vmem>> -> memref<1x40xi32, #tpu.memory_space<vmem>>
    %dma_start3A_18 = tpu.memref_squeeze %dma_start3A_17 : memref<1x40xi32, #tpu.memory_space<vmem>> -> memref<40xi32, #tpu.memory_space<vmem>>
    %dma_start3A_19 = tpu.memref_slice %arg5[%add3A_11] : memref<320000xi32, #tpu.memory_space<hbm>> -> memref<40xi32, #tpu.memory_space<hbm>>
    tpu.enqueue_dma source(%dma_start3A_19 : memref<40xi32, #tpu.memory_space<hbm>>) target(%dma_start3A_18 : memref<40xi32, #tpu.memory_space<vmem>>) target_semaphore(%arg18 : memref<!tpu.dma_semaphore, #tpu.memory_space<semaphore_mem>>)
    %dma_start3A_20 = arith.constant 0 : i32
    %dma_start3A_21 = arith.constant 0 : i32
    %dma_start3A_22 = tpu.memref_slice %arg11[%dma_start3A_20, %dma_start3A_21] : memref<2x40xi32, #tpu.memory_space<vmem>> -> memref<1x40xi32, #tpu.memory_space<vmem>>
    %dma_start3A_23 = tpu.memref_squeeze %dma_start3A_22 : memref<1x40xi32, #tpu.memory_space<vmem>> -> memref<40xi32, #tpu.memory_space<vmem>>
    %dma_start3A_24 = tpu.memref_slice %arg6[%add3A_11] : memref<320000xi32, #tpu.memory_space<hbm>> -> memref<40xi32, #tpu.memory_space<hbm>>
    %dma_start3A_25 = arith.constant 0 : i32
    %dma_start3A_26 = tpu.memref_slice %arg11[%dma_start3A_20, %dma_start3A_25] : memref<2x40xi32, #tpu.memory_space<vmem>> -> memref<1x40xi32, #tpu.memory_space<vmem>>
    %dma_start3A_27 = tpu.memref_squeeze %dma_start3A_26 : memref<1x40xi32, #tpu.memory_space<vmem>> -> memref<40xi32, #tpu.memory_space<vmem>>
    %dma_start3A_28 = tpu.memref_slice %arg6[%add3A_11] : memref<320000xi32, #tpu.memory_space<hbm>> -> memref<40xi32, #tpu.memory_space<hbm>>
    tpu.enqueue_dma source(%dma_start3A_28 : memref<40xi32, #tpu.memory_space<hbm>>) target(%dma_start3A_27 : memref<40xi32, #tpu.memory_space<vmem>>) target_semaphore(%arg18 : memref<!tpu.dma_semaphore, #tpu.memory_space<semaphore_mem>>)
    %dma_wait3A = arith.constant 0 : i32
    %dma_wait3A_29 = arith.constant 0 : i32
    %dma_wait3A_30 = tpu.memref_slice %arg10[%dma_wait3A, %dma_wait3A_29] : memref<2x40xi32, #tpu.memory_space<vmem>> -> memref<1x40xi32, #tpu.memory_space<vmem>>
    %dma_wait3A_31 = tpu.memref_squeeze %dma_wait3A_30 : memref<1x40xi32, #tpu.memory_space<vmem>> -> memref<40xi32, #tpu.memory_space<vmem>>
    %dma_wait3A_32 = tpu.memref_slice %arg5[%add3A_11] : memref<320000xi32, #tpu.memory_space<hbm>> -> memref<40xi32, #tpu.memory_space<hbm>>
    %dma_wait3A_33 = arith.constant 0 : i32
    %dma_wait3A_34 = tpu.memref_slice %arg10[%dma_wait3A, %dma_wait3A_33] : memref<2x40xi32, #tpu.memory_space<vmem>> -> memref<1x40xi32, #tpu.memory_space<vmem>>
    %dma_wait3A_35 = tpu.memref_squeeze %dma_wait3A_34 : memref<1x40xi32, #tpu.memory_space<vmem>> -> memref<40xi32, #tpu.memory_space<vmem>>
    %dma_wait3A_36 = tpu.memref_slice %arg5[%add3A_11] : memref<320000xi32, #tpu.memory_space<hbm>> -> memref<40xi32, #tpu.memory_space<hbm>>
    tpu.wait_dma2 semaphore(%arg18 : memref<!tpu.dma_semaphore, #tpu.memory_space<semaphore_mem>>) src(%dma_wait3A_36 : memref<40xi32, #tpu.memory_space<hbm>>) dst(%dma_wait3A_35 : memref<40xi32, #tpu.memory_space<vmem>>)
    %dma_wait3A_37 = arith.constant 0 : i32
    %dma_wait3A_38 = arith.constant 0 : i32
    %dma_wait3A_39 = tpu.memref_slice %arg11[%dma_wait3A_37, %dma_wait3A_38] : memref<2x40xi32, #tpu.memory_space<vmem>> -> memref<1x40xi32, #tpu.memory_space<vmem>>
    %dma_wait3A_40 = tpu.memref_squeeze %dma_wait3A_39 : memref<1x40xi32, #tpu.memory_space<vmem>> -> memref<40xi32, #tpu.memory_space<vmem>>
    %dma_wait3A_41 = tpu.memref_slice %arg6[%add3A_11] : memref<320000xi32, #tpu.memory_space<hbm>> -> memref<40xi32, #tpu.memory_space<hbm>>
    %dma_wait3A_42 = arith.constant 0 : i32
    %dma_wait3A_43 = tpu.memref_slice %arg11[%dma_wait3A_37, %dma_wait3A_42] : memref<2x40xi32, #tpu.memory_space<vmem>> -> memref<1x40xi32, #tpu.memory_space<vmem>>
    %dma_wait3A_44 = tpu.memref_squeeze %dma_wait3A_43 : memref<1x40xi32, #tpu.memory_space<vmem>> -> memref<40xi32, #tpu.memory_space<vmem>>
    %dma_wait3A_45 = tpu.memref_slice %arg6[%add3A_11] : memref<320000xi32, #tpu.memory_space<hbm>> -> memref<40xi32, #tpu.memory_space<hbm>>
    tpu.wait_dma2 semaphore(%arg18 : memref<!tpu.dma_semaphore, #tpu.memory_space<semaphore_mem>>) src(%dma_wait3A_45 : memref<40xi32, #tpu.memory_space<hbm>>) dst(%dma_wait3A_44 : memref<40xi32, #tpu.memory_space<vmem>>)
    %dma_start3A_46 = arith.constant 0 : i32
    %dma_start3A_47 = arith.constant 0 : i32
    %dma_start3A_48 = arith.constant 0 : i32
    %dma_start3A_49 = arith.constant 0 : i32
    %dma_start3A_50 = tpu.memref_slice %arg12[%dma_start3A_47, %dma_start3A_48, %dma_start3A_49] : memref<2x40x128xf32, #tpu.memory_space<vmem>> -> memref<1x40x128xf32, #tpu.memory_space<vmem>>
    %dma_start3A_51 = tpu.memref_squeeze %dma_start3A_50 : memref<1x40x128xf32, #tpu.memory_space<vmem>> -> memref<40x128xf32, #tpu.memory_space<vmem>>
    %dma_start3A_52 = arith.constant 0 : i32
    %dma_start3A_53 = tpu.memref_slice %arg10[%dma_start3A_46, %dma_start3A_52] : memref<2x40xi32, #tpu.memory_space<vmem>> -> memref<1x40xi32, #tpu.memory_space<vmem>>
    %dma_start3A_54 = tpu.memref_squeeze %dma_start3A_53 : memref<1x40xi32, #tpu.memory_space<vmem>> -> memref<40xi32, #tpu.memory_space<vmem>>
    %dma_start3A_55 = arith.constant 0 : i32
    %dma_start3A_56 = arith.constant 0 : i32
    %dma_start3A_57 = tpu.memref_slice %arg3[%dma_start3A_55, %dma_start3A_56] : memref<10000x128xf32, #tpu.memory_space<hbm>> -> memref<10000x128xf32, #tpu.memory_space<hbm>>
    tpu.enqueue_indirect_dma source(%dma_start3A_57 : memref<10000x128xf32, #tpu.memory_space<hbm>>) target(%dma_start3A_51 : memref<40x128xf32, #tpu.memory_space<vmem>>) offsets(%dma_start3A_54 : memref<40xi32, #tpu.memory_space<vmem>>) semaphore(%arg16 : memref<!tpu.dma_semaphore, #tpu.memory_space<semaphore_mem>>)
    %dma_start3A_58 = arith.constant 0 : i32
    %dma_start3A_59 = arith.constant 0 : i32
    %dma_start3A_60 = arith.constant 0 : i32
    %dma_start3A_61 = arith.constant 0 : i32
    %dma_start3A_62 = tpu.memref_slice %arg13[%dma_start3A_59, %dma_start3A_60, %dma_start3A_61] : memref<2x40x128xf32, #tpu.memory_space<vmem>> -> memref<1x40x128xf32, #tpu.memory_space<vmem>>
    %dma_start3A_63 = tpu.memref_squeeze %dma_start3A_62 : memref<1x40x128xf32, #tpu.memory_space<vmem>> -> memref<40x128xf32, #tpu.memory_space<vmem>>
    %dma_start3A_64 = arith.constant 0 : i32
    %dma_start3A_65 = tpu.memref_slice %arg11[%dma_start3A_58, %dma_start3A_64] : memref<2x40xi32, #tpu.memory_space<vmem>> -> memref<1x40xi32, #tpu.memory_space<vmem>>
    %dma_start3A_66 = tpu.memref_squeeze %dma_start3A_65 : memref<1x40xi32, #tpu.memory_space<vmem>> -> memref<40xi32, #tpu.memory_space<vmem>>
    %dma_start3A_67 = arith.constant 0 : i32
    %dma_start3A_68 = arith.constant 0 : i32
    %dma_start3A_69 = tpu.memref_slice %arg2[%dma_start3A_67, %dma_start3A_68] : memref<10000x128xf32, #tpu.memory_space<hbm>> -> memref<10000x128xf32, #tpu.memory_space<hbm>>
    tpu.enqueue_indirect_dma source(%dma_start3A_69 : memref<10000x128xf32, #tpu.memory_space<hbm>>) target(%dma_start3A_63 : memref<40x128xf32, #tpu.memory_space<vmem>>) offsets(%dma_start3A_66 : memref<40xi32, #tpu.memory_space<vmem>>) semaphore(%arg16 : memref<!tpu.dma_semaphore, #tpu.memory_space<semaphore_mem>>)
    %dma_start3A_70 = arith.constant 0 : i32
    %dma_start3A_71 = arith.constant 0 : i32
    %dma_start3A_72 = arith.constant 0 : i32
    %dma_start3A_73 = tpu.memref_slice %arg14[%dma_start3A_70, %dma_start3A_71, %dma_start3A_72] : memref<2x40x64xf32, #tpu.memory_space<vmem>> -> memref<1x40x64xf32, #tpu.memory_space<vmem>>
    %dma_start3A_74 = tpu.memref_squeeze %dma_start3A_73 : memref<1x40x64xf32, #tpu.memory_space<vmem>> -> memref<40x64xf32, #tpu.memory_space<vmem>>
    %dma_start3A_75 = arith.constant 0 : i32
    %dma_start3A_76 = tpu.memref_slice %arg4[%add3A_11, %dma_start3A_75] : memref<320000x64xf32, #tpu.memory_space<hbm>> -> memref<40x64xf32, #tpu.memory_space<hbm>>
    %dma_start3A_77 = arith.constant 0 : i32
    %dma_start3A_78 = arith.constant 0 : i32
    %dma_start3A_79 = tpu.memref_slice %arg14[%dma_start3A_70, %dma_start3A_77, %dma_start3A_78] : memref<2x40x64xf32, #tpu.memory_space<vmem>> -> memref<1x40x64xf32, #tpu.memory_space<vmem>>
    %dma_start3A_80 = tpu.memref_squeeze %dma_start3A_79 : memref<1x40x64xf32, #tpu.memory_space<vmem>> -> memref<40x64xf32, #tpu.memory_space<vmem>>
    %dma_start3A_81 = arith.constant 0 : i32
    %dma_start3A_82 = tpu.memref_slice %arg4[%add3A_11, %dma_start3A_81] : memref<320000x64xf32, #tpu.memory_space<hbm>> -> memref<40x64xf32, #tpu.memory_space<hbm>>
    tpu.enqueue_dma source(%dma_start3A_82 : memref<40x64xf32, #tpu.memory_space<hbm>>) target(%dma_start3A_80 : memref<40x64xf32, #tpu.memory_space<vmem>>) target_semaphore(%arg16 : memref<!tpu.dma_semaphore, #tpu.memory_space<semaphore_mem>>)
    %scan3A_83 = arith.constant 0 : i32
    %scan3A_84 = arith.constant 0 : i32
    %scan3A_85 = arith.constant 125 : i32
    %scan3A_86 = arith.addi %scan3A_84, %scan3A_85 : i32
    %scan3A_87 = arith.constant 1 : i32
    scf.for %scan3A_90 = %scan3A_84 to %scan3A_86 step %scan3A_87  : i32 {
      %mul3A_91 = arith.constant 2 : i32
      %mul3A_92 = arith.muli %mul3A_91, %scan3A_90 : i32
      %add3A_93 = arith.constant 1 : i32
      %add3A_94 = arith.addi %mul3A_92, %add3A_93 : i32
      %lt3A = arith.constant 250 : i32
      %lt3A_95 = arith.cmpi slt, %add3A_94, %lt3A : i32
      %convert_element_type3A = arith.extui %lt3A_95 : i1 to i32
      %cond3A = arith.constant 0 : i32
      %cond3A_96 = arith.cmpi ne, %convert_element_type3A, %cond3A : i32
      scf.if %cond3A_96 {
        %add3A_162 = arith.constant 1 : i32
        %add3A_163 = arith.addi %mul3A_92, %add3A_162 : i32
        %mul3A_164 = arith.constant 40 : i32
        %mul3A_165 = arith.muli %add3A_163, %mul3A_164 : i32
        %add3A_166 = arith.addi %mul3A_9, %mul3A_165 : i32
        %dma_start3A_167 = arith.constant 1 : i32
        %dma_start3A_168 = arith.constant 0 : i32
        %dma_start3A_169 = tpu.memref_slice %arg10[%dma_start3A_167, %dma_start3A_168] : memref<2x40xi32, #tpu.memory_space<vmem>> -> memref<1x40xi32, #tpu.memory_space<vmem>>
        %dma_start3A_170 = tpu.memref_squeeze %dma_start3A_169 : memref<1x40xi32, #tpu.memory_space<vmem>> -> memref<40xi32, #tpu.memory_space<vmem>>
        %dma_start3A_171 = tpu.memref_slice %arg5[%add3A_166] : memref<320000xi32, #tpu.memory_space<hbm>> -> memref<40xi32, #tpu.memory_space<hbm>>
        %dma_start3A_172 = arith.constant 0 : i32
        %dma_start3A_173 = tpu.memref_slice %arg10[%dma_start3A_167, %dma_start3A_172] : memref<2x40xi32, #tpu.memory_space<vmem>> -> memref<1x40xi32, #tpu.memory_space<vmem>>
        %dma_start3A_174 = tpu.memref_squeeze %dma_start3A_173 : memref<1x40xi32, #tpu.memory_space<vmem>> -> memref<40xi32, #tpu.memory_space<vmem>>
        %dma_start3A_175 = tpu.memref_slice %arg5[%add3A_166] : memref<320000xi32, #tpu.memory_space<hbm>> -> memref<40xi32, #tpu.memory_space<hbm>>
        tpu.enqueue_dma source(%dma_start3A_175 : memref<40xi32, #tpu.memory_space<hbm>>) target(%dma_start3A_174 : memref<40xi32, #tpu.memory_space<vmem>>) target_semaphore(%arg19 : memref<!tpu.dma_semaphore, #tpu.memory_space<semaphore_mem>>)
        %dma_start3A_176 = arith.constant 1 : i32
        %dma_start3A_177 = arith.constant 0 : i32
        %dma_start3A_178 = tpu.memref_slice %arg11[%dma_start3A_176, %dma_start3A_177] : memref<2x40xi32, #tpu.memory_space<vmem>> -> memref<1x40xi32, #tpu.memory_space<vmem>>
        %dma_start3A_179 = tpu.memref_squeeze %dma_start3A_178 : memref<1x40xi32, #tpu.memory_space<vmem>> -> memref<40xi32, #tpu.memory_space<vmem>>
        %dma_start3A_180 = tpu.memref_slice %arg6[%add3A_166] : memref<320000xi32, #tpu.memory_space<hbm>> -> memref<40xi32, #tpu.memory_space<hbm>>
        %dma_start3A_181 = arith.constant 0 : i32
        %dma_start3A_182 = tpu.memref_slice %arg11[%dma_start3A_176, %dma_start3A_181] : memref<2x40xi32, #tpu.memory_space<vmem>> -> memref<1x40xi32, #tpu.memory_space<vmem>>
        %dma_start3A_183 = tpu.memref_squeeze %dma_start3A_182 : memref<1x40xi32, #tpu.memory_space<vmem>> -> memref<40xi32, #tpu.memory_space<vmem>>
        %dma_start3A_184 = tpu.memref_slice %arg6[%add3A_166] : memref<320000xi32, #tpu.memory_space<hbm>> -> memref<40xi32, #tpu.memory_space<hbm>>
        tpu.enqueue_dma source(%dma_start3A_184 : memref<40xi32, #tpu.memory_space<hbm>>) target(%dma_start3A_183 : memref<40xi32, #tpu.memory_space<vmem>>) target_semaphore(%arg19 : memref<!tpu.dma_semaphore, #tpu.memory_space<semaphore_mem>>)
        %dma_wait3A_185 = arith.constant 1 : i32
        %dma_wait3A_186 = arith.constant 0 : i32
        %dma_wait3A_187 = tpu.memref_slice %arg10[%dma_wait3A_185, %dma_wait3A_186] : memref<2x40xi32, #tpu.memory_space<vmem>> -> memref<1x40xi32, #tpu.memory_space<vmem>>
        %dma_wait3A_188 = tpu.memref_squeeze %dma_wait3A_187 : memref<1x40xi32, #tpu.memory_space<vmem>> -> memref<40xi32, #tpu.memory_space<vmem>>
        %dma_wait3A_189 = tpu.memref_slice %arg5[%add3A_166] : memref<320000xi32, #tpu.memory_space<hbm>> -> memref<40xi32, #tpu.memory_space<hbm>>
        %dma_wait3A_190 = arith.constant 0 : i32
        %dma_wait3A_191 = tpu.memref_slice %arg10[%dma_wait3A_185, %dma_wait3A_190] : memref<2x40xi32, #tpu.memory_space<vmem>> -> memref<1x40xi32, #tpu.memory_space<vmem>>
        %dma_wait3A_192 = tpu.memref_squeeze %dma_wait3A_191 : memref<1x40xi32, #tpu.memory_space<vmem>> -> memref<40xi32, #tpu.memory_space<vmem>>
        %dma_wait3A_193 = tpu.memref_slice %arg5[%add3A_166] : memref<320000xi32, #tpu.memory_space<hbm>> -> memref<40xi32, #tpu.memory_space<hbm>>
        tpu.wait_dma2 semaphore(%arg19 : memref<!tpu.dma_semaphore, #tpu.memory_space<semaphore_mem>>) src(%dma_wait3A_193 : memref<40xi32, #tpu.memory_space<hbm>>) dst(%dma_wait3A_192 : memref<40xi32, #tpu.memory_space<vmem>>)
        %dma_wait3A_194 = arith.constant 1 : i32
        %dma_wait3A_195 = arith.constant 0 : i32
        %dma_wait3A_196 = tpu.memref_slice %arg11[%dma_wait3A_194, %dma_wait3A_195] : memref<2x40xi32, #tpu.memory_space<vmem>> -> memref<1x40xi32, #tpu.memory_space<vmem>>
        %dma_wait3A_197 = tpu.memref_squeeze %dma_wait3A_196 : memref<1x40xi32, #tpu.memory_space<vmem>> -> memref<40xi32, #tpu.memory_space<vmem>>
        %dma_wait3A_198 = tpu.memref_slice %arg6[%add3A_166] : memref<320000xi32, #tpu.memory_space<hbm>> -> memref<40xi32, #tpu.memory_space<hbm>>
        %dma_wait3A_199 = arith.constant 0 : i32
        %dma_wait3A_200 = tpu.memref_slice %arg11[%dma_wait3A_194, %dma_wait3A_199] : memref<2x40xi32, #tpu.memory_space<vmem>> -> memref<1x40xi32, #tpu.memory_space<vmem>>
        %dma_wait3A_201 = tpu.memref_squeeze %dma_wait3A_200 : memref<1x40xi32, #tpu.memory_space<vmem>> -> memref<40xi32, #tpu.memory_space<vmem>>
        %dma_wait3A_202 = tpu.memref_slice %arg6[%add3A_166] : memref<320000xi32, #tpu.memory_space<hbm>> -> memref<40xi32, #tpu.memory_space<hbm>>
        tpu.wait_dma2 semaphore(%arg19 : memref<!tpu.dma_semaphore, #tpu.memory_space<semaphore_mem>>) src(%dma_wait3A_202 : memref<40xi32, #tpu.memory_space<hbm>>) dst(%dma_wait3A_201 : memref<40xi32, #tpu.memory_space<vmem>>)
        %dma_start3A_203 = arith.constant 1 : i32
        %dma_start3A_204 = arith.constant 1 : i32
        %dma_start3A_205 = arith.constant 0 : i32
        %dma_start3A_206 = arith.constant 0 : i32
        %dma_start3A_207 = tpu.memref_slice %arg12[%dma_start3A_204, %dma_start3A_205, %dma_start3A_206] : memref<2x40x128xf32, #tpu.memory_space<vmem>> -> memref<1x40x128xf32, #tpu.memory_space<vmem>>
        %dma_start3A_208 = tpu.memref_squeeze %dma_start3A_207 : memref<1x40x128xf32, #tpu.memory_space<vmem>> -> memref<40x128xf32, #tpu.memory_space<vmem>>
        %dma_start3A_209 = arith.constant 0 : i32
        %dma_start3A_210 = tpu.memref_slice %arg10[%dma_start3A_203, %dma_start3A_209] : memref<2x40xi32, #tpu.memory_space<vmem>> -> memref<1x40xi32, #tpu.memory_space<vmem>>
        %dma_start3A_211 = tpu.memref_squeeze %dma_start3A_210 : memref<1x40xi32, #tpu.memory_space<vmem>> -> memref<40xi32, #tpu.memory_space<vmem>>
        %dma_start3A_212 = arith.constant 0 : i32
        %dma_start3A_213 = arith.constant 0 : i32
        %dma_start3A_214 = tpu.memref_slice %arg3[%dma_start3A_212, %dma_start3A_213] : memref<10000x128xf32, #tpu.memory_space<hbm>> -> memref<10000x128xf32, #tpu.memory_space<hbm>>
        tpu.enqueue_indirect_dma source(%dma_start3A_214 : memref<10000x128xf32, #tpu.memory_space<hbm>>) target(%dma_start3A_208 : memref<40x128xf32, #tpu.memory_space<vmem>>) offsets(%dma_start3A_211 : memref<40xi32, #tpu.memory_space<vmem>>) semaphore(%arg17 : memref<!tpu.dma_semaphore, #tpu.memory_space<semaphore_mem>>)
        %dma_start3A_215 = arith.constant 1 : i32
        %dma_start3A_216 = arith.constant 1 : i32
        %dma_start3A_217 = arith.constant 0 : i32
        %dma_start3A_218 = arith.constant 0 : i32
        %dma_start3A_219 = tpu.memref_slice %arg13[%dma_start3A_216, %dma_start3A_217, %dma_start3A_218] : memref<2x40x128xf32, #tpu.memory_space<vmem>> -> memref<1x40x128xf32, #tpu.memory_space<vmem>>
        %dma_start3A_220 = tpu.memref_squeeze %dma_start3A_219 : memref<1x40x128xf32, #tpu.memory_space<vmem>> -> memref<40x128xf32, #tpu.memory_space<vmem>>
        %dma_start3A_221 = arith.constant 0 : i32
        %dma_start3A_222 = tpu.memref_slice %arg11[%dma_start3A_215, %dma_start3A_221] : memref<2x40xi32, #tpu.memory_space<vmem>> -> memref<1x40xi32, #tpu.memory_space<vmem>>
        %dma_start3A_223 = tpu.memref_squeeze %dma_start3A_222 : memref<1x40xi32, #tpu.memory_space<vmem>> -> memref<40xi32, #tpu.memory_space<vmem>>
        %dma_start3A_224 = arith.constant 0 : i32
        %dma_start3A_225 = arith.constant 0 : i32
        %dma_start3A_226 = tpu.memref_slice %arg2[%dma_start3A_224, %dma_start3A_225] : memref<10000x128xf32, #tpu.memory_space<hbm>> -> memref<10000x128xf32, #tpu.memory_space<hbm>>
        tpu.enqueue_indirect_dma source(%dma_start3A_226 : memref<10000x128xf32, #tpu.memory_space<hbm>>) target(%dma_start3A_220 : memref<40x128xf32, #tpu.memory_space<vmem>>) offsets(%dma_start3A_223 : memref<40xi32, #tpu.memory_space<vmem>>) semaphore(%arg17 : memref<!tpu.dma_semaphore, #tpu.memory_space<semaphore_mem>>)
        %dma_start3A_227 = arith.constant 1 : i32
        %dma_start3A_228 = arith.constant 0 : i32
        %dma_start3A_229 = arith.constant 0 : i32
        %dma_start3A_230 = tpu.memref_slice %arg14[%dma_start3A_227, %dma_start3A_228, %dma_start3A_229] : memref<2x40x64xf32, #tpu.memory_space<vmem>> -> memref<1x40x64xf32, #tpu.memory_space<vmem>>
        %dma_start3A_231 = tpu.memref_squeeze %dma_start3A_230 : memref<1x40x64xf32, #tpu.memory_space<vmem>> -> memref<40x64xf32, #tpu.memory_space<vmem>>
        %dma_start3A_232 = arith.constant 0 : i32
        %dma_start3A_233 = tpu.memref_slice %arg4[%add3A_166, %dma_start3A_232] : memref<320000x64xf32, #tpu.memory_space<hbm>> -> memref<40x64xf32, #tpu.memory_space<hbm>>
        %dma_start3A_234 = arith.constant 0 : i32
        %dma_start3A_235 = arith.constant 0 : i32
        %dma_start3A_236 = tpu.memref_slice %arg14[%dma_start3A_227, %dma_start3A_234, %dma_start3A_235] : memref<2x40x64xf32, #tpu.memory_space<vmem>> -> memref<1x40x64xf32, #tpu.memory_space<vmem>>
        %dma_start3A_237 = tpu.memref_squeeze %dma_start3A_236 : memref<1x40x64xf32, #tpu.memory_space<vmem>> -> memref<40x64xf32, #tpu.memory_space<vmem>>
        %dma_start3A_238 = arith.constant 0 : i32
        %dma_start3A_239 = tpu.memref_slice %arg4[%add3A_166, %dma_start3A_238] : memref<320000x64xf32, #tpu.memory_space<hbm>> -> memref<40x64xf32, #tpu.memory_space<hbm>>
        tpu.enqueue_dma source(%dma_start3A_239 : memref<40x64xf32, #tpu.memory_space<hbm>>) target(%dma_start3A_237 : memref<40x64xf32, #tpu.memory_space<vmem>>) target_semaphore(%arg17 : memref<!tpu.dma_semaphore, #tpu.memory_space<semaphore_mem>>)
      } else {
      }
      %dma_wait3A_97 = arith.constant 0 : i32
      %dma_wait3A_98 = arith.constant 0 : i32
      %dma_wait3A_99 = arith.constant 0 : i32
      %dma_wait3A_100 = tpu.memref_slice %arg12[%dma_wait3A_97, %dma_wait3A_98, %dma_wait3A_99] : memref<2x40x128xf32, #tpu.memory_space<vmem>> -> memref<1x40x128xf32, #tpu.memory_space<vmem>>
      %dma_wait3A_101 = tpu.memref_squeeze %dma_wait3A_100 : memref<1x40x128xf32, #tpu.memory_space<vmem>> -> memref<40x128xf32, #tpu.memory_space<vmem>>
      %dma_wait3A_102 = arith.constant 0 : i32
      %dma_wait3A_103 = arith.constant 0 : i32
      %dma_wait3A_104 = tpu.memref_slice %arg3[%dma_wait3A_102, %dma_wait3A_103] : memref<10000x128xf32, #tpu.memory_space<hbm>> -> memref<40x128xf32, #tpu.memory_space<hbm>>
      %dma_wait3A_105 = arith.constant 0 : i32
      %dma_wait3A_106 = arith.constant 0 : i32
      %dma_wait3A_107 = tpu.memref_slice %arg12[%dma_wait3A_97, %dma_wait3A_105, %dma_wait3A_106] : memref<2x40x128xf32, #tpu.memory_space<vmem>> -> memref<1x40x128xf32, #tpu.memory_space<vmem>>
      %dma_wait3A_108 = tpu.memref_squeeze %dma_wait3A_107 : memref<1x40x128xf32, #tpu.memory_space<vmem>> -> memref<40x128xf32, #tpu.memory_space<vmem>>
      %dma_wait3A_109 = arith.constant 0 : i32
      %dma_wait3A_110 = arith.constant 0 : i32
      %dma_wait3A_111 = tpu.memref_slice %arg3[%dma_wait3A_109, %dma_wait3A_110] : memref<10000x128xf32, #tpu.memory_space<hbm>> -> memref<40x128xf32, #tpu.memory_space<hbm>>
      tpu.wait_dma2 semaphore(%arg16 : memref<!tpu.dma_semaphore, #tpu.memory_space<semaphore_mem>>) src(%dma_wait3A_111 : memref<40x128xf32, #tpu.memory_space<hbm>>) dst(%dma_wait3A_108 : memref<40x128xf32, #tpu.memory_space<vmem>>)
      %dma_wait3A_112 = arith.constant 0 : i32
      %dma_wait3A_113 = arith.constant 0 : i32
      %dma_wait3A_114 = arith.constant 0 : i32
      %dma_wait3A_115 = tpu.memref_slice %arg13[%dma_wait3A_112, %dma_wait3A_113, %dma_wait3A_114] : memref<2x40x128xf32, #tpu.memory_space<vmem>> -> memref<1x40x128xf32, #tpu.memory_space<vmem>>
      %dma_wait3A_116 = tpu.memref_squeeze %dma_wait3A_115 : memref<1x40x128xf32, #tpu.memory_space<vmem>> -> memref<40x128xf32, #tpu.memory_space<vmem>>
      %dma_wait3A_117 = arith.constant 0 : i32
      %dma_wait3A_118 = arith.constant 0 : i32
      %dma_wait3A_119 = tpu.memref_slice %arg2[%dma_wait3A_117, %dma_wait3A_118] : memref<10000x128xf32, #tpu.memory_space<hbm>> -> memref<40x128xf32, #tpu.memory_space<hbm>>
      %dma_wait3A_120 = arith.constant 0 : i32
      %dma_wait3A_121 = arith.constant 0 : i32
      %dma_wait3A_122 = tpu.memref_slice %arg13[%dma_wait3A_112, %dma_wait3A_120, %dma_wait3A_121] : memref<2x40x128xf32, #tpu.memory_space<vmem>> -> memref<1x40x128xf32, #tpu.memory_space<vmem>>
      %dma_wait3A_123 = tpu.memref_squeeze %dma_wait3A_122 : memref<1x40x128xf32, #tpu.memory_space<vmem>> -> memref<40x128xf32, #tpu.memory_space<vmem>>
      %dma_wait3A_124 = arith.constant 0 : i32
      %dma_wait3A_125 = arith.constant 0 : i32
      %dma_wait3A_126 = tpu.memref_slice %arg2[%dma_wait3A_124, %dma_wait3A_125] : memref<10000x128xf32, #tpu.memory_space<hbm>> -> memref<40x128xf32, #tpu.memory_space<hbm>>
      tpu.wait_dma2 semaphore(%arg16 : memref<!tpu.dma_semaphore, #tpu.memory_space<semaphore_mem>>) src(%dma_wait3A_126 : memref<40x128xf32, #tpu.memory_space<hbm>>) dst(%dma_wait3A_123 : memref<40x128xf32, #tpu.memory_space<vmem>>)
      %dma_wait3A_127 = arith.constant 0 : i32
      %dma_wait3A_128 = arith.constant 0 : i32
      %dma_wait3A_129 = arith.constant 0 : i32
      %dma_wait3A_130 = tpu.memref_slice %arg14[%dma_wait3A_127, %dma_wait3A_128, %dma_wait3A_129] : memref<2x40x64xf32, #tpu.memory_space<vmem>> -> memref<1x40x64xf32, #tpu.memory_space<vmem>>
      %dma_wait3A_131 = tpu.memref_squeeze %dma_wait3A_130 : memref<1x40x64xf32, #tpu.memory_space<vmem>> -> memref<40x64xf32, #tpu.memory_space<vmem>>
      %dma_wait3A_132 = arith.constant 0 : i32
      %dma_wait3A_133 = arith.constant 0 : i32
      %dma_wait3A_134 = tpu.memref_slice %arg4[%dma_wait3A_132, %dma_wait3A_133] : memref<320000x64xf32, #tpu.memory_space<hbm>> -> memref<40x64xf32, #tpu.memory_space<hbm>>
      %dma_wait3A_135 = arith.constant 0 : i32
      %dma_wait3A_136 = arith.constant 0 : i32
      %dma_wait3A_137 = tpu.memref_slice %arg14[%dma_wait3A_127, %dma_wait3A_135, %dma_wait3A_136] : memref<2x40x64xf32, #tpu.memory_space<vmem>> -> memref<1x40x64xf32, #tpu.memory_space<vmem>>
      %dma_wait3A_138 = tpu.memref_squeeze %dma_wait3A_137 : memref<1x40x64xf32, #tpu.memory_space<vmem>> -> memref<40x64xf32, #tpu.memory_space<vmem>>
      %dma_wait3A_139 = arith.constant 0 : i32
      %dma_wait3A_140 = arith.constant 0 : i32
      %dma_wait3A_141 = tpu.memref_slice %arg4[%dma_wait3A_139, %dma_wait3A_140] : memref<320000x64xf32, #tpu.memory_space<hbm>> -> memref<40x64xf32, #tpu.memory_space<hbm>>
      tpu.wait_dma2 semaphore(%arg16 : memref<!tpu.dma_semaphore, #tpu.memory_space<semaphore_mem>>) src(%dma_wait3A_141 : memref<40x64xf32, #tpu.memory_space<hbm>>) dst(%dma_wait3A_138 : memref<40x64xf32, #tpu.memory_space<vmem>>)
      %scan3A_142 = arith.constant 0 : i32
      %scan3A_143 = arith.constant 0 : i32
      %scan3A_144 = arith.constant 40 : i32
      %scan3A_145 = arith.addi %scan3A_143, %scan3A_144 : i32
      %scan3A_146 = arith.constant 1 : i32
      scf.for %scan3A_162 = %scan3A_143 to %scan3A_145 step %scan3A_146  : i32 {
        %get3A = arith.constant 0 : i32
        %get3A_163 = arith.index_cast %get3A : i32 to index
        %get3A_164 = arith.index_cast %scan3A_162 : i32 to index
        %get3A_165 = arith.constant 0 : index
        %get3A_166 = tpu.vector_load %arg12[%get3A_163, %get3A_164, %get3A_165] {strides = array<i32>} : memref<2x40x128xf32, #tpu.memory_space<vmem>>, vector<1x1x16xf32>,
        %get3A_167 = vector.shape_cast %get3A_166 : vector<1x1x16xf32> to vector<16xf32>
        %get3A_168 = arith.constant 0 : i32
        %get3A_169 = arith.index_cast %get3A_168 : i32 to index
        %get3A_170 = arith.index_cast %scan3A_162 : i32 to index
        %get3A_171 = arith.constant 0 : index
        %get3A_172 = tpu.vector_load %arg13[%get3A_169, %get3A_170, %get3A_171] {strides = array<i32>} : memref<2x40x128xf32, #tpu.memory_space<vmem>>, vector<1x1x16xf32>,
        %get3A_173 = vector.shape_cast %get3A_172 : vector<1x1x16xf32> to vector<16xf32>
        %mul3A_174 = arith.mulf %get3A_167, %get3A_173 : vector<16xf32>
        %get3A_175 = arith.constant 0 : i32
        %get3A_176 = arith.index_cast %get3A_175 : i32 to index
        %get3A_177 = arith.index_cast %scan3A_162 : i32 to index
        %get3A_178 = arith.constant 0 : index
        %get3A_179 = tpu.vector_load %arg14[%get3A_176, %get3A_177, %get3A_178] {strides = array<i32>} : memref<2x40x64xf32, #tpu.memory_space<vmem>>, vector<1x1x16xf32>,
        %get3A_180 = vector.shape_cast %get3A_179 : vector<1x1x16xf32> to vector<16xf32>
        %mul3A_181 = arith.mulf %mul3A_174, %get3A_180 : vector<16xf32>
        %get3A_182 = arith.constant 0 : i32
        %get3A_183 = arith.index_cast %get3A_182 : i32 to index
        %get3A_184 = arith.index_cast %scan3A_162 : i32 to index
        %get3A_185 = arith.constant 16 : index
        %get3A_186 = tpu.vector_load %arg12[%get3A_183, %get3A_184, %get3A_185] {strides = array<i32>} : memref<2x40x128xf32, #tpu.memory_space<vmem>>, vector<1x1x16xf32>,
        %get3A_187 = vector.shape_cast %get3A_186 : vector<1x1x16xf32> to vector<16xf32>
        %get3A_188 = arith.constant 0 : i32
        %get3A_189 = arith.index_cast %get3A_188 : i32 to index
        %get3A_190 = arith.index_cast %scan3A_162 : i32 to index
        %get3A_191 = arith.constant 16 : index
        %get3A_192 = tpu.vector_load %arg13[%get3A_189, %get3A_190, %get3A_191] {strides = array<i32>} : memref<2x40x128xf32, #tpu.memory_space<vmem>>, vector<1x1x16xf32>,
        %get3A_193 = vector.shape_cast %get3A_192 : vector<1x1x16xf32> to vector<16xf32>
        %mul3A_194 = arith.mulf %get3A_187, %get3A_193 : vector<16xf32>
        %get3A_195 = arith.constant 0 : i32
        %get3A_196 = arith.index_cast %get3A_195 : i32 to index
        %get3A_197 = arith.index_cast %scan3A_162 : i32 to index
        %get3A_198 = arith.constant 16 : index
        %get3A_199 = tpu.vector_load %arg14[%get3A_196, %get3A_197, %get3A_198] {strides = array<i32>} : memref<2x40x64xf32, #tpu.memory_space<vmem>>, vector<1x1x16xf32>,
        %get3A_200 = vector.shape_cast %get3A_199 : vector<1x1x16xf32> to vector<16xf32>
        %mul3A_201 = arith.mulf %mul3A_194, %get3A_200 : vector<16xf32>
        %add3A_202 = arith.addf %mul3A_181, %mul3A_201 : vector<16xf32>
        %get3A_203 = arith.constant 0 : i32
        %get3A_204 = arith.index_cast %get3A_203 : i32 to index
        %get3A_205 = arith.index_cast %scan3A_162 : i32 to index
        %get3A_206 = arith.constant 32 : index
        %get3A_207 = tpu.vector_load %arg12[%get3A_204, %get3A_205, %get3A_206] {strides = array<i32>} : memref<2x40x128xf32, #tpu.memory_space<vmem>>, vector<1x1x16xf32>,
        %get3A_208 = vector.shape_cast %get3A_207 : vector<1x1x16xf32> to vector<16xf32>
        %get3A_209 = arith.constant 0 : i32
        %get3A_210 = arith.index_cast %get3A_209 : i32 to index
        %get3A_211 = arith.index_cast %scan3A_162 : i32 to index
        %get3A_212 = arith.constant 32 : index
        %get3A_213 = tpu.vector_load %arg13[%get3A_210, %get3A_211, %get3A_212] {strides = array<i32>} : memref<2x40x128xf32, #tpu.memory_space<vmem>>, vector<1x1x16xf32>,
        %get3A_214 = vector.shape_cast %get3A_213 : vector<1x1x16xf32> to vector<16xf32>
        %mul3A_215 = arith.mulf %get3A_208, %get3A_214 : vector<16xf32>
        %get3A_216 = arith.constant 0 : i32
        %get3A_217 = arith.index_cast %get3A_216 : i32 to index
        %get3A_218 = arith.index_cast %scan3A_162 : i32 to index
        %get3A_219 = arith.constant 32 : index
        %get3A_220 = tpu.vector_load %arg14[%get3A_217, %get3A_218, %get3A_219] {strides = array<i32>} : memref<2x40x64xf32, #tpu.memory_space<vmem>>, vector<1x1x16xf32>,
        %get3A_221 = vector.shape_cast %get3A_220 : vector<1x1x16xf32> to vector<16xf32>
        %mul3A_222 = arith.mulf %mul3A_215, %get3A_221 : vector<16xf32>
        %add3A_223 = arith.addf %add3A_202, %mul3A_222 : vector<16xf32>
        %get3A_224 = arith.constant 0 : i32
        %get3A_225 = arith.index_cast %get3A_224 : i32 to index
        %get3A_226 = arith.index_cast %scan3A_162 : i32 to index
        %get3A_227 = arith.constant 48 : index
        %get3A_228 = tpu.vector_load %arg12[%get3A_225, %get3A_226, %get3A_227] {strides = array<i32>} : memref<2x40x128xf32, #tpu.memory_space<vmem>>, vector<1x1x16xf32>,
        %get3A_229 = vector.shape_cast %get3A_228 : vector<1x1x16xf32> to vector<16xf32>
        %get3A_230 = arith.constant 0 : i32
        %get3A_231 = arith.index_cast %get3A_230 : i32 to index
        %get3A_232 = arith.index_cast %scan3A_162 : i32 to index
        %get3A_233 = arith.constant 48 : index
        %get3A_234 = tpu.vector_load %arg13[%get3A_231, %get3A_232, %get3A_233] {strides = array<i32>} : memref<2x40x128xf32, #tpu.memory_space<vmem>>, vector<1x1x16xf32>,
        %get3A_235 = vector.shape_cast %get3A_234 : vector<1x1x16xf32> to vector<16xf32>
        %mul3A_236 = arith.mulf %get3A_229, %get3A_235 : vector<16xf32>
        %get3A_237 = arith.constant 0 : i32
        %get3A_238 = arith.index_cast %get3A_237 : i32 to index
        %get3A_239 = arith.index_cast %scan3A_162 : i32 to index
        %get3A_240 = arith.constant 48 : index
        %get3A_241 = tpu.vector_load %arg14[%get3A_238, %get3A_239, %get3A_240] {strides = array<i32>} : memref<2x40x64xf32, #tpu.memory_space<vmem>>, vector<1x1x16xf32>,
        %get3A_242 = vector.shape_cast %get3A_241 : vector<1x1x16xf32> to vector<16xf32>
        %mul3A_243 = arith.mulf %mul3A_236, %get3A_242 : vector<16xf32>
        %add3A_244 = arith.addf %add3A_223, %mul3A_243 : vector<16xf32>
        %rev3A = arith.constant 15 : i32
        %rev3A_245 = vector.broadcast %rev3A : i32 to vector<16xi32>
        %rev3A_246 = tpu.iota {dimensions = array<i32: 0>} : vector<16xi32>
        %rev3A_247 = arith.subi %rev3A_245, %rev3A_246 : vector<16xi32>
        %rev3A_248 = tpu.dynamic_gather %add3A_244[%rev3A_247] in [0] : vector<16xf32>, vector<16xi32> -> vector<16xf32>
        %add3A_249 = arith.addf %add3A_244, %rev3A_248 : vector<16xf32>
        %max3A = arith.constant -5.000000e+00 : f32
        %max3A_250 = vector.broadcast %max3A : f32 to vector<16xf32>
        %max3A_251 = arith.maximumf %add3A_249, %max3A_250 : vector<16xf32>
        %min3A = arith.constant 5.000000e+00 : f32
        %min3A_252 = vector.broadcast %min3A : f32 to vector<16xf32>
        %min3A_253 = arith.minimumf %max3A_251, %min3A_252 : vector<16xf32>
        %exp3A = math.exp %min3A_253 : vector<16xf32>
        %get3A_254 = arith.constant 0 : i32
        %get3A_255 = arith.index_cast %get3A_254 : i32 to index
        %get3A_256 = arith.index_cast %scan3A_162 : i32 to index
        %get3A_257 = arith.constant 64 : index
        %get3A_258 = tpu.vector_load %arg12[%get3A_255, %get3A_256, %get3A_257] {strides = array<i32>} : memref<2x40x128xf32, #tpu.memory_space<vmem>>, vector<1x1x16xf32>,
        %get3A_259 = vector.shape_cast %get3A_258 : vector<1x1x16xf32> to vector<16xf32>
        %mul3A_260 = arith.mulf %get3A_259, %exp3A : vector<16xf32>
        %swap3A = arith.index_cast %scan3A_162 : i32 to index
        %swap3A_261 = arith.constant 0 : index
        %swap3A_262 = tpu.vector_load %arg15[%swap3A, %swap3A_261] {strides = array<i32>} : memref<40x128xf32, #tpu.memory_space<vmem>>, vector<1x16xf32>,
        %swap3A_263 = vector.shape_cast %swap3A_262 : vector<1x16xf32> to vector<16xf32>
        %swap3A_264 = vector.shape_cast %mul3A_260 : vector<16xf32> to vector<1x16xf32>
        tpu.vector_store %arg15[%swap3A, %swap3A_261], %swap3A_264 {strides = array<i32>} : memref<40x128xf32, #tpu.memory_space<vmem>>, vector<1x16xf32>,
        %get3A_265 = arith.constant 0 : i32
        %get3A_266 = arith.index_cast %get3A_265 : i32 to index
        %get3A_267 = arith.index_cast %scan3A_162 : i32 to index
        %get3A_268 = arith.constant 80 : index
        %get3A_269 = tpu.vector_load %arg12[%get3A_266, %get3A_267, %get3A_268] {strides = array<i32>} : memref<2x40x128xf32, #tpu.memory_space<vmem>>, vector<1x1x16xf32>,
        %get3A_270 = vector.shape_cast %get3A_269 : vector<1x1x16xf32> to vector<16xf32>
        %mul3A_271 = arith.mulf %get3A_270, %exp3A : vector<16xf32>
        %swap3A_272 = arith.index_cast %scan3A_162 : i32 to index
        %swap3A_273 = arith.constant 16 : index
        %swap3A_274 = tpu.vector_load %arg15[%swap3A_272, %swap3A_273] {strides = array<i32>} : memref<40x128xf32, #tpu.memory_space<vmem>>, vector<1x16xf32>,
        %swap3A_275 = vector.shape_cast %swap3A_274 : vector<1x16xf32> to vector<16xf32>
        %swap3A_276 = vector.shape_cast %mul3A_271 : vector<16xf32> to vector<1x16xf32>
        tpu.vector_store %arg15[%swap3A_272, %swap3A_273], %swap3A_276 {strides = array<i32>} : memref<40x128xf32, #tpu.memory_space<vmem>>, vector<1x16xf32>,
        %get3A_277 = arith.constant 0 : i32
        %get3A_278 = arith.index_cast %get3A_277 : i32 to index
        %get3A_279 = arith.index_cast %scan3A_162 : i32 to index
        %get3A_280 = arith.constant 96 : index
        %get3A_281 = tpu.vector_load %arg12[%get3A_278, %get3A_279, %get3A_280] {strides = array<i32>} : memref<2x40x128xf32, #tpu.memory_space<vmem>>, vector<1x1x16xf32>,
        %get3A_282 = vector.shape_cast %get3A_281 : vector<1x1x16xf32> to vector<16xf32>
        %mul3A_283 = arith.mulf %get3A_282, %exp3A : vector<16xf32>
        %swap3A_284 = arith.index_cast %scan3A_162 : i32 to index
        %swap3A_285 = arith.constant 32 : index
        %swap3A_286 = tpu.vector_load %arg15[%swap3A_284, %swap3A_285] {strides = array<i32>} : memref<40x128xf32, #tpu.memory_space<vmem>>, vector<1x16xf32>,
        %swap3A_287 = vector.shape_cast %swap3A_286 : vector<1x16xf32> to vector<16xf32>
        %swap3A_288 = vector.shape_cast %mul3A_283 : vector<16xf32> to vector<1x16xf32>
        tpu.vector_store %arg15[%swap3A_284, %swap3A_285], %swap3A_288 {strides = array<i32>} : memref<40x128xf32, #tpu.memory_space<vmem>>, vector<1x16xf32>,
        %get3A_289 = arith.constant 0 : i32
        %get3A_290 = arith.index_cast %get3A_289 : i32 to index
        %get3A_291 = arith.index_cast %scan3A_162 : i32 to index
        %get3A_292 = arith.constant 112 : index
        %get3A_293 = tpu.vector_load %arg12[%get3A_290, %get3A_291, %get3A_292] {strides = array<i32>} : memref<2x40x128xf32, #tpu.memory_space<vmem>>, vector<1x1x16xf32>,
        %get3A_294 = vector.shape_cast %get3A_293 : vector<1x1x16xf32> to vector<16xf32>
        %mul3A_295 = arith.mulf %get3A_294, %exp3A : vector<16xf32>
        %swap3A_296 = arith.index_cast %scan3A_162 : i32 to index
        %swap3A_297 = arith.constant 48 : index
        %swap3A_298 = tpu.vector_load %arg15[%swap3A_296, %swap3A_297] {strides = array<i32>} : memref<40x128xf32, #tpu.memory_space<vmem>>, vector<1x16xf32>,
        %swap3A_299 = vector.shape_cast %swap3A_298 : vector<1x16xf32> to vector<16xf32>
        %swap3A_300 = vector.shape_cast %mul3A_295 : vector<16xf32> to vector<1x16xf32>
        tpu.vector_store %arg15[%swap3A_296, %swap3A_297], %swap3A_300 {strides = array<i32>} : memref<40x128xf32, #tpu.memory_space<vmem>>, vector<1x16xf32>,
        %swap3A_301 = arith.index_cast %scan3A_162 : i32 to index
        %swap3A_302 = arith.constant 64 : index
        %swap3A_303 = tpu.vector_load %arg15[%swap3A_301, %swap3A_302] {strides = array<i32>} : memref<40x128xf32, #tpu.memory_space<vmem>>, vector<1x16xf32>,
        %swap3A_304 = vector.shape_cast %swap3A_303 : vector<1x16xf32> to vector<16xf32>
        %swap3A_305 = vector.shape_cast %exp3A : vector<16xf32> to vector<1x16xf32>
        tpu.vector_store %arg15[%swap3A_301, %swap3A_302], %swap3A_305 {strides = array<i32>} : memref<40x128xf32, #tpu.memory_space<vmem>>, vector<1x16xf32>,
      }
      %scan3A_147 = arith.constant 40 : i32
      %run_scoped3A = arith.constant 0 : i32
      "tpu.region"() ({
        %run_scoped3A_162 = tpu.sem_alloc : memref<!tpu.dma_semaphore, #tpu.memory_space<semaphore_mem>>
        %dma_start3A_163 = arith.constant 0 : i32
        %dma_start3A_164 = tpu.memref_slice %arg11[%run_scoped3A, %dma_start3A_163] : memref<2x40xi32, #tpu.memory_space<vmem>> -> memref<1x40xi32, #tpu.memory_space<vmem>>
        %dma_start3A_165 = tpu.memref_squeeze %dma_start3A_164 : memref<1x40xi32, #tpu.memory_space<vmem>> -> memref<40xi32, #tpu.memory_space<vmem>>
        %dma_start3A_166 = arith.constant 0 : i32
        %dma_start3A_167 = arith.constant 0 : i32
        %dma_start3A_168 = tpu.memref_slice %arg9[%dma_start3A_166, %dma_start3A_167] : memref<10240x128xf32, #tpu.memory_space<vmem_shared>> -> memref<10240x128xf32, #tpu.memory_space<vmem_shared>>
        tpu.enqueue_indirect_dma source(%arg15 : memref<40x128xf32, #tpu.memory_space<vmem>>) target(%dma_start3A_168 : memref<10240x128xf32, #tpu.memory_space<vmem_shared>>) offsets(%dma_start3A_165 : memref<40xi32, #tpu.memory_space<vmem>>) semaphore(%run_scoped3A_162 : memref<!tpu.dma_semaphore, #tpu.memory_space<semaphore_mem>>) {add = true}
        %dma_wait3A_169 = arith.constant 0 : i32
        %dma_wait3A_170 = tpu.memref_slice %arg11[%run_scoped3A, %dma_wait3A_169] : memref<2x40xi32, #tpu.memory_space<vmem>> -> memref<1x40xi32, #tpu.memory_space<vmem>>
        %dma_wait3A_171 = tpu.memref_squeeze %dma_wait3A_170 : memref<1x40xi32, #tpu.memory_space<vmem>> -> memref<40xi32, #tpu.memory_space<vmem>>
        %dma_wait3A_172 = arith.constant 0 : i32
        %dma_wait3A_173 = arith.constant 0 : i32
        %dma_wait3A_174 = tpu.memref_slice %arg9[%dma_wait3A_172, %dma_wait3A_173] : memref<10240x128xf32, #tpu.memory_space<vmem_shared>> -> memref<10240x128xf32, #tpu.memory_space<vmem_shared>>
        tpu.wait_indirect_dma semaphore(%run_scoped3A_162 : memref<!tpu.dma_semaphore, #tpu.memory_space<semaphore_mem>>) src(%arg15 : memref<40x128xf32, #tpu.memory_space<vmem>>) dst(%dma_wait3A_174 : memref<10240x128xf32, #tpu.memory_space<vmem_shared>>)
        tpu.yield
      }) : () -> ()
      %add3A_148 = arith.constant 2 : i32
      %add3A_149 = arith.addi %mul3A_92, %add3A_148 : i32
      %lt3A_150 = arith.constant 250 : i32
      %lt3A_151 = arith.cmpi slt, %add3A_149, %lt3A_150 : i32
      %convert_element_type3A_152 = arith.extui %lt3A_151 : i1 to i32
      %cond3A_153 = arith.constant 0 : i32
      %cond3A_154 = arith.cmpi ne, %convert_element_type3A_152, %cond3A_153 : i32
      scf.if %cond3A_154 {
        %add3A_162 = arith.constant 2 : i32
        %add3A_163 = arith.addi %mul3A_92, %add3A_162 : i32
        %mul3A_164 = arith.constant 40 : i32
        %mul3A_165 = arith.muli %add3A_163, %mul3A_164 : i32
        %add3A_166 = arith.addi %mul3A_9, %mul3A_165 : i32
        %dma_start3A_167 = arith.constant 0 : i32
        %dma_start3A_168 = arith.constant 0 : i32
        %dma_start3A_169 = tpu.memref_slice %arg10[%dma_start3A_167, %dma_start3A_168] : memref<2x40xi32, #tpu.memory_space<vmem>> -> memref<1x40xi32, #tpu.memory_space<vmem>>
        %dma_start3A_170 = tpu.memref_squeeze %dma_start3A_169 : memref<1x40xi32, #tpu.memory_space<vmem>> -> memref<40xi32, #tpu.memory_space<vmem>>
        %dma_start3A_171 = tpu.memref_slice %arg5[%add3A_166] : memref<320000xi32, #tpu.memory_space<hbm>> -> memref<40xi32, #tpu.memory_space<hbm>>
        %dma_start3A_172 = arith.constant 0 : i32
        %dma_start3A_173 = tpu.memref_slice %arg10[%dma_start3A_167, %dma_start3A_172] : memref<2x40xi32, #tpu.memory_space<vmem>> -> memref<1x40xi32, #tpu.memory_space<vmem>>
        %dma_start3A_174 = tpu.memref_squeeze %dma_start3A_173 : memref<1x40xi32, #tpu.memory_space<vmem>> -> memref<40xi32, #tpu.memory_space<vmem>>
        %dma_start3A_175 = tpu.memref_slice %arg5[%add3A_166] : memref<320000xi32, #tpu.memory_space<hbm>> -> memref<40xi32, #tpu.memory_space<hbm>>
        tpu.enqueue_dma source(%dma_start3A_175 : memref<40xi32, #tpu.memory_space<hbm>>) target(%dma_start3A_174 : memref<40xi32, #tpu.memory_space<vmem>>) target_semaphore(%arg18 : memref<!tpu.dma_semaphore, #tpu.memory_space<semaphore_mem>>)
        %dma_start3A_176 = arith.constant 0 : i32
        %dma_start3A_177 = arith.constant 0 : i32
        %dma_start3A_178 = tpu.memref_slice %arg11[%dma_start3A_176, %dma_start3A_177] : memref<2x40xi32, #tpu.memory_space<vmem>> -> memref<1x40xi32, #tpu.memory_space<vmem>>
        %dma_start3A_179 = tpu.memref_squeeze %dma_start3A_178 : memref<1x40xi32, #tpu.memory_space<vmem>> -> memref<40xi32, #tpu.memory_space<vmem>>
        %dma_start3A_180 = tpu.memref_slice %arg6[%add3A_166] : memref<320000xi32, #tpu.memory_space<hbm>> -> memref<40xi32, #tpu.memory_space<hbm>>
        %dma_start3A_181 = arith.constant 0 : i32
        %dma_start3A_182 = tpu.memref_slice %arg11[%dma_start3A_176, %dma_start3A_181] : memref<2x40xi32, #tpu.memory_space<vmem>> -> memref<1x40xi32, #tpu.memory_space<vmem>>
        %dma_start3A_183 = tpu.memref_squeeze %dma_start3A_182 : memref<1x40xi32, #tpu.memory_space<vmem>> -> memref<40xi32, #tpu.memory_space<vmem>>
        %dma_start3A_184 = tpu.memref_slice %arg6[%add3A_166] : memref<320000xi32, #tpu.memory_space<hbm>> -> memref<40xi32, #tpu.memory_space<hbm>>
        tpu.enqueue_dma source(%dma_start3A_184 : memref<40xi32, #tpu.memory_space<hbm>>) target(%dma_start3A_183 : memref<40xi32, #tpu.memory_space<vmem>>) target_semaphore(%arg18 : memref<!tpu.dma_semaphore, #tpu.memory_space<semaphore_mem>>)
        %dma_wait3A_185 = arith.constant 0 : i32
        %dma_wait3A_186 = arith.constant 0 : i32
        %dma_wait3A_187 = tpu.memref_slice %arg10[%dma_wait3A_185, %dma_wait3A_186] : memref<2x40xi32, #tpu.memory_space<vmem>> -> memref<1x40xi32, #tpu.memory_space<vmem>>
        %dma_wait3A_188 = tpu.memref_squeeze %dma_wait3A_187 : memref<1x40xi32, #tpu.memory_space<vmem>> -> memref<40xi32, #tpu.memory_space<vmem>>
        %dma_wait3A_189 = tpu.memref_slice %arg5[%add3A_166] : memref<320000xi32, #tpu.memory_space<hbm>> -> memref<40xi32, #tpu.memory_space<hbm>>
        %dma_wait3A_190 = arith.constant 0 : i32
        %dma_wait3A_191 = tpu.memref_slice %arg10[%dma_wait3A_185, %dma_wait3A_190] : memref<2x40xi32, #tpu.memory_space<vmem>> -> memref<1x40xi32, #tpu.memory_space<vmem>>
        %dma_wait3A_192 = tpu.memref_squeeze %dma_wait3A_191 : memref<1x40xi32, #tpu.memory_space<vmem>> -> memref<40xi32, #tpu.memory_space<vmem>>
        %dma_wait3A_193 = tpu.memref_slice %arg5[%add3A_166] : memref<320000xi32, #tpu.memory_space<hbm>> -> memref<40xi32, #tpu.memory_space<hbm>>
        tpu.wait_dma2 semaphore(%arg18 : memref<!tpu.dma_semaphore, #tpu.memory_space<semaphore_mem>>) src(%dma_wait3A_193 : memref<40xi32, #tpu.memory_space<hbm>>) dst(%dma_wait3A_192 : memref<40xi32, #tpu.memory_space<vmem>>)
        %dma_wait3A_194 = arith.constant 0 : i32
        %dma_wait3A_195 = arith.constant 0 : i32
        %dma_wait3A_196 = tpu.memref_slice %arg11[%dma_wait3A_194, %dma_wait3A_195] : memref<2x40xi32, #tpu.memory_space<vmem>> -> memref<1x40xi32, #tpu.memory_space<vmem>>
        %dma_wait3A_197 = tpu.memref_squeeze %dma_wait3A_196 : memref<1x40xi32, #tpu.memory_space<vmem>> -> memref<40xi32, #tpu.memory_space<vmem>>
        %dma_wait3A_198 = tpu.memref_slice %arg6[%add3A_166] : memref<320000xi32, #tpu.memory_space<hbm>> -> memref<40xi32, #tpu.memory_space<hbm>>
        %dma_wait3A_199 = arith.constant 0 : i32
        %dma_wait3A_200 = tpu.memref_slice %arg11[%dma_wait3A_194, %dma_wait3A_199] : memref<2x40xi32, #tpu.memory_space<vmem>> -> memref<1x40xi32, #tpu.memory_space<vmem>>
        %dma_wait3A_201 = tpu.memref_squeeze %dma_wait3A_200 : memref<1x40xi32, #tpu.memory_space<vmem>> -> memref<40xi32, #tpu.memory_space<vmem>>
        %dma_wait3A_202 = tpu.memref_slice %arg6[%add3A_166] : memref<320000xi32, #tpu.memory_space<hbm>> -> memref<40xi32, #tpu.memory_space<hbm>>
        tpu.wait_dma2 semaphore(%arg18 : memref<!tpu.dma_semaphore, #tpu.memory_space<semaphore_mem>>) src(%dma_wait3A_202 : memref<40xi32, #tpu.memory_space<hbm>>) dst(%dma_wait3A_201 : memref<40xi32, #tpu.memory_space<vmem>>)
        %dma_start3A_203 = arith.constant 0 : i32
        %dma_start3A_204 = arith.constant 0 : i32
        %dma_start3A_205 = arith.constant 0 : i32
        %dma_start3A_206 = arith.constant 0 : i32
        %dma_start3A_207 = tpu.memref_slice %arg12[%dma_start3A_204, %dma_start3A_205, %dma_start3A_206] : memref<2x40x128xf32, #tpu.memory_space<vmem>> -> memref<1x40x128xf32, #tpu.memory_space<vmem>>
        %dma_start3A_208 = tpu.memref_squeeze %dma_start3A_207 : memref<1x40x128xf32, #tpu.memory_space<vmem>> -> memref<40x128xf32, #tpu.memory_space<vmem>>
        %dma_start3A_209 = arith.constant 0 : i32
        %dma_start3A_210 = tpu.memref_slice %arg10[%dma_start3A_203, %dma_start3A_209] : memref<2x40xi32, #tpu.memory_space<vmem>> -> memref<1x40xi32, #tpu.memory_space<vmem>>
        %dma_start3A_211 = tpu.memref_squeeze %dma_start3A_210 : memref<1x40xi32, #tpu.memory_space<vmem>> -> memref<40xi32, #tpu.memory_space<vmem>>
        %dma_start3A_212 = arith.constant 0 : i32
        %dma_start3A_213 = arith.constant 0 : i32
        %dma_start3A_214 = tpu.memref_slice %arg3[%dma_start3A_212, %dma_start3A_213] : memref<10000x128xf32, #tpu.memory_space<hbm>> -> memref<10000x128xf32, #tpu.memory_space<hbm>>
        tpu.enqueue_indirect_dma source(%dma_start3A_214 : memref<10000x128xf32, #tpu.memory_space<hbm>>) target(%dma_start3A_208 : memref<40x128xf32, #tpu.memory_space<vmem>>) offsets(%dma_start3A_211 : memref<40xi32, #tpu.memory_space<vmem>>) semaphore(%arg16 : memref<!tpu.dma_semaphore, #tpu.memory_space<semaphore_mem>>)
        %dma_start3A_215 = arith.constant 0 : i32
        %dma_start3A_216 = arith.constant 0 : i32
        %dma_start3A_217 = arith.constant 0 : i32
        %dma_start3A_218 = arith.constant 0 : i32
        %dma_start3A_219 = tpu.memref_slice %arg13[%dma_start3A_216, %dma_start3A_217, %dma_start3A_218] : memref<2x40x128xf32, #tpu.memory_space<vmem>> -> memref<1x40x128xf32, #tpu.memory_space<vmem>>
        %dma_start3A_220 = tpu.memref_squeeze %dma_start3A_219 : memref<1x40x128xf32, #tpu.memory_space<vmem>> -> memref<40x128xf32, #tpu.memory_space<vmem>>
        %dma_start3A_221 = arith.constant 0 : i32
        %dma_start3A_222 = tpu.memref_slice %arg11[%dma_start3A_215, %dma_start3A_221] : memref<2x40xi32, #tpu.memory_space<vmem>> -> memref<1x40xi32, #tpu.memory_space<vmem>>
        %dma_start3A_223 = tpu.memref_squeeze %dma_start3A_222 : memref<1x40xi32, #tpu.memory_space<vmem>> -> memref<40xi32, #tpu.memory_space<vmem>>
        %dma_start3A_224 = arith.constant 0 : i32
        %dma_start3A_225 = arith.constant 0 : i32
        %dma_start3A_226 = tpu.memref_slice %arg2[%dma_start3A_224, %dma_start3A_225] : memref<10000x128xf32, #tpu.memory_space<hbm>> -> memref<10000x128xf32, #tpu.memory_space<hbm>>
        tpu.enqueue_indirect_dma source(%dma_start3A_226 : memref<10000x128xf32, #tpu.memory_space<hbm>>) target(%dma_start3A_220 : memref<40x128xf32, #tpu.memory_space<vmem>>) offsets(%dma_start3A_223 : memref<40xi32, #tpu.memory_space<vmem>>) semaphore(%arg16 : memref<!tpu.dma_semaphore, #tpu.memory_space<semaphore_mem>>)
        %dma_start3A_227 = arith.constant 0 : i32
        %dma_start3A_228 = arith.constant 0 : i32
        %dma_start3A_229 = arith.constant 0 : i32
        %dma_start3A_230 = tpu.memref_slice %arg14[%dma_start3A_227, %dma_start3A_228, %dma_start3A_229] : memref<2x40x64xf32, #tpu.memory_space<vmem>> -> memref<1x40x64xf32, #tpu.memory_space<vmem>>
        %dma_start3A_231 = tpu.memref_squeeze %dma_start3A_230 : memref<1x40x64xf32, #tpu.memory_space<vmem>> -> memref<40x64xf32, #tpu.memory_space<vmem>>
        %dma_start3A_232 = arith.constant 0 : i32
        %dma_start3A_233 = tpu.memref_slice %arg4[%add3A_166, %dma_start3A_232] : memref<320000x64xf32, #tpu.memory_space<hbm>> -> memref<40x64xf32, #tpu.memory_space<hbm>>
        %dma_start3A_234 = arith.constant 0 : i32
        %dma_start3A_235 = arith.constant 0 : i32
        %dma_start3A_236 = tpu.memref_slice %arg14[%dma_start3A_227, %dma_start3A_234, %dma_start3A_235] : memref<2x40x64xf32, #tpu.memory_space<vmem>> -> memref<1x40x64xf32, #tpu.memory_space<vmem>>
        %dma_start3A_237 = tpu.memref_squeeze %dma_start3A_236 : memref<1x40x64xf32, #tpu.memory_space<vmem>> -> memref<40x64xf32, #tpu.memory_space<vmem>>
        %dma_start3A_238 = arith.constant 0 : i32
        %dma_start3A_239 = tpu.memref_slice %arg4[%add3A_166, %dma_start3A_238] : memref<320000x64xf32, #tpu.memory_space<hbm>> -> memref<40x64xf32, #tpu.memory_space<hbm>>
        tpu.enqueue_dma source(%dma_start3A_239 : memref<40x64xf32, #tpu.memory_space<hbm>>) target(%dma_start3A_237 : memref<40x64xf32, #tpu.memory_space<vmem>>) target_semaphore(%arg16 : memref<!tpu.dma_semaphore, #tpu.memory_space<semaphore_mem>>)
      } else {
      }
      %add3A_155 = arith.constant 1 : i32
      %add3A_156 = arith.addi %mul3A_92, %add3A_155 : i32
      %lt3A_157 = arith.constant 250 : i32
      %lt3A_158 = arith.cmpi slt, %add3A_156, %lt3A_157 : i32
      %convert_element_type3A_159 = arith.extui %lt3A_158 : i1 to i32
      %cond3A_160 = arith.constant 0 : i32
      %cond3A_161 = arith.cmpi ne, %convert_element_type3A_159, %cond3A_160 : i32
      scf.if %cond3A_161 {
        %dma_wait3A_162 = arith.constant 1 : i32
        %dma_wait3A_163 = arith.constant 0 : i32
        %dma_wait3A_164 = arith.constant 0 : i32
        %dma_wait3A_165 = tpu.memref_slice %arg12[%dma_wait3A_162, %dma_wait3A_163, %dma_wait3A_164] : memref<2x40x128xf32, #tpu.memory_space<vmem>> -> memref<1x40x128xf32, #tpu.memory_space<vmem>>
        %dma_wait3A_166 = tpu.memref_squeeze %dma_wait3A_165 : memref<1x40x128xf32, #tpu.memory_space<vmem>> -> memref<40x128xf32, #tpu.memory_space<vmem>>
        %dma_wait3A_167 = arith.constant 0 : i32
        %dma_wait3A_168 = arith.constant 0 : i32
        %dma_wait3A_169 = tpu.memref_slice %arg3[%dma_wait3A_167, %dma_wait3A_168] : memref<10000x128xf32, #tpu.memory_space<hbm>> -> memref<40x128xf32, #tpu.memory_space<hbm>>
        %dma_wait3A_170 = arith.constant 0 : i32
        %dma_wait3A_171 = arith.constant 0 : i32
        %dma_wait3A_172 = tpu.memref_slice %arg12[%dma_wait3A_162, %dma_wait3A_170, %dma_wait3A_171] : memref<2x40x128xf32, #tpu.memory_space<vmem>> -> memref<1x40x128xf32, #tpu.memory_space<vmem>>
        %dma_wait3A_173 = tpu.memref_squeeze %dma_wait3A_172 : memref<1x40x128xf32, #tpu.memory_space<vmem>> -> memref<40x128xf32, #tpu.memory_space<vmem>>
        %dma_wait3A_174 = arith.constant 0 : i32
        %dma_wait3A_175 = arith.constant 0 : i32
        %dma_wait3A_176 = tpu.memref_slice %arg3[%dma_wait3A_174, %dma_wait3A_175] : memref<10000x128xf32, #tpu.memory_space<hbm>> -> memref<40x128xf32, #tpu.memory_space<hbm>>
        tpu.wait_dma2 semaphore(%arg17 : memref<!tpu.dma_semaphore, #tpu.memory_space<semaphore_mem>>) src(%dma_wait3A_176 : memref<40x128xf32, #tpu.memory_space<hbm>>) dst(%dma_wait3A_173 : memref<40x128xf32, #tpu.memory_space<vmem>>)
        %dma_wait3A_177 = arith.constant 1 : i32
        %dma_wait3A_178 = arith.constant 0 : i32
        %dma_wait3A_179 = arith.constant 0 : i32
        %dma_wait3A_180 = tpu.memref_slice %arg13[%dma_wait3A_177, %dma_wait3A_178, %dma_wait3A_179] : memref<2x40x128xf32, #tpu.memory_space<vmem>> -> memref<1x40x128xf32, #tpu.memory_space<vmem>>
        %dma_wait3A_181 = tpu.memref_squeeze %dma_wait3A_180 : memref<1x40x128xf32, #tpu.memory_space<vmem>> -> memref<40x128xf32, #tpu.memory_space<vmem>>
        %dma_wait3A_182 = arith.constant 0 : i32
        %dma_wait3A_183 = arith.constant 0 : i32
        %dma_wait3A_184 = tpu.memref_slice %arg2[%dma_wait3A_182, %dma_wait3A_183] : memref<10000x128xf32, #tpu.memory_space<hbm>> -> memref<40x128xf32, #tpu.memory_space<hbm>>
        %dma_wait3A_185 = arith.constant 0 : i32
        %dma_wait3A_186 = arith.constant 0 : i32
        %dma_wait3A_187 = tpu.memref_slice %arg13[%dma_wait3A_177, %dma_wait3A_185, %dma_wait3A_186] : memref<2x40x128xf32, #tpu.memory_space<vmem>> -> memref<1x40x128xf32, #tpu.memory_space<vmem>>
        %dma_wait3A_188 = tpu.memref_squeeze %dma_wait3A_187 : memref<1x40x128xf32, #tpu.memory_space<vmem>> -> memref<40x128xf32, #tpu.memory_space<vmem>>
        %dma_wait3A_189 = arith.constant 0 : i32
        %dma_wait3A_190 = arith.constant 0 : i32
        %dma_wait3A_191 = tpu.memref_slice %arg2[%dma_wait3A_189, %dma_wait3A_190] : memref<10000x128xf32, #tpu.memory_space<hbm>> -> memref<40x128xf32, #tpu.memory_space<hbm>>
        tpu.wait_dma2 semaphore(%arg17 : memref<!tpu.dma_semaphore, #tpu.memory_space<semaphore_mem>>) src(%dma_wait3A_191 : memref<40x128xf32, #tpu.memory_space<hbm>>) dst(%dma_wait3A_188 : memref<40x128xf32, #tpu.memory_space<vmem>>)
        %dma_wait3A_192 = arith.constant 1 : i32
        %dma_wait3A_193 = arith.constant 0 : i32
        %dma_wait3A_194 = arith.constant 0 : i32
        %dma_wait3A_195 = tpu.memref_slice %arg14[%dma_wait3A_192, %dma_wait3A_193, %dma_wait3A_194] : memref<2x40x64xf32, #tpu.memory_space<vmem>> -> memref<1x40x64xf32, #tpu.memory_space<vmem>>
        %dma_wait3A_196 = tpu.memref_squeeze %dma_wait3A_195 : memref<1x40x64xf32, #tpu.memory_space<vmem>> -> memref<40x64xf32, #tpu.memory_space<vmem>>
        %dma_wait3A_197 = arith.constant 0 : i32
        %dma_wait3A_198 = arith.constant 0 : i32
        %dma_wait3A_199 = tpu.memref_slice %arg4[%dma_wait3A_197, %dma_wait3A_198] : memref<320000x64xf32, #tpu.memory_space<hbm>> -> memref<40x64xf32, #tpu.memory_space<hbm>>
        %dma_wait3A_200 = arith.constant 0 : i32
        %dma_wait3A_201 = arith.constant 0 : i32
        %dma_wait3A_202 = tpu.memref_slice %arg14[%dma_wait3A_192, %dma_wait3A_200, %dma_wait3A_201] : memref<2x40x64xf32, #tpu.memory_space<vmem>> -> memref<1x40x64xf32, #tpu.memory_space<vmem>>
        %dma_wait3A_203 = tpu.memref_squeeze %dma_wait3A_202 : memref<1x40x64xf32, #tpu.memory_space<vmem>> -> memref<40x64xf32, #tpu.memory_space<vmem>>
        %dma_wait3A_204 = arith.constant 0 : i32
        %dma_wait3A_205 = arith.constant 0 : i32
        %dma_wait3A_206 = tpu.memref_slice %arg4[%dma_wait3A_204, %dma_wait3A_205] : memref<320000x64xf32, #tpu.memory_space<hbm>> -> memref<40x64xf32, #tpu.memory_space<hbm>>
        tpu.wait_dma2 semaphore(%arg17 : memref<!tpu.dma_semaphore, #tpu.memory_space<semaphore_mem>>) src(%dma_wait3A_206 : memref<40x64xf32, #tpu.memory_space<hbm>>) dst(%dma_wait3A_203 : memref<40x64xf32, #tpu.memory_space<vmem>>)
        %scan3A_207 = arith.constant 0 : i32
        %scan3A_208 = arith.constant 0 : i32
        %scan3A_209 = arith.constant 40 : i32
        %scan3A_210 = arith.addi %scan3A_208, %scan3A_209 : i32
        %scan3A_211 = arith.constant 1 : i32
        scf.for %scan3A_214 = %scan3A_208 to %scan3A_210 step %scan3A_211  : i32 {
          %get3A = arith.constant 1 : i32
          %get3A_215 = arith.index_cast %get3A : i32 to index
          %get3A_216 = arith.index_cast %scan3A_214 : i32 to index
          %get3A_217 = arith.constant 0 : index
          %get3A_218 = tpu.vector_load %arg12[%get3A_215, %get3A_216, %get3A_217] {strides = array<i32>} : memref<2x40x128xf32, #tpu.memory_space<vmem>>, vector<1x1x16xf32>,
          %get3A_219 = vector.shape_cast %get3A_218 : vector<1x1x16xf32> to vector<16xf32>
          %get3A_220 = arith.constant 1 : i32
          %get3A_221 = arith.index_cast %get3A_220 : i32 to index
          %get3A_222 = arith.index_cast %scan3A_214 : i32 to index
          %get3A_223 = arith.constant 0 : index
          %get3A_224 = tpu.vector_load %arg13[%get3A_221, %get3A_222, %get3A_223] {strides = array<i32>} : memref<2x40x128xf32, #tpu.memory_space<vmem>>, vector<1x1x16xf32>,
          %get3A_225 = vector.shape_cast %get3A_224 : vector<1x1x16xf32> to vector<16xf32>
          %mul3A_226 = arith.mulf %get3A_219, %get3A_225 : vector<16xf32>
          %get3A_227 = arith.constant 1 : i32
          %get3A_228 = arith.index_cast %get3A_227 : i32 to index
          %get3A_229 = arith.index_cast %scan3A_214 : i32 to index
          %get3A_230 = arith.constant 0 : index
          %get3A_231 = tpu.vector_load %arg14[%get3A_228, %get3A_229, %get3A_230] {strides = array<i32>} : memref<2x40x64xf32, #tpu.memory_space<vmem>>, vector<1x1x16xf32>,
          %get3A_232 = vector.shape_cast %get3A_231 : vector<1x1x16xf32> to vector<16xf32>
          %mul3A_233 = arith.mulf %mul3A_226, %get3A_232 : vector<16xf32>
          %get3A_234 = arith.constant 1 : i32
          %get3A_235 = arith.index_cast %get3A_234 : i32 to index
          %get3A_236 = arith.index_cast %scan3A_214 : i32 to index
          %get3A_237 = arith.constant 16 : index
          %get3A_238 = tpu.vector_load %arg12[%get3A_235, %get3A_236, %get3A_237] {strides = array<i32>} : memref<2x40x128xf32, #tpu.memory_space<vmem>>, vector<1x1x16xf32>,
          %get3A_239 = vector.shape_cast %get3A_238 : vector<1x1x16xf32> to vector<16xf32>
          %get3A_240 = arith.constant 1 : i32
          %get3A_241 = arith.index_cast %get3A_240 : i32 to index
          %get3A_242 = arith.index_cast %scan3A_214 : i32 to index
          %get3A_243 = arith.constant 16 : index
          %get3A_244 = tpu.vector_load %arg13[%get3A_241, %get3A_242, %get3A_243] {strides = array<i32>} : memref<2x40x128xf32, #tpu.memory_space<vmem>>, vector<1x1x16xf32>,
          %get3A_245 = vector.shape_cast %get3A_244 : vector<1x1x16xf32> to vector<16xf32>
          %mul3A_246 = arith.mulf %get3A_239, %get3A_245 : vector<16xf32>
          %get3A_247 = arith.constant 1 : i32
          %get3A_248 = arith.index_cast %get3A_247 : i32 to index
          %get3A_249 = arith.index_cast %scan3A_214 : i32 to index
          %get3A_250 = arith.constant 16 : index
          %get3A_251 = tpu.vector_load %arg14[%get3A_248, %get3A_249, %get3A_250] {strides = array<i32>} : memref<2x40x64xf32, #tpu.memory_space<vmem>>, vector<1x1x16xf32>,
          %get3A_252 = vector.shape_cast %get3A_251 : vector<1x1x16xf32> to vector<16xf32>
          %mul3A_253 = arith.mulf %mul3A_246, %get3A_252 : vector<16xf32>
          %add3A_254 = arith.addf %mul3A_233, %mul3A_253 : vector<16xf32>
          %get3A_255 = arith.constant 1 : i32
          %get3A_256 = arith.index_cast %get3A_255 : i32 to index
          %get3A_257 = arith.index_cast %scan3A_214 : i32 to index
          %get3A_258 = arith.constant 32 : index
          %get3A_259 = tpu.vector_load %arg12[%get3A_256, %get3A_257, %get3A_258] {strides = array<i32>} : memref<2x40x128xf32, #tpu.memory_space<vmem>>, vector<1x1x16xf32>,
          %get3A_260 = vector.shape_cast %get3A_259 : vector<1x1x16xf32> to vector<16xf32>
          %get3A_261 = arith.constant 1 : i32
          %get3A_262 = arith.index_cast %get3A_261 : i32 to index
          %get3A_263 = arith.index_cast %scan3A_214 : i32 to index
          %get3A_264 = arith.constant 32 : index
          %get3A_265 = tpu.vector_load %arg13[%get3A_262, %get3A_263, %get3A_264] {strides = array<i32>} : memref<2x40x128xf32, #tpu.memory_space<vmem>>, vector<1x1x16xf32>,
          %get3A_266 = vector.shape_cast %get3A_265 : vector<1x1x16xf32> to vector<16xf32>
          %mul3A_267 = arith.mulf %get3A_260, %get3A_266 : vector<16xf32>
          %get3A_268 = arith.constant 1 : i32
          %get3A_269 = arith.index_cast %get3A_268 : i32 to index
          %get3A_270 = arith.index_cast %scan3A_214 : i32 to index
          %get3A_271 = arith.constant 32 : index
          %get3A_272 = tpu.vector_load %arg14[%get3A_269, %get3A_270, %get3A_271] {strides = array<i32>} : memref<2x40x64xf32, #tpu.memory_space<vmem>>, vector<1x1x16xf32>,
          %get3A_273 = vector.shape_cast %get3A_272 : vector<1x1x16xf32> to vector<16xf32>
          %mul3A_274 = arith.mulf %mul3A_267, %get3A_273 : vector<16xf32>
          %add3A_275 = arith.addf %add3A_254, %mul3A_274 : vector<16xf32>
          %get3A_276 = arith.constant 1 : i32
          %get3A_277 = arith.index_cast %get3A_276 : i32 to index
          %get3A_278 = arith.index_cast %scan3A_214 : i32 to index
          %get3A_279 = arith.constant 48 : index
          %get3A_280 = tpu.vector_load %arg12[%get3A_277, %get3A_278, %get3A_279] {strides = array<i32>} : memref<2x40x128xf32, #tpu.memory_space<vmem>>, vector<1x1x16xf32>,
          %get3A_281 = vector.shape_cast %get3A_280 : vector<1x1x16xf32> to vector<16xf32>
          %get3A_282 = arith.constant 1 : i32
          %get3A_283 = arith.index_cast %get3A_282 : i32 to index
          %get3A_284 = arith.index_cast %scan3A_214 : i32 to index
          %get3A_285 = arith.constant 48 : index
          %get3A_286 = tpu.vector_load %arg13[%get3A_283, %get3A_284, %get3A_285] {strides = array<i32>} : memref<2x40x128xf32, #tpu.memory_space<vmem>>, vector<1x1x16xf32>,
          %get3A_287 = vector.shape_cast %get3A_286 : vector<1x1x16xf32> to vector<16xf32>
          %mul3A_288 = arith.mulf %get3A_281, %get3A_287 : vector<16xf32>
          %get3A_289 = arith.constant 1 : i32
          %get3A_290 = arith.index_cast %get3A_289 : i32 to index
          %get3A_291 = arith.index_cast %scan3A_214 : i32 to index
          %get3A_292 = arith.constant 48 : index
          %get3A_293 = tpu.vector_load %arg14[%get3A_290, %get3A_291, %get3A_292] {strides = array<i32>} : memref<2x40x64xf32, #tpu.memory_space<vmem>>, vector<1x1x16xf32>,
          %get3A_294 = vector.shape_cast %get3A_293 : vector<1x1x16xf32> to vector<16xf32>
          %mul3A_295 = arith.mulf %mul3A_288, %get3A_294 : vector<16xf32>
          %add3A_296 = arith.addf %add3A_275, %mul3A_295 : vector<16xf32>
          %rev3A = arith.constant 15 : i32
          %rev3A_297 = vector.broadcast %rev3A : i32 to vector<16xi32>
          %rev3A_298 = tpu.iota {dimensions = array<i32: 0>} : vector<16xi32>
          %rev3A_299 = arith.subi %rev3A_297, %rev3A_298 : vector<16xi32>
          %rev3A_300 = tpu.dynamic_gather %add3A_296[%rev3A_299] in [0] : vector<16xf32>, vector<16xi32> -> vector<16xf32>
          %add3A_301 = arith.addf %add3A_296, %rev3A_300 : vector<16xf32>
          %max3A = arith.constant -5.000000e+00 : f32
          %max3A_302 = vector.broadcast %max3A : f32 to vector<16xf32>
          %max3A_303 = arith.maximumf %add3A_301, %max3A_302 : vector<16xf32>
          %min3A = arith.constant 5.000000e+00 : f32
          %min3A_304 = vector.broadcast %min3A : f32 to vector<16xf32>
          %min3A_305 = arith.minimumf %max3A_303, %min3A_304 : vector<16xf32>
          %exp3A = math.exp %min3A_305 : vector<16xf32>
          %get3A_306 = arith.constant 1 : i32
          %get3A_307 = arith.index_cast %get3A_306 : i32 to index
          %get3A_308 = arith.index_cast %scan3A_214 : i32 to index
          %get3A_309 = arith.constant 64 : index
          %get3A_310 = tpu.vector_load %arg12[%get3A_307, %get3A_308, %get3A_309] {strides = array<i32>} : memref<2x40x128xf32, #tpu.memory_space<vmem>>, vector<1x1x16xf32>,
          %get3A_311 = vector.shape_cast %get3A_310 : vector<1x1x16xf32> to vector<16xf32>
          %mul3A_312 = arith.mulf %get3A_311, %exp3A : vector<16xf32>
          %swap3A = arith.index_cast %scan3A_214 : i32 to index
          %swap3A_313 = arith.constant 0 : index
          %swap3A_314 = tpu.vector_load %arg15[%swap3A, %swap3A_313] {strides = array<i32>} : memref<40x128xf32, #tpu.memory_space<vmem>>, vector<1x16xf32>,
          %swap3A_315 = vector.shape_cast %swap3A_314 : vector<1x16xf32> to vector<16xf32>
          %swap3A_316 = vector.shape_cast %mul3A_312 : vector<16xf32> to vector<1x16xf32>
          tpu.vector_store %arg15[%swap3A, %swap3A_313], %swap3A_316 {strides = array<i32>} : memref<40x128xf32, #tpu.memory_space<vmem>>, vector<1x16xf32>,
          %get3A_317 = arith.constant 1 : i32
          %get3A_318 = arith.index_cast %get3A_317 : i32 to index
          %get3A_319 = arith.index_cast %scan3A_214 : i32 to index
          %get3A_320 = arith.constant 80 : index
          %get3A_321 = tpu.vector_load %arg12[%get3A_318, %get3A_319, %get3A_320] {strides = array<i32>} : memref<2x40x128xf32, #tpu.memory_space<vmem>>, vector<1x1x16xf32>,
          %get3A_322 = vector.shape_cast %get3A_321 : vector<1x1x16xf32> to vector<16xf32>
          %mul3A_323 = arith.mulf %get3A_322, %exp3A : vector<16xf32>
          %swap3A_324 = arith.index_cast %scan3A_214 : i32 to index
          %swap3A_325 = arith.constant 16 : index
          %swap3A_326 = tpu.vector_load %arg15[%swap3A_324, %swap3A_325] {strides = array<i32>} : memref<40x128xf32, #tpu.memory_space<vmem>>, vector<1x16xf32>,
          %swap3A_327 = vector.shape_cast %swap3A_326 : vector<1x16xf32> to vector<16xf32>
          %swap3A_328 = vector.shape_cast %mul3A_323 : vector<16xf32> to vector<1x16xf32>
          tpu.vector_store %arg15[%swap3A_324, %swap3A_325], %swap3A_328 {strides = array<i32>} : memref<40x128xf32, #tpu.memory_space<vmem>>, vector<1x16xf32>,
          %get3A_329 = arith.constant 1 : i32
          %get3A_330 = arith.index_cast %get3A_329 : i32 to index
          %get3A_331 = arith.index_cast %scan3A_214 : i32 to index
          %get3A_332 = arith.constant 96 : index
          %get3A_333 = tpu.vector_load %arg12[%get3A_330, %get3A_331, %get3A_332] {strides = array<i32>} : memref<2x40x128xf32, #tpu.memory_space<vmem>>, vector<1x1x16xf32>,
          %get3A_334 = vector.shape_cast %get3A_333 : vector<1x1x16xf32> to vector<16xf32>
          %mul3A_335 = arith.mulf %get3A_334, %exp3A : vector<16xf32>
          %swap3A_336 = arith.index_cast %scan3A_214 : i32 to index
          %swap3A_337 = arith.constant 32 : index
          %swap3A_338 = tpu.vector_load %arg15[%swap3A_336, %swap3A_337] {strides = array<i32>} : memref<40x128xf32, #tpu.memory_space<vmem>>, vector<1x16xf32>,
          %swap3A_339 = vector.shape_cast %swap3A_338 : vector<1x16xf32> to vector<16xf32>
          %swap3A_340 = vector.shape_cast %mul3A_335 : vector<16xf32> to vector<1x16xf32>
          tpu.vector_store %arg15[%swap3A_336, %swap3A_337], %swap3A_340 {strides = array<i32>} : memref<40x128xf32, #tpu.memory_space<vmem>>, vector<1x16xf32>,
          %get3A_341 = arith.constant 1 : i32
          %get3A_342 = arith.index_cast %get3A_341 : i32 to index
          %get3A_343 = arith.index_cast %scan3A_214 : i32 to index
          %get3A_344 = arith.constant 112 : index
          %get3A_345 = tpu.vector_load %arg12[%get3A_342, %get3A_343, %get3A_344] {strides = array<i32>} : memref<2x40x128xf32, #tpu.memory_space<vmem>>, vector<1x1x16xf32>,
          %get3A_346 = vector.shape_cast %get3A_345 : vector<1x1x16xf32> to vector<16xf32>
          %mul3A_347 = arith.mulf %get3A_346, %exp3A : vector<16xf32>
          %swap3A_348 = arith.index_cast %scan3A_214 : i32 to index
          %swap3A_349 = arith.constant 48 : index
          %swap3A_350 = tpu.vector_load %arg15[%swap3A_348, %swap3A_349] {strides = array<i32>} : memref<40x128xf32, #tpu.memory_space<vmem>>, vector<1x16xf32>,
          %swap3A_351 = vector.shape_cast %swap3A_350 : vector<1x16xf32> to vector<16xf32>
          %swap3A_352 = vector.shape_cast %mul3A_347 : vector<16xf32> to vector<1x16xf32>
          tpu.vector_store %arg15[%swap3A_348, %swap3A_349], %swap3A_352 {strides = array<i32>} : memref<40x128xf32, #tpu.memory_space<vmem>>, vector<1x16xf32>,
          %swap3A_353 = arith.index_cast %scan3A_214 : i32 to index
          %swap3A_354 = arith.constant 64 : index
          %swap3A_355 = tpu.vector_load %arg15[%swap3A_353, %swap3A_354] {strides = array<i32>} : memref<40x128xf32, #tpu.memory_space<vmem>>, vector<1x16xf32>,
          %swap3A_356 = vector.shape_cast %swap3A_355 : vector<1x16xf32> to vector<16xf32>
          %swap3A_357 = vector.shape_cast %exp3A : vector<16xf32> to vector<1x16xf32>
          tpu.vector_store %arg15[%swap3A_353, %swap3A_354], %swap3A_357 {strides = array<i32>} : memref<40x128xf32, #tpu.memory_space<vmem>>, vector<1x16xf32>,
        }
        %scan3A_212 = arith.constant 40 : i32
        %run_scoped3A_213 = arith.constant 1 : i32
        "tpu.region"() ({
          %run_scoped3A_214 = tpu.sem_alloc : memref<!tpu.dma_semaphore, #tpu.memory_space<semaphore_mem>>
          %dma_start3A_215 = arith.constant 0 : i32
          %dma_start3A_216 = tpu.memref_slice %arg11[%run_scoped3A_213, %dma_start3A_215] : memref<2x40xi32, #tpu.memory_space<vmem>> -> memref<1x40xi32, #tpu.memory_space<vmem>>
          %dma_start3A_217 = tpu.memref_squeeze %dma_start3A_216 : memref<1x40xi32, #tpu.memory_space<vmem>> -> memref<40xi32, #tpu.memory_space<vmem>>
          %dma_start3A_218 = arith.constant 0 : i32
          %dma_start3A_219 = arith.constant 0 : i32
          %dma_start3A_220 = tpu.memref_slice %arg9[%dma_start3A_218, %dma_start3A_219] : memref<10240x128xf32, #tpu.memory_space<vmem_shared>> -> memref<10240x128xf32, #tpu.memory_space<vmem_shared>>
          tpu.enqueue_indirect_dma source(%arg15 : memref<40x128xf32, #tpu.memory_space<vmem>>) target(%dma_start3A_220 : memref<10240x128xf32, #tpu.memory_space<vmem_shared>>) offsets(%dma_start3A_217 : memref<40xi32, #tpu.memory_space<vmem>>) semaphore(%run_scoped3A_214 : memref<!tpu.dma_semaphore, #tpu.memory_space<semaphore_mem>>) {add = true}
          %dma_wait3A_221 = arith.constant 0 : i32
          %dma_wait3A_222 = tpu.memref_slice %arg11[%run_scoped3A_213, %dma_wait3A_221] : memref<2x40xi32, #tpu.memory_space<vmem>> -> memref<1x40xi32, #tpu.memory_space<vmem>>
          %dma_wait3A_223 = tpu.memref_squeeze %dma_wait3A_222 : memref<1x40xi32, #tpu.memory_space<vmem>> -> memref<40xi32, #tpu.memory_space<vmem>>
          %dma_wait3A_224 = arith.constant 0 : i32
          %dma_wait3A_225 = arith.constant 0 : i32
          %dma_wait3A_226 = tpu.memref_slice %arg9[%dma_wait3A_224, %dma_wait3A_225] : memref<10240x128xf32, #tpu.memory_space<vmem_shared>> -> memref<10240x128xf32, #tpu.memory_space<vmem_shared>>
          tpu.wait_indirect_dma semaphore(%run_scoped3A_214 : memref<!tpu.dma_semaphore, #tpu.memory_space<semaphore_mem>>) src(%arg15 : memref<40x128xf32, #tpu.memory_space<vmem>>) dst(%dma_wait3A_226 : memref<10240x128xf32, #tpu.memory_space<vmem_shared>>)
          tpu.yield
        }) : () -> ()
      } else {
      }
    }
    %scan3A_88 = arith.constant 125 : i32
    %barrier3A_89 = arith.constant 0 : index
    tpu.barrier barrier_id(%barrier3A_89)
    "tpu.region"() ({
      %run_scoped3A = tpu.sem_alloc : memref<!tpu.dma_semaphore, #tpu.memory_space<semaphore_mem>>
      %dma_start3A_90 = arith.constant 0 : i32
      %dma_start3A_91 = tpu.memref_slice %arg8[%arg0, %mul3A_2, %dma_start3A_90] : memref<2x10240x128xf32, #tpu.memory_space<hbm>> -> memref<1x640x128xf32, #tpu.memory_space<hbm>>
      %dma_start3A_92 = tpu.memref_squeeze %dma_start3A_91 : memref<1x640x128xf32, #tpu.memory_space<hbm>> -> memref<640x128xf32, #tpu.memory_space<hbm>>
      %dma_start3A_93 = arith.constant 0 : i32
      %dma_start3A_94 = tpu.memref_slice %arg9[%mul3A_2, %dma_start3A_93] : memref<10240x128xf32, #tpu.memory_space<vmem_shared>> -> memref<640x128xf32, #tpu.memory_space<vmem_shared>>
      tpu.enqueue_dma source(%dma_start3A_94 : memref<640x128xf32, #tpu.memory_space<vmem_shared>>) target(%dma_start3A_92 : memref<640x128xf32, #tpu.memory_space<hbm>>) target_semaphore(%run_scoped3A : memref<!tpu.dma_semaphore, #tpu.memory_space<semaphore_mem>>)
      %dma_wait3A_95 = arith.constant 0 : i32
      %dma_wait3A_96 = tpu.memref_slice %arg8[%arg0, %mul3A_2, %dma_wait3A_95] : memref<2x10240x128xf32, #tpu.memory_space<hbm>> -> memref<1x640x128xf32, #tpu.memory_space<hbm>>
      %dma_wait3A_97 = tpu.memref_squeeze %dma_wait3A_96 : memref<1x640x128xf32, #tpu.memory_space<hbm>> -> memref<640x128xf32, #tpu.memory_space<hbm>>
      %dma_wait3A_98 = arith.constant 0 : i32
      %dma_wait3A_99 = tpu.memref_slice %arg9[%mul3A_2, %dma_wait3A_98] : memref<10240x128xf32, #tpu.memory_space<vmem_shared>> -> memref<640x128xf32, #tpu.memory_space<vmem_shared>>
      tpu.wait_dma2 semaphore(%run_scoped3A : memref<!tpu.dma_semaphore, #tpu.memory_space<semaphore_mem>>) src(%dma_wait3A_99 : memref<640x128xf32, #tpu.memory_space<vmem_shared>>) dst(%dma_wait3A_97 : memref<640x128xf32, #tpu.memory_space<hbm>>)
      tpu.yield
    }) : () -> ()
    return
  }
}

module attributes {stable_mosaic.version = 14 : i64} {
  func.func @_eproj_body(%arg0: i32, %arg1: memref<3200x16xf32, #tpu.memory_space<vmem>>, %arg2: memref<16x64xf32, #tpu.memory_space<vmem>>, %arg3: memref<1x64xf32, #tpu.memory_space<vmem>>, %arg4: memref<3200x64xf32, #tpu.memory_space<vmem>>) attributes {dimension_semantics = [#tpu.dimension_semantics<arbitrary>], iteration_bounds = array<i64: 100>, scalar_prefetch = 0 : i64, scratch_operands = 0 : i64, tpu.core_type = #tpu.core_type<tc>, window_params = [{transform_indices = @transform_0, window_bounds = array<i64: 3200, 16>}, {pipeline_mode = #tpu.pipeline_mode<synchronous>, transform_indices = @transform_1, window_bounds = array<i64: 16, 64>}, {pipeline_mode = #tpu.pipeline_mode<synchronous>, transform_indices = @transform_2, window_bounds = array<i64: 1, 64>}, {transform_indices = @transform_3, window_bounds = array<i64: 3200, 64>}]} {
    %get3A = arith.constant 0 : index
    %get3A_0 = arith.constant 0 : index
    %get3A_1 = vector.load %arg1[%get3A, %get3A_0] : memref<3200x16xf32, #tpu.memory_space<vmem>>, vector<3200x16xf32>
    %get3A_2 = arith.constant 0 : index
    %get3A_3 = arith.constant 0 : index
    %get3A_4 = vector.load %arg2[%get3A_2, %get3A_3] : memref<16x64xf32, #tpu.memory_space<vmem>>, vector<16x64xf32>
    %dot_general3A = arith.constant dense<0.000000e+00> : vector<3200x64xf32>
    %dot_general3A_5 = tpu.matmul %get3A_1, %get3A_4, %dot_general3A {dimension_numbers = #tpu.dot_dimension_numbers<[1], [0], [0], [1], [0, 0, 1, 1], [], []>, transpose_lhs_hint = false} : vector<3200x16xf32>, vector<16x64xf32>, vector<3200x64xf32> -> vector<3200x64xf32>
    %get3A_6 = arith.constant 0 : index
    %get3A_7 = arith.constant 0 : index
    %get3A_8 = vector.load %arg3[%get3A_6, %get3A_7] : memref<1x64xf32, #tpu.memory_space<vmem>>, vector<1x64xf32>
    %add3A = vector.broadcast %get3A_8 : vector<1x64xf32> to vector<3200x64xf32>
    %add3A_9 = arith.addf %dot_general3A_5, %add3A : vector<3200x64xf32>
    %swap3A = arith.constant 0 : index
    %swap3A_10 = arith.constant 0 : index
    %swap3A_11 = vector.load %arg4[%swap3A, %swap3A_10] : memref<3200x64xf32, #tpu.memory_space<vmem>>, vector<3200x64xf32>
    tpu.vector_store %arg4[%swap3A, %swap3A_10], %add3A_9 {strides = array<i32>} : memref<3200x64xf32, #tpu.memory_space<vmem>>, vector<3200x64xf32>,
    return
  }
  func.func @transform_0(%arg0: i32) -> (i32, i32) {
    %c0_i32 = arith.constant 0 : i32
    %c0_i32_0 = arith.constant 0 : i32
    return %arg0, %c0_i32 : i32, i32
  }
  func.func @transform_1(%arg0: i32) -> (i32, i32) {
    %c0_i32 = arith.constant 0 : i32
    %c0_i32_0 = arith.constant 0 : i32
    %c0_i32_1 = arith.constant 0 : i32
    return %c0_i32, %c0_i32_0 : i32, i32
  }
  func.func @transform_2(%arg0: i32) -> (i32, i32) {
    %c0_i32 = arith.constant 0 : i32
    %c0_i32_0 = arith.constant 0 : i32
    %c0_i32_1 = arith.constant 0 : i32
    return %c0_i32, %c0_i32_0 : i32, i32
  }
  func.func @transform_3(%arg0: i32) -> (i32, i32) {
    %c0_i32 = arith.constant 0 : i32
    %c0_i32_0 = arith.constant 0 : i32
    return %arg0, %c0_i32 : i32, i32
  }
}

module attributes {stable_mosaic.version = 14 : i64} {
  func.func @_prep_body(%arg0: memref<10000x128xf32, #tpu.memory_space<vmem>>, %arg1: memref<128x64xf32, #tpu.memory_space<vmem>>, %arg2: memref<1x64xf32, #tpu.memory_space<vmem>>, %arg3: memref<64x64xf32, #tpu.memory_space<vmem>>, %arg4: memref<64x128xf32, #tpu.memory_space<vmem>>, %arg5: memref<10000x64xf32, #tpu.memory_space<vmem>>, %arg6: memref<10000x128xf32, #tpu.memory_space<vmem>>, %arg7: memref<10000x128xf32, #tpu.memory_space<vmem>>) attributes {dimension_semantics = [], scalar_prefetch = 0 : i64, scratch_operands = 0 : i64, tpu.core_type = #tpu.core_type<tc>} {
    %get3A = arith.constant 0 : index
    %get3A_0 = arith.constant 0 : index
    %get3A_1 = vector.load %arg0[%get3A, %get3A_0] : memref<10000x128xf32, #tpu.memory_space<vmem>>, vector<10000x128xf32>
    %get3A_2 = arith.constant 0 : index
    %get3A_3 = arith.constant 0 : index
    %get3A_4 = vector.load %arg1[%get3A_2, %get3A_3] : memref<128x64xf32, #tpu.memory_space<vmem>>, vector<128x64xf32>
    %dot_general3A = arith.constant dense<0.000000e+00> : vector<10000x64xf32>
    %dot_general3A_5 = tpu.matmul %get3A_1, %get3A_4, %dot_general3A {dimension_numbers = #tpu.dot_dimension_numbers<[1], [0], [0], [1], [0, 0, 1, 1], [], []>, transpose_lhs_hint = false} : vector<10000x128xf32>, vector<128x64xf32>, vector<10000x64xf32> -> vector<10000x64xf32>
    %get3A_6 = arith.constant 0 : index
    %get3A_7 = arith.constant 0 : index
    %get3A_8 = vector.load %arg2[%get3A_6, %get3A_7] : memref<1x64xf32, #tpu.memory_space<vmem>>, vector<1x64xf32>
    %add3A = vector.broadcast %get3A_8 : vector<1x64xf32> to vector<10000x64xf32>
    %add3A_9 = arith.addf %dot_general3A_5, %add3A : vector<10000x64xf32>
    %swap3A = arith.constant 0 : index
    %swap3A_10 = arith.constant 0 : index
    %swap3A_11 = vector.load %arg5[%swap3A, %swap3A_10] : memref<10000x64xf32, #tpu.memory_space<vmem>>, vector<10000x64xf32>
    tpu.vector_store %arg5[%swap3A, %swap3A_10], %add3A_9 {strides = array<i32>} : memref<10000x64xf32, #tpu.memory_space<vmem>>, vector<10000x64xf32>,
    %get3A_12 = arith.constant 0 : index
    %get3A_13 = arith.constant 0 : index
    %get3A_14 = vector.load %arg3[%get3A_12, %get3A_13] : memref<64x64xf32, #tpu.memory_space<vmem>>, vector<64x64xf32>
    %dot_general3A_15 = arith.constant dense<0.000000e+00> : vector<10000x64xf32>
    %dot_general3A_16 = tpu.matmul %add3A_9, %get3A_14, %dot_general3A_15 {dimension_numbers = #tpu.dot_dimension_numbers<[1], [0], [0], [1], [0, 0, 1, 1], [], []>, transpose_lhs_hint = false} : vector<10000x64xf32>, vector<64x64xf32>, vector<10000x64xf32> -> vector<10000x64xf32>
    %broadcast_in_dim3A = arith.constant 0.000000e+00 : f32
    %broadcast_in_dim3A_17 = vector.broadcast %broadcast_in_dim3A : f32 to vector<10000x64xf32>
    %concatenate3A = tpu.concatenate %dot_general3A_16, %broadcast_in_dim3A_17 in 1 : vector<10000x64xf32>, vector<10000x64xf32> -> vector<10000x128xf32>
    %swap3A_18 = arith.constant 0 : index
    %swap3A_19 = arith.constant 0 : index
    %swap3A_20 = vector.load %arg6[%swap3A_18, %swap3A_19] : memref<10000x128xf32, #tpu.memory_space<vmem>>, vector<10000x128xf32>
    tpu.vector_store %arg6[%swap3A_18, %swap3A_19], %concatenate3A {strides = array<i32>} : memref<10000x128xf32, #tpu.memory_space<vmem>>, vector<10000x128xf32>,
    %get3A_21 = arith.constant 0 : index
    %get3A_22 = arith.constant 0 : index
    %get3A_23 = vector.load %arg4[%get3A_21, %get3A_22] : memref<64x128xf32, #tpu.memory_space<vmem>>, vector<64x128xf32>
    %dot_general3A_24 = arith.constant dense<0.000000e+00> : vector<10000x128xf32>
    %dot_general3A_25 = tpu.matmul %add3A_9, %get3A_23, %dot_general3A_24 {dimension_numbers = #tpu.dot_dimension_numbers<[1], [0], [0], [1], [0, 0, 1, 1], [], []>, transpose_lhs_hint = false} : vector<10000x64xf32>, vector<64x128xf32>, vector<10000x128xf32> -> vector<10000x128xf32>
    %swap3A_26 = arith.constant 0 : index
    %swap3A_27 = arith.constant 0 : index
    %swap3A_28 = vector.load %arg7[%swap3A_26, %swap3A_27] : memref<10000x128xf32, #tpu.memory_space<vmem>>, vector<10000x128xf32>
    tpu.vector_store %arg7[%swap3A_26, %swap3A_27], %dot_general3A_25 {strides = array<i32>} : memref<10000x128xf32, #tpu.memory_space<vmem>>, vector<10000x128xf32>,
    return
  }
}

module attributes {stable_mosaic.version = 14 : i64} {
  func.func @_post0_body(%arg0: memref<2x10240x128xf32, #tpu.memory_space<vmem>>, %arg1: memref<10000x64xf32, #tpu.memory_space<vmem>>, %arg2: memref<64x64xf32, #tpu.memory_space<vmem>>, %arg3: memref<1x64xf32, #tpu.memory_space<vmem>>, %arg4: memref<1x64xf32, #tpu.memory_space<vmem>>, %arg5: memref<1x64xf32, #tpu.memory_space<vmem>>, %arg6: memref<64x128xf32, #tpu.memory_space<vmem>>, %arg7: memref<1x128xf32, #tpu.memory_space<vmem>>, %arg8: memref<128x64xf32, #tpu.memory_space<vmem>>, %arg9: memref<1x64xf32, #tpu.memory_space<vmem>>, %arg10: memref<1x64xf32, #tpu.memory_space<vmem>>, %arg11: memref<1x64xf32, #tpu.memory_space<vmem>>, %arg12: memref<64x64xf32, #tpu.memory_space<vmem>>, %arg13: memref<64x128xf32, #tpu.memory_space<vmem>>, %arg14: memref<10000x128xf32, #tpu.memory_space<vmem>>, %arg15: memref<10000x128xf32, #tpu.memory_space<vmem>>) attributes {dimension_semantics = [], scalar_prefetch = 0 : i64, scratch_operands = 0 : i64, tpu.core_type = #tpu.core_type<tc>} {
    %get3A = arith.constant 0 : index
    %get3A_0 = arith.constant 0 : index
    %get3A_1 = arith.constant 0 : index
    %get3A_2 = vector.load %arg0[%get3A, %get3A_0, %get3A_1] : memref<2x10240x128xf32, #tpu.memory_space<vmem>>, vector<2x10240x128xf32>
    %get3A_3 = arith.constant 0 : index
    %get3A_4 = arith.constant 0 : index
    %get3A_5 = vector.load %arg2[%get3A_3, %get3A_4] : memref<64x64xf32, #tpu.memory_space<vmem>>, vector<64x64xf32>
    %get3A_6 = arith.constant 0 : index
    %get3A_7 = arith.constant 0 : index
    %get3A_8 = vector.load %arg3[%get3A_6, %get3A_7] : memref<1x64xf32, #tpu.memory_space<vmem>>, vector<1x64xf32>
    %slice3A = vector.extract_strided_slice %get3A_2 {offsets = [0, 0, 0], sizes = [1, 10240, 128], strides = [1, 1, 1]} : vector<2x10240x128xf32> to vector<1x10240x128xf32>
    %squeeze3A = vector.shape_cast %slice3A : vector<1x10240x128xf32> to vector<10240x128xf32>
    %slice3A_9 = vector.extract_strided_slice %get3A_2 {offsets = [1, 0, 0], sizes = [1, 10240, 128], strides = [1, 1, 1]} : vector<2x10240x128xf32> to vector<1x10240x128xf32>
    %squeeze3A_10 = vector.shape_cast %slice3A_9 : vector<1x10240x128xf32> to vector<10240x128xf32>
    %add3A = arith.addf %squeeze3A, %squeeze3A_10 : vector<10240x128xf32>
    %slice3A_11 = vector.extract_strided_slice %add3A {offsets = [0, 0], sizes = [10000, 128], strides = [1, 1]} : vector<10240x128xf32> to vector<10000x128xf32>
    %slice3A_12 = vector.extract_strided_slice %slice3A_11 {offsets = [0, 0], sizes = [10000, 64], strides = [1, 1]} : vector<10000x128xf32> to vector<10000x64xf32>
    %slice3A_13 = vector.extract_strided_slice %slice3A_11 {offsets = [0, 64], sizes = [10000, 16], strides = [1, 1]} : vector<10000x128xf32> to vector<10000x16xf32>
    %concatenate3A = tpu.concatenate %slice3A_13, %slice3A_13, %slice3A_13, %slice3A_13 in 1 : vector<10000x16xf32>, vector<10000x16xf32>, vector<10000x16xf32>, vector<10000x16xf32> -> vector<10000x64xf32>
    %add3A_14 = arith.constant 9.99999997E-7 : f32
    %add3A_15 = vector.broadcast %add3A_14 : f32 to vector<10000x64xf32>
    %add3A_16 = arith.addf %concatenate3A, %add3A_15 : vector<10000x64xf32>
    %div3A = arith.divf %slice3A_12, %add3A_16 : vector<10000x64xf32>
    %dot_general3A = arith.constant dense<0.000000e+00> : vector<10000x64xf32>
    %dot_general3A_17 = tpu.matmul %div3A, %get3A_5, %dot_general3A {dimension_numbers = #tpu.dot_dimension_numbers<[1], [0], [0], [1], [0, 0, 1, 1], [], []>, transpose_lhs_hint = false} : vector<10000x64xf32>, vector<64x64xf32>, vector<10000x64xf32> -> vector<10000x64xf32>
    %add3A_18 = vector.broadcast %get3A_8 : vector<1x64xf32> to vector<10000x64xf32>
    %add3A_19 = arith.addf %dot_general3A_17, %add3A_18 : vector<10000x64xf32>
    %get3A_20 = arith.constant 0 : index
    %get3A_21 = arith.constant 0 : index
    %get3A_22 = vector.load %arg1[%get3A_20, %get3A_21] : memref<10000x64xf32, #tpu.memory_space<vmem>>, vector<10000x64xf32>
    %add3A_23 = arith.addf %get3A_22, %add3A_19 : vector<10000x64xf32>
    %get3A_24 = arith.constant 0 : index
    %get3A_25 = arith.constant 0 : index
    %get3A_26 = vector.load %arg4[%get3A_24, %get3A_25] : memref<1x64xf32, #tpu.memory_space<vmem>>, vector<1x64xf32>
    %get3A_27 = arith.constant 0 : index
    %get3A_28 = arith.constant 0 : index
    %get3A_29 = vector.load %arg5[%get3A_27, %get3A_28] : memref<1x64xf32, #tpu.memory_space<vmem>>, vector<1x64xf32>
    %slice3A_30 = vector.extract_strided_slice %add3A_23 {offsets = [0, 0], sizes = [5000, 64], strides = [1, 1]} : vector<10000x64xf32> to vector<5000x64xf32>
    %slice3A_31 = vector.extract_strided_slice %add3A_23 {offsets = [5000, 0], sizes = [5000, 64], strides = [1, 1]} : vector<10000x64xf32> to vector<5000x64xf32>
    %add3A_32 = arith.addf %slice3A_30, %slice3A_31 : vector<5000x64xf32>
    %slice3A_33 = vector.extract_strided_slice %add3A_32 {offsets = [0, 0], sizes = [2500, 64], strides = [1, 1]} : vector<5000x64xf32> to vector<2500x64xf32>
    %slice3A_34 = vector.extract_strided_slice %add3A_32 {offsets = [2500, 0], sizes = [2500, 64], strides = [1, 1]} : vector<5000x64xf32> to vector<2500x64xf32>
    %add3A_35 = arith.addf %slice3A_33, %slice3A_34 : vector<2500x64xf32>
    %slice3A_36 = vector.extract_strided_slice %add3A_35 {offsets = [0, 0], sizes = [1250, 64], strides = [1, 1]} : vector<2500x64xf32> to vector<1250x64xf32>
    %slice3A_37 = vector.extract_strided_slice %add3A_35 {offsets = [1250, 0], sizes = [1250, 64], strides = [1, 1]} : vector<2500x64xf32> to vector<1250x64xf32>
    %add3A_38 = arith.addf %slice3A_36, %slice3A_37 : vector<1250x64xf32>
    %slice3A_39 = vector.extract_strided_slice %add3A_38 {offsets = [0, 0], sizes = [625, 64], strides = [1, 1]} : vector<1250x64xf32> to vector<625x64xf32>
    %slice3A_40 = vector.extract_strided_slice %add3A_38 {offsets = [625, 0], sizes = [625, 64], strides = [1, 1]} : vector<1250x64xf32> to vector<625x64xf32>
    %add3A_41 = arith.addf %slice3A_39, %slice3A_40 : vector<625x64xf32>
    %reduce_sum3A = arith.constant dense<0.000000e+00> : vector<64xf32>
    %reduce_sum3A_42 = vector.multi_reduction <add>, %add3A_41, %reduce_sum3A [0] : vector<625x64xf32> to vector<64xf32>
    %broadcast_in_dim3A = vector.shape_cast %reduce_sum3A_42 : vector<64xf32> to vector<1x64xf32>
    %mul3A = arith.constant 9.99999974E-5 : f32
    %mul3A_43 = vector.broadcast %mul3A : f32 to vector<1x64xf32>
    %mul3A_44 = arith.mulf %broadcast_in_dim3A, %mul3A_43 : vector<1x64xf32>
    %sub3A = vector.broadcast %mul3A_44 : vector<1x64xf32> to vector<10000x64xf32>
    %sub3A_45 = arith.subf %add3A_23, %sub3A : vector<10000x64xf32>
    %integer_pow3A = arith.mulf %sub3A_45, %sub3A_45 : vector<10000x64xf32>
    %slice3A_46 = vector.extract_strided_slice %integer_pow3A {offsets = [0, 0], sizes = [5000, 64], strides = [1, 1]} : vector<10000x64xf32> to vector<5000x64xf32>
    %slice3A_47 = vector.extract_strided_slice %integer_pow3A {offsets = [5000, 0], sizes = [5000, 64], strides = [1, 1]} : vector<10000x64xf32> to vector<5000x64xf32>
    %add3A_48 = arith.addf %slice3A_46, %slice3A_47 : vector<5000x64xf32>
    %slice3A_49 = vector.extract_strided_slice %add3A_48 {offsets = [0, 0], sizes = [2500, 64], strides = [1, 1]} : vector<5000x64xf32> to vector<2500x64xf32>
    %slice3A_50 = vector.extract_strided_slice %add3A_48 {offsets = [2500, 0], sizes = [2500, 64], strides = [1, 1]} : vector<5000x64xf32> to vector<2500x64xf32>
    %add3A_51 = arith.addf %slice3A_49, %slice3A_50 : vector<2500x64xf32>
    %slice3A_52 = vector.extract_strided_slice %add3A_51 {offsets = [0, 0], sizes = [1250, 64], strides = [1, 1]} : vector<2500x64xf32> to vector<1250x64xf32>
    %slice3A_53 = vector.extract_strided_slice %add3A_51 {offsets = [1250, 0], sizes = [1250, 64], strides = [1, 1]} : vector<2500x64xf32> to vector<1250x64xf32>
    %add3A_54 = arith.addf %slice3A_52, %slice3A_53 : vector<1250x64xf32>
    %slice3A_55 = vector.extract_strided_slice %add3A_54 {offsets = [0, 0], sizes = [625, 64], strides = [1, 1]} : vector<1250x64xf32> to vector<625x64xf32>
    %slice3A_56 = vector.extract_strided_slice %add3A_54 {offsets = [625, 0], sizes = [625, 64], strides = [1, 1]} : vector<1250x64xf32> to vector<625x64xf32>
    %add3A_57 = arith.addf %slice3A_55, %slice3A_56 : vector<625x64xf32>
    %reduce_sum3A_58 = arith.constant dense<0.000000e+00> : vector<64xf32>
    %reduce_sum3A_59 = vector.multi_reduction <add>, %add3A_57, %reduce_sum3A_58 [0] : vector<625x64xf32> to vector<64xf32>
    %broadcast_in_dim3A_60 = vector.shape_cast %reduce_sum3A_59 : vector<64xf32> to vector<1x64xf32>
    %mul3A_61 = arith.constant 9.99999974E-5 : f32
    %mul3A_62 = vector.broadcast %mul3A_61 : f32 to vector<1x64xf32>
    %mul3A_63 = arith.mulf %broadcast_in_dim3A_60, %mul3A_62 : vector<1x64xf32>
    %sub3A_64 = vector.broadcast %mul3A_44 : vector<1x64xf32> to vector<10000x64xf32>
    %sub3A_65 = arith.subf %add3A_23, %sub3A_64 : vector<10000x64xf32>
    %mul3A_66 = vector.broadcast %get3A_26 : vector<1x64xf32> to vector<10000x64xf32>
    %mul3A_67 = arith.mulf %mul3A_66, %sub3A_65 : vector<10000x64xf32>
    %add3A_68 = arith.constant 9.99999974E-6 : f32
    %add3A_69 = vector.broadcast %add3A_68 : f32 to vector<1x64xf32>
    %add3A_70 = arith.addf %mul3A_63, %add3A_69 : vector<1x64xf32>
    %rsqrt3A = math.rsqrt %add3A_70 : vector<1x64xf32>
    %mul3A_71 = vector.broadcast %rsqrt3A : vector<1x64xf32> to vector<10000x64xf32>
    %mul3A_72 = arith.mulf %mul3A_67, %mul3A_71 : vector<10000x64xf32>
    %add3A_73 = vector.broadcast %get3A_29 : vector<1x64xf32> to vector<10000x64xf32>
    %add3A_74 = arith.addf %mul3A_72, %add3A_73 : vector<10000x64xf32>
    %get3A_75 = arith.constant 0 : index
    %get3A_76 = arith.constant 0 : index
    %get3A_77 = vector.load %arg6[%get3A_75, %get3A_76] : memref<64x128xf32, #tpu.memory_space<vmem>>, vector<64x128xf32>
    %get3A_78 = arith.constant 0 : index
    %get3A_79 = arith.constant 0 : index
    %get3A_80 = vector.load %arg7[%get3A_78, %get3A_79] : memref<1x128xf32, #tpu.memory_space<vmem>>, vector<1x128xf32>
    %get3A_81 = arith.constant 0 : index
    %get3A_82 = arith.constant 0 : index
    %get3A_83 = vector.load %arg8[%get3A_81, %get3A_82] : memref<128x64xf32, #tpu.memory_space<vmem>>, vector<128x64xf32>
    %get3A_84 = arith.constant 0 : index
    %get3A_85 = arith.constant 0 : index
    %get3A_86 = vector.load %arg9[%get3A_84, %get3A_85] : memref<1x64xf32, #tpu.memory_space<vmem>>, vector<1x64xf32>
    %dot_general3A_87 = arith.constant dense<0.000000e+00> : vector<10000x128xf32>
    %dot_general3A_88 = tpu.matmul %add3A_74, %get3A_77, %dot_general3A_87 {dimension_numbers = #tpu.dot_dimension_numbers<[1], [0], [0], [1], [0, 0, 1, 1], [], []>, transpose_lhs_hint = false} : vector<10000x64xf32>, vector<64x128xf32>, vector<10000x128xf32> -> vector<10000x128xf32>
    %add3A_89 = vector.broadcast %get3A_80 : vector<1x128xf32> to vector<10000x128xf32>
    %add3A_90 = arith.addf %dot_general3A_88, %add3A_89 : vector<10000x128xf32>
    %max3A = arith.constant 0.000000e+00 : f32
    %max3A_91 = vector.broadcast %max3A : f32 to vector<10000x128xf32>
    %max3A_92 = arith.maximumf %add3A_90, %max3A_91 : vector<10000x128xf32>
    %dot_general3A_93 = arith.constant dense<0.000000e+00> : vector<10000x64xf32>
    %dot_general3A_94 = tpu.matmul %max3A_92, %get3A_83, %dot_general3A_93 {dimension_numbers = #tpu.dot_dimension_numbers<[1], [0], [0], [1], [0, 0, 1, 1], [], []>, transpose_lhs_hint = false} : vector<10000x128xf32>, vector<128x64xf32>, vector<10000x64xf32> -> vector<10000x64xf32>
    %add3A_95 = vector.broadcast %get3A_86 : vector<1x64xf32> to vector<10000x64xf32>
    %add3A_96 = arith.addf %dot_general3A_94, %add3A_95 : vector<10000x64xf32>
    %add3A_97 = arith.addf %add3A_74, %add3A_96 : vector<10000x64xf32>
    %get3A_98 = arith.constant 0 : index
    %get3A_99 = arith.constant 0 : index
    %get3A_100 = vector.load %arg10[%get3A_98, %get3A_99] : memref<1x64xf32, #tpu.memory_space<vmem>>, vector<1x64xf32>
    %get3A_101 = arith.constant 0 : index
    %get3A_102 = arith.constant 0 : index
    %get3A_103 = vector.load %arg11[%get3A_101, %get3A_102] : memref<1x64xf32, #tpu.memory_space<vmem>>, vector<1x64xf32>
    %slice3A_104 = vector.extract_strided_slice %add3A_97 {offsets = [0, 0], sizes = [5000, 64], strides = [1, 1]} : vector<10000x64xf32> to vector<5000x64xf32>
    %slice3A_105 = vector.extract_strided_slice %add3A_97 {offsets = [5000, 0], sizes = [5000, 64], strides = [1, 1]} : vector<10000x64xf32> to vector<5000x64xf32>
    %add3A_106 = arith.addf %slice3A_104, %slice3A_105 : vector<5000x64xf32>
    %slice3A_107 = vector.extract_strided_slice %add3A_106 {offsets = [0, 0], sizes = [2500, 64], strides = [1, 1]} : vector<5000x64xf32> to vector<2500x64xf32>
    %slice3A_108 = vector.extract_strided_slice %add3A_106 {offsets = [2500, 0], sizes = [2500, 64], strides = [1, 1]} : vector<5000x64xf32> to vector<2500x64xf32>
    %add3A_109 = arith.addf %slice3A_107, %slice3A_108 : vector<2500x64xf32>
    %slice3A_110 = vector.extract_strided_slice %add3A_109 {offsets = [0, 0], sizes = [1250, 64], strides = [1, 1]} : vector<2500x64xf32> to vector<1250x64xf32>
    %slice3A_111 = vector.extract_strided_slice %add3A_109 {offsets = [1250, 0], sizes = [1250, 64], strides = [1, 1]} : vector<2500x64xf32> to vector<1250x64xf32>
    %add3A_112 = arith.addf %slice3A_110, %slice3A_111 : vector<1250x64xf32>
    %slice3A_113 = vector.extract_strided_slice %add3A_112 {offsets = [0, 0], sizes = [625, 64], strides = [1, 1]} : vector<1250x64xf32> to vector<625x64xf32>
    %slice3A_114 = vector.extract_strided_slice %add3A_112 {offsets = [625, 0], sizes = [625, 64], strides = [1, 1]} : vector<1250x64xf32> to vector<625x64xf32>
    %add3A_115 = arith.addf %slice3A_113, %slice3A_114 : vector<625x64xf32>
    %reduce_sum3A_116 = arith.constant dense<0.000000e+00> : vector<64xf32>
    %reduce_sum3A_117 = vector.multi_reduction <add>, %add3A_115, %reduce_sum3A_116 [0] : vector<625x64xf32> to vector<64xf32>
    %broadcast_in_dim3A_118 = vector.shape_cast %reduce_sum3A_117 : vector<64xf32> to vector<1x64xf32>
    %mul3A_119 = arith.constant 9.99999974E-5 : f32
    %mul3A_120 = vector.broadcast %mul3A_119 : f32 to vector<1x64xf32>
    %mul3A_121 = arith.mulf %broadcast_in_dim3A_118, %mul3A_120 : vector<1x64xf32>
    %sub3A_122 = vector.broadcast %mul3A_121 : vector<1x64xf32> to vector<10000x64xf32>
    %sub3A_123 = arith.subf %add3A_97, %sub3A_122 : vector<10000x64xf32>
    %integer_pow3A_124 = arith.mulf %sub3A_123, %sub3A_123 : vector<10000x64xf32>
    %slice3A_125 = vector.extract_strided_slice %integer_pow3A_124 {offsets = [0, 0], sizes = [5000, 64], strides = [1, 1]} : vector<10000x64xf32> to vector<5000x64xf32>
    %slice3A_126 = vector.extract_strided_slice %integer_pow3A_124 {offsets = [5000, 0], sizes = [5000, 64], strides = [1, 1]} : vector<10000x64xf32> to vector<5000x64xf32>
    %add3A_127 = arith.addf %slice3A_125, %slice3A_126 : vector<5000x64xf32>
    %slice3A_128 = vector.extract_strided_slice %add3A_127 {offsets = [0, 0], sizes = [2500, 64], strides = [1, 1]} : vector<5000x64xf32> to vector<2500x64xf32>
    %slice3A_129 = vector.extract_strided_slice %add3A_127 {offsets = [2500, 0], sizes = [2500, 64], strides = [1, 1]} : vector<5000x64xf32> to vector<2500x64xf32>
    %add3A_130 = arith.addf %slice3A_128, %slice3A_129 : vector<2500x64xf32>
    %slice3A_131 = vector.extract_strided_slice %add3A_130 {offsets = [0, 0], sizes = [1250, 64], strides = [1, 1]} : vector<2500x64xf32> to vector<1250x64xf32>
    %slice3A_132 = vector.extract_strided_slice %add3A_130 {offsets = [1250, 0], sizes = [1250, 64], strides = [1, 1]} : vector<2500x64xf32> to vector<1250x64xf32>
    %add3A_133 = arith.addf %slice3A_131, %slice3A_132 : vector<1250x64xf32>
    %slice3A_134 = vector.extract_strided_slice %add3A_133 {offsets = [0, 0], sizes = [625, 64], strides = [1, 1]} : vector<1250x64xf32> to vector<625x64xf32>
    %slice3A_135 = vector.extract_strided_slice %add3A_133 {offsets = [625, 0], sizes = [625, 64], strides = [1, 1]} : vector<1250x64xf32> to vector<625x64xf32>
    %add3A_136 = arith.addf %slice3A_134, %slice3A_135 : vector<625x64xf32>
    %reduce_sum3A_137 = arith.constant dense<0.000000e+00> : vector<64xf32>
    %reduce_sum3A_138 = vector.multi_reduction <add>, %add3A_136, %reduce_sum3A_137 [0] : vector<625x64xf32> to vector<64xf32>
    %broadcast_in_dim3A_139 = vector.shape_cast %reduce_sum3A_138 : vector<64xf32> to vector<1x64xf32>
    %mul3A_140 = arith.constant 9.99999974E-5 : f32
    %mul3A_141 = vector.broadcast %mul3A_140 : f32 to vector<1x64xf32>
    %mul3A_142 = arith.mulf %broadcast_in_dim3A_139, %mul3A_141 : vector<1x64xf32>
    %sub3A_143 = vector.broadcast %mul3A_121 : vector<1x64xf32> to vector<10000x64xf32>
    %sub3A_144 = arith.subf %add3A_97, %sub3A_143 : vector<10000x64xf32>
    %mul3A_145 = vector.broadcast %get3A_100 : vector<1x64xf32> to vector<10000x64xf32>
    %mul3A_146 = arith.mulf %mul3A_145, %sub3A_144 : vector<10000x64xf32>
    %add3A_147 = arith.constant 9.99999974E-6 : f32
    %add3A_148 = vector.broadcast %add3A_147 : f32 to vector<1x64xf32>
    %add3A_149 = arith.addf %mul3A_142, %add3A_148 : vector<1x64xf32>
    %rsqrt3A_150 = math.rsqrt %add3A_149 : vector<1x64xf32>
    %mul3A_151 = vector.broadcast %rsqrt3A_150 : vector<1x64xf32> to vector<10000x64xf32>
    %mul3A_152 = arith.mulf %mul3A_146, %mul3A_151 : vector<10000x64xf32>
    %add3A_153 = vector.broadcast %get3A_103 : vector<1x64xf32> to vector<10000x64xf32>
    %add3A_154 = arith.addf %mul3A_152, %add3A_153 : vector<10000x64xf32>
    %get3A_155 = arith.constant 0 : index
    %get3A_156 = arith.constant 0 : index
    %get3A_157 = vector.load %arg12[%get3A_155, %get3A_156] : memref<64x64xf32, #tpu.memory_space<vmem>>, vector<64x64xf32>
    %dot_general3A_158 = arith.constant dense<0.000000e+00> : vector<10000x64xf32>
    %dot_general3A_159 = tpu.matmul %add3A_154, %get3A_157, %dot_general3A_158 {dimension_numbers = #tpu.dot_dimension_numbers<[1], [0], [0], [1], [0, 0, 1, 1], [], []>, transpose_lhs_hint = false} : vector<10000x64xf32>, vector<64x64xf32>, vector<10000x64xf32> -> vector<10000x64xf32>
    %broadcast_in_dim3A_160 = arith.constant 0.000000e+00 : f32
    %broadcast_in_dim3A_161 = vector.broadcast %broadcast_in_dim3A_160 : f32 to vector<10000x64xf32>
    %concatenate3A_162 = tpu.concatenate %dot_general3A_159, %broadcast_in_dim3A_161 in 1 : vector<10000x64xf32>, vector<10000x64xf32> -> vector<10000x128xf32>
    %swap3A = arith.constant 0 : index
    %swap3A_163 = arith.constant 0 : index
    %swap3A_164 = vector.load %arg14[%swap3A, %swap3A_163] : memref<10000x128xf32, #tpu.memory_space<vmem>>, vector<10000x128xf32>
    tpu.vector_store %arg14[%swap3A, %swap3A_163], %concatenate3A_162 {strides = array<i32>} : memref<10000x128xf32, #tpu.memory_space<vmem>>, vector<10000x128xf32>,
    %get3A_165 = arith.constant 0 : index
    %get3A_166 = arith.constant 0 : index
    %get3A_167 = vector.load %arg13[%get3A_165, %get3A_166] : memref<64x128xf32, #tpu.memory_space<vmem>>, vector<64x128xf32>
    %dot_general3A_168 = arith.constant dense<0.000000e+00> : vector<10000x128xf32>
    %dot_general3A_169 = tpu.matmul %add3A_154, %get3A_167, %dot_general3A_168 {dimension_numbers = #tpu.dot_dimension_numbers<[1], [0], [0], [1], [0, 0, 1, 1], [], []>, transpose_lhs_hint = false} : vector<10000x64xf32>, vector<64x128xf32>, vector<10000x128xf32> -> vector<10000x128xf32>
    %swap3A_170 = arith.constant 0 : index
    %swap3A_171 = arith.constant 0 : index
    %swap3A_172 = vector.load %arg15[%swap3A_170, %swap3A_171] : memref<10000x128xf32, #tpu.memory_space<vmem>>, vector<10000x128xf32>
    tpu.vector_store %arg15[%swap3A_170, %swap3A_171], %dot_general3A_169 {strides = array<i32>} : memref<10000x128xf32, #tpu.memory_space<vmem>>, vector<10000x128xf32>,
    return
  }
}

module attributes {stable_mosaic.version = 14 : i64} {
  func.func @_post1_body(%arg0: memref<2x10240x128xf32, #tpu.memory_space<vmem>>, %arg1: memref<64x64xf32, #tpu.memory_space<vmem>>, %arg2: memref<1x64xf32, #tpu.memory_space<vmem>>, %arg3: memref<1x64xf32, #tpu.memory_space<vmem>>, %arg4: memref<1x64xf32, #tpu.memory_space<vmem>>, %arg5: memref<64x128xf32, #tpu.memory_space<vmem>>, %arg6: memref<1x128xf32, #tpu.memory_space<vmem>>, %arg7: memref<128x64xf32, #tpu.memory_space<vmem>>, %arg8: memref<1x64xf32, #tpu.memory_space<vmem>>, %arg9: memref<1x64xf32, #tpu.memory_space<vmem>>, %arg10: memref<1x64xf32, #tpu.memory_space<vmem>>, %arg11: memref<64x32xf32, #tpu.memory_space<vmem>>, %arg12: memref<1x32xf32, #tpu.memory_space<vmem>>, %arg13: memref<32x16xf32, #tpu.memory_space<vmem>>, %arg14: memref<1x16xf32, #tpu.memory_space<vmem>>, %arg15: memref<16x3xf32, #tpu.memory_space<vmem>>, %arg16: memref<1x3xf32, #tpu.memory_space<vmem>>, %arg17: memref<1x3xf32, #tpu.memory_space<vmem>>) attributes {dimension_semantics = [], scalar_prefetch = 0 : i64, scratch_operands = 0 : i64, tpu.core_type = #tpu.core_type<tc>} {
    %get3A = arith.constant 0 : index
    %get3A_0 = arith.constant 0 : index
    %get3A_1 = arith.constant 0 : index
    %get3A_2 = vector.load %arg0[%get3A, %get3A_0, %get3A_1] : memref<2x10240x128xf32, #tpu.memory_space<vmem>>, vector<2x10240x128xf32>
    %get3A_3 = arith.constant 0 : index
    %get3A_4 = arith.constant 0 : index
    %get3A_5 = vector.load %arg1[%get3A_3, %get3A_4] : memref<64x64xf32, #tpu.memory_space<vmem>>, vector<64x64xf32>
    %get3A_6 = arith.constant 0 : index
    %get3A_7 = arith.constant 0 : index
    %get3A_8 = vector.load %arg2[%get3A_6, %get3A_7] : memref<1x64xf32, #tpu.memory_space<vmem>>, vector<1x64xf32>
    %slice3A = vector.extract_strided_slice %get3A_2 {offsets = [0, 0, 0], sizes = [1, 10240, 128], strides = [1, 1, 1]} : vector<2x10240x128xf32> to vector<1x10240x128xf32>
    %squeeze3A = vector.shape_cast %slice3A : vector<1x10240x128xf32> to vector<10240x128xf32>
    %slice3A_9 = vector.extract_strided_slice %get3A_2 {offsets = [1, 0, 0], sizes = [1, 10240, 128], strides = [1, 1, 1]} : vector<2x10240x128xf32> to vector<1x10240x128xf32>
    %squeeze3A_10 = vector.shape_cast %slice3A_9 : vector<1x10240x128xf32> to vector<10240x128xf32>
    %add3A = arith.addf %squeeze3A, %squeeze3A_10 : vector<10240x128xf32>
    %slice3A_11 = vector.extract_strided_slice %add3A {offsets = [0, 0], sizes = [10000, 128], strides = [1, 1]} : vector<10240x128xf32> to vector<10000x128xf32>
    %slice3A_12 = vector.extract_strided_slice %slice3A_11 {offsets = [0, 0], sizes = [10000, 64], strides = [1, 1]} : vector<10000x128xf32> to vector<10000x64xf32>
    %slice3A_13 = vector.extract_strided_slice %slice3A_11 {offsets = [0, 64], sizes = [10000, 16], strides = [1, 1]} : vector<10000x128xf32> to vector<10000x16xf32>
    %concatenate3A = tpu.concatenate %slice3A_13, %slice3A_13, %slice3A_13, %slice3A_13 in 1 : vector<10000x16xf32>, vector<10000x16xf32>, vector<10000x16xf32>, vector<10000x16xf32> -> vector<10000x64xf32>
    %add3A_14 = arith.constant 9.99999997E-7 : f32
    %add3A_15 = vector.broadcast %add3A_14 : f32 to vector<10000x64xf32>
    %add3A_16 = arith.addf %concatenate3A, %add3A_15 : vector<10000x64xf32>
    %div3A = arith.divf %slice3A_12, %add3A_16 : vector<10000x64xf32>
    %dot_general3A = arith.constant dense<0.000000e+00> : vector<10000x64xf32>
    %dot_general3A_17 = tpu.matmul %div3A, %get3A_5, %dot_general3A {dimension_numbers = #tpu.dot_dimension_numbers<[1], [0], [0], [1], [0, 0, 1, 1], [], []>, transpose_lhs_hint = false} : vector<10000x64xf32>, vector<64x64xf32>, vector<10000x64xf32> -> vector<10000x64xf32>
    %add3A_18 = vector.broadcast %get3A_8 : vector<1x64xf32> to vector<10000x64xf32>
    %add3A_19 = arith.addf %dot_general3A_17, %add3A_18 : vector<10000x64xf32>
    %get3A_20 = arith.constant 0 : index
    %get3A_21 = arith.constant 0 : index
    %get3A_22 = vector.load %arg3[%get3A_20, %get3A_21] : memref<1x64xf32, #tpu.memory_space<vmem>>, vector<1x64xf32>
    %get3A_23 = arith.constant 0 : index
    %get3A_24 = arith.constant 0 : index
    %get3A_25 = vector.load %arg4[%get3A_23, %get3A_24] : memref<1x64xf32, #tpu.memory_space<vmem>>, vector<1x64xf32>
    %slice3A_26 = vector.extract_strided_slice %add3A_19 {offsets = [0, 0], sizes = [5000, 64], strides = [1, 1]} : vector<10000x64xf32> to vector<5000x64xf32>
    %slice3A_27 = vector.extract_strided_slice %add3A_19 {offsets = [5000, 0], sizes = [5000, 64], strides = [1, 1]} : vector<10000x64xf32> to vector<5000x64xf32>
    %add3A_28 = arith.addf %slice3A_26, %slice3A_27 : vector<5000x64xf32>
    %slice3A_29 = vector.extract_strided_slice %add3A_28 {offsets = [0, 0], sizes = [2500, 64], strides = [1, 1]} : vector<5000x64xf32> to vector<2500x64xf32>
    %slice3A_30 = vector.extract_strided_slice %add3A_28 {offsets = [2500, 0], sizes = [2500, 64], strides = [1, 1]} : vector<5000x64xf32> to vector<2500x64xf32>
    %add3A_31 = arith.addf %slice3A_29, %slice3A_30 : vector<2500x64xf32>
    %slice3A_32 = vector.extract_strided_slice %add3A_31 {offsets = [0, 0], sizes = [1250, 64], strides = [1, 1]} : vector<2500x64xf32> to vector<1250x64xf32>
    %slice3A_33 = vector.extract_strided_slice %add3A_31 {offsets = [1250, 0], sizes = [1250, 64], strides = [1, 1]} : vector<2500x64xf32> to vector<1250x64xf32>
    %add3A_34 = arith.addf %slice3A_32, %slice3A_33 : vector<1250x64xf32>
    %slice3A_35 = vector.extract_strided_slice %add3A_34 {offsets = [0, 0], sizes = [625, 64], strides = [1, 1]} : vector<1250x64xf32> to vector<625x64xf32>
    %slice3A_36 = vector.extract_strided_slice %add3A_34 {offsets = [625, 0], sizes = [625, 64], strides = [1, 1]} : vector<1250x64xf32> to vector<625x64xf32>
    %add3A_37 = arith.addf %slice3A_35, %slice3A_36 : vector<625x64xf32>
    %reduce_sum3A = arith.constant dense<0.000000e+00> : vector<64xf32>
    %reduce_sum3A_38 = vector.multi_reduction <add>, %add3A_37, %reduce_sum3A [0] : vector<625x64xf32> to vector<64xf32>
    %broadcast_in_dim3A = vector.shape_cast %reduce_sum3A_38 : vector<64xf32> to vector<1x64xf32>
    %mul3A = arith.constant 9.99999974E-5 : f32
    %mul3A_39 = vector.broadcast %mul3A : f32 to vector<1x64xf32>
    %mul3A_40 = arith.mulf %broadcast_in_dim3A, %mul3A_39 : vector<1x64xf32>
    %sub3A = vector.broadcast %mul3A_40 : vector<1x64xf32> to vector<10000x64xf32>
    %sub3A_41 = arith.subf %add3A_19, %sub3A : vector<10000x64xf32>
    %integer_pow3A = arith.mulf %sub3A_41, %sub3A_41 : vector<10000x64xf32>
    %slice3A_42 = vector.extract_strided_slice %integer_pow3A {offsets = [0, 0], sizes = [5000, 64], strides = [1, 1]} : vector<10000x64xf32> to vector<5000x64xf32>
    %slice3A_43 = vector.extract_strided_slice %integer_pow3A {offsets = [5000, 0], sizes = [5000, 64], strides = [1, 1]} : vector<10000x64xf32> to vector<5000x64xf32>
    %add3A_44 = arith.addf %slice3A_42, %slice3A_43 : vector<5000x64xf32>
    %slice3A_45 = vector.extract_strided_slice %add3A_44 {offsets = [0, 0], sizes = [2500, 64], strides = [1, 1]} : vector<5000x64xf32> to vector<2500x64xf32>
    %slice3A_46 = vector.extract_strided_slice %add3A_44 {offsets = [2500, 0], sizes = [2500, 64], strides = [1, 1]} : vector<5000x64xf32> to vector<2500x64xf32>
    %add3A_47 = arith.addf %slice3A_45, %slice3A_46 : vector<2500x64xf32>
    %slice3A_48 = vector.extract_strided_slice %add3A_47 {offsets = [0, 0], sizes = [1250, 64], strides = [1, 1]} : vector<2500x64xf32> to vector<1250x64xf32>
    %slice3A_49 = vector.extract_strided_slice %add3A_47 {offsets = [1250, 0], sizes = [1250, 64], strides = [1, 1]} : vector<2500x64xf32> to vector<1250x64xf32>
    %add3A_50 = arith.addf %slice3A_48, %slice3A_49 : vector<1250x64xf32>
    %slice3A_51 = vector.extract_strided_slice %add3A_50 {offsets = [0, 0], sizes = [625, 64], strides = [1, 1]} : vector<1250x64xf32> to vector<625x64xf32>
    %slice3A_52 = vector.extract_strided_slice %add3A_50 {offsets = [625, 0], sizes = [625, 64], strides = [1, 1]} : vector<1250x64xf32> to vector<625x64xf32>
    %add3A_53 = arith.addf %slice3A_51, %slice3A_52 : vector<625x64xf32>
    %reduce_sum3A_54 = arith.constant dense<0.000000e+00> : vector<64xf32>
    %reduce_sum3A_55 = vector.multi_reduction <add>, %add3A_53, %reduce_sum3A_54 [0] : vector<625x64xf32> to vector<64xf32>
    %broadcast_in_dim3A_56 = vector.shape_cast %reduce_sum3A_55 : vector<64xf32> to vector<1x64xf32>
    %mul3A_57 = arith.constant 9.99999974E-5 : f32
    %mul3A_58 = vector.broadcast %mul3A_57 : f32 to vector<1x64xf32>
    %mul3A_59 = arith.mulf %broadcast_in_dim3A_56, %mul3A_58 : vector<1x64xf32>
    %sub3A_60 = vector.broadcast %mul3A_40 : vector<1x64xf32> to vector<10000x64xf32>
    %sub3A_61 = arith.subf %add3A_19, %sub3A_60 : vector<10000x64xf32>
    %mul3A_62 = vector.broadcast %get3A_22 : vector<1x64xf32> to vector<10000x64xf32>
    %mul3A_63 = arith.mulf %mul3A_62, %sub3A_61 : vector<10000x64xf32>
    %add3A_64 = arith.constant 9.99999974E-6 : f32
    %add3A_65 = vector.broadcast %add3A_64 : f32 to vector<1x64xf32>
    %add3A_66 = arith.addf %mul3A_59, %add3A_65 : vector<1x64xf32>
    %rsqrt3A = math.rsqrt %add3A_66 : vector<1x64xf32>
    %mul3A_67 = vector.broadcast %rsqrt3A : vector<1x64xf32> to vector<10000x64xf32>
    %mul3A_68 = arith.mulf %mul3A_63, %mul3A_67 : vector<10000x64xf32>
    %add3A_69 = vector.broadcast %get3A_25 : vector<1x64xf32> to vector<10000x64xf32>
    %add3A_70 = arith.addf %mul3A_68, %add3A_69 : vector<10000x64xf32>
    %get3A_71 = arith.constant 0 : index
    %get3A_72 = arith.constant 0 : index
    %get3A_73 = vector.load %arg5[%get3A_71, %get3A_72] : memref<64x128xf32, #tpu.memory_space<vmem>>, vector<64x128xf32>
    %get3A_74 = arith.constant 0 : index
    %get3A_75 = arith.constant 0 : index
    %get3A_76 = vector.load %arg6[%get3A_74, %get3A_75] : memref<1x128xf32, #tpu.memory_space<vmem>>, vector<1x128xf32>
    %get3A_77 = arith.constant 0 : index
    %get3A_78 = arith.constant 0 : index
    %get3A_79 = vector.load %arg7[%get3A_77, %get3A_78] : memref<128x64xf32, #tpu.memory_space<vmem>>, vector<128x64xf32>
    %get3A_80 = arith.constant 0 : index
    %get3A_81 = arith.constant 0 : index
    %get3A_82 = vector.load %arg8[%get3A_80, %get3A_81] : memref<1x64xf32, #tpu.memory_space<vmem>>, vector<1x64xf32>
    %dot_general3A_83 = arith.constant dense<0.000000e+00> : vector<10000x128xf32>
    %dot_general3A_84 = tpu.matmul %add3A_70, %get3A_73, %dot_general3A_83 {dimension_numbers = #tpu.dot_dimension_numbers<[1], [0], [0], [1], [0, 0, 1, 1], [], []>, transpose_lhs_hint = false} : vector<10000x64xf32>, vector<64x128xf32>, vector<10000x128xf32> -> vector<10000x128xf32>
    %add3A_85 = vector.broadcast %get3A_76 : vector<1x128xf32> to vector<10000x128xf32>
    %add3A_86 = arith.addf %dot_general3A_84, %add3A_85 : vector<10000x128xf32>
    %max3A = arith.constant 0.000000e+00 : f32
    %max3A_87 = vector.broadcast %max3A : f32 to vector<10000x128xf32>
    %max3A_88 = arith.maximumf %add3A_86, %max3A_87 : vector<10000x128xf32>
    %dot_general3A_89 = arith.constant dense<0.000000e+00> : vector<10000x64xf32>
    %dot_general3A_90 = tpu.matmul %max3A_88, %get3A_79, %dot_general3A_89 {dimension_numbers = #tpu.dot_dimension_numbers<[1], [0], [0], [1], [0, 0, 1, 1], [], []>, transpose_lhs_hint = false} : vector<10000x128xf32>, vector<128x64xf32>, vector<10000x64xf32> -> vector<10000x64xf32>
    %add3A_91 = vector.broadcast %get3A_82 : vector<1x64xf32> to vector<10000x64xf32>
    %add3A_92 = arith.addf %dot_general3A_90, %add3A_91 : vector<10000x64xf32>
    %get3A_93 = arith.constant 0 : index
    %get3A_94 = arith.constant 0 : index
    %get3A_95 = vector.load %arg9[%get3A_93, %get3A_94] : memref<1x64xf32, #tpu.memory_space<vmem>>, vector<1x64xf32>
    %get3A_96 = arith.constant 0 : index
    %get3A_97 = arith.constant 0 : index
    %get3A_98 = vector.load %arg10[%get3A_96, %get3A_97] : memref<1x64xf32, #tpu.memory_space<vmem>>, vector<1x64xf32>
    %slice3A_99 = vector.extract_strided_slice %add3A_92 {offsets = [0, 0], sizes = [5000, 64], strides = [1, 1]} : vector<10000x64xf32> to vector<5000x64xf32>
    %slice3A_100 = vector.extract_strided_slice %add3A_92 {offsets = [5000, 0], sizes = [5000, 64], strides = [1, 1]} : vector<10000x64xf32> to vector<5000x64xf32>
    %add3A_101 = arith.addf %slice3A_99, %slice3A_100 : vector<5000x64xf32>
    %slice3A_102 = vector.extract_strided_slice %add3A_101 {offsets = [0, 0], sizes = [2500, 64], strides = [1, 1]} : vector<5000x64xf32> to vector<2500x64xf32>
    %slice3A_103 = vector.extract_strided_slice %add3A_101 {offsets = [2500, 0], sizes = [2500, 64], strides = [1, 1]} : vector<5000x64xf32> to vector<2500x64xf32>
    %add3A_104 = arith.addf %slice3A_102, %slice3A_103 : vector<2500x64xf32>
    %slice3A_105 = vector.extract_strided_slice %add3A_104 {offsets = [0, 0], sizes = [1250, 64], strides = [1, 1]} : vector<2500x64xf32> to vector<1250x64xf32>
    %slice3A_106 = vector.extract_strided_slice %add3A_104 {offsets = [1250, 0], sizes = [1250, 64], strides = [1, 1]} : vector<2500x64xf32> to vector<1250x64xf32>
    %add3A_107 = arith.addf %slice3A_105, %slice3A_106 : vector<1250x64xf32>
    %slice3A_108 = vector.extract_strided_slice %add3A_107 {offsets = [0, 0], sizes = [625, 64], strides = [1, 1]} : vector<1250x64xf32> to vector<625x64xf32>
    %slice3A_109 = vector.extract_strided_slice %add3A_107 {offsets = [625, 0], sizes = [625, 64], strides = [1, 1]} : vector<1250x64xf32> to vector<625x64xf32>
    %add3A_110 = arith.addf %slice3A_108, %slice3A_109 : vector<625x64xf32>
    %reduce_sum3A_111 = arith.constant dense<0.000000e+00> : vector<64xf32>
    %reduce_sum3A_112 = vector.multi_reduction <add>, %add3A_110, %reduce_sum3A_111 [0] : vector<625x64xf32> to vector<64xf32>
    %broadcast_in_dim3A_113 = vector.shape_cast %reduce_sum3A_112 : vector<64xf32> to vector<1x64xf32>
    %mul3A_114 = arith.constant 9.99999974E-5 : f32
    %mul3A_115 = vector.broadcast %mul3A_114 : f32 to vector<1x64xf32>
    %mul3A_116 = arith.mulf %broadcast_in_dim3A_113, %mul3A_115 : vector<1x64xf32>
    %sub3A_117 = vector.broadcast %mul3A_116 : vector<1x64xf32> to vector<10000x64xf32>
    %sub3A_118 = arith.subf %add3A_92, %sub3A_117 : vector<10000x64xf32>
    %integer_pow3A_119 = arith.mulf %sub3A_118, %sub3A_118 : vector<10000x64xf32>
    %slice3A_120 = vector.extract_strided_slice %integer_pow3A_119 {offsets = [0, 0], sizes = [5000, 64], strides = [1, 1]} : vector<10000x64xf32> to vector<5000x64xf32>
    %slice3A_121 = vector.extract_strided_slice %integer_pow3A_119 {offsets = [5000, 0], sizes = [5000, 64], strides = [1, 1]} : vector<10000x64xf32> to vector<5000x64xf32>
    %add3A_122 = arith.addf %slice3A_120, %slice3A_121 : vector<5000x64xf32>
    %slice3A_123 = vector.extract_strided_slice %add3A_122 {offsets = [0, 0], sizes = [2500, 64], strides = [1, 1]} : vector<5000x64xf32> to vector<2500x64xf32>
    %slice3A_124 = vector.extract_strided_slice %add3A_122 {offsets = [2500, 0], sizes = [2500, 64], strides = [1, 1]} : vector<5000x64xf32> to vector<2500x64xf32>
    %add3A_125 = arith.addf %slice3A_123, %slice3A_124 : vector<2500x64xf32>
    %slice3A_126 = vector.extract_strided_slice %add3A_125 {offsets = [0, 0], sizes = [1250, 64], strides = [1, 1]} : vector<2500x64xf32> to vector<1250x64xf32>
    %slice3A_127 = vector.extract_strided_slice %add3A_125 {offsets = [1250, 0], sizes = [1250, 64], strides = [1, 1]} : vector<2500x64xf32> to vector<1250x64xf32>
    %add3A_128 = arith.addf %slice3A_126, %slice3A_127 : vector<1250x64xf32>
    %slice3A_129 = vector.extract_strided_slice %add3A_128 {offsets = [0, 0], sizes = [625, 64], strides = [1, 1]} : vector<1250x64xf32> to vector<625x64xf32>
    %slice3A_130 = vector.extract_strided_slice %add3A_128 {offsets = [625, 0], sizes = [625, 64], strides = [1, 1]} : vector<1250x64xf32> to vector<625x64xf32>
    %add3A_131 = arith.addf %slice3A_129, %slice3A_130 : vector<625x64xf32>
    %reduce_sum3A_132 = arith.constant dense<0.000000e+00> : vector<64xf32>
    %reduce_sum3A_133 = vector.multi_reduction <add>, %add3A_131, %reduce_sum3A_132 [0] : vector<625x64xf32> to vector<64xf32>
    %broadcast_in_dim3A_134 = vector.shape_cast %reduce_sum3A_133 : vector<64xf32> to vector<1x64xf32>
    %mul3A_135 = arith.constant 9.99999974E-5 : f32
    %mul3A_136 = vector.broadcast %mul3A_135 : f32 to vector<1x64xf32>
    %mul3A_137 = arith.mulf %broadcast_in_dim3A_134, %mul3A_136 : vector<1x64xf32>
    %sub3A_138 = vector.broadcast %mul3A_116 : vector<1x64xf32> to vector<10000x64xf32>
    %sub3A_139 = arith.subf %add3A_92, %sub3A_138 : vector<10000x64xf32>
    %mul3A_140 = vector.broadcast %get3A_95 : vector<1x64xf32> to vector<10000x64xf32>
    %mul3A_141 = arith.mulf %mul3A_140, %sub3A_139 : vector<10000x64xf32>
    %add3A_142 = arith.constant 9.99999974E-6 : f32
    %add3A_143 = vector.broadcast %add3A_142 : f32 to vector<1x64xf32>
    %add3A_144 = arith.addf %mul3A_137, %add3A_143 : vector<1x64xf32>
    %rsqrt3A_145 = math.rsqrt %add3A_144 : vector<1x64xf32>
    %mul3A_146 = vector.broadcast %rsqrt3A_145 : vector<1x64xf32> to vector<10000x64xf32>
    %mul3A_147 = arith.mulf %mul3A_141, %mul3A_146 : vector<10000x64xf32>
    %add3A_148 = vector.broadcast %get3A_98 : vector<1x64xf32> to vector<10000x64xf32>
    %add3A_149 = arith.addf %mul3A_147, %add3A_148 : vector<10000x64xf32>
    %slice3A_150 = vector.extract_strided_slice %add3A_149 {offsets = [0, 0], sizes = [5000, 64], strides = [1, 1]} : vector<10000x64xf32> to vector<5000x64xf32>
    %slice3A_151 = vector.extract_strided_slice %add3A_149 {offsets = [5000, 0], sizes = [5000, 64], strides = [1, 1]} : vector<10000x64xf32> to vector<5000x64xf32>
    %add3A_152 = arith.addf %slice3A_150, %slice3A_151 : vector<5000x64xf32>
    %slice3A_153 = vector.extract_strided_slice %add3A_152 {offsets = [0, 0], sizes = [2500, 64], strides = [1, 1]} : vector<5000x64xf32> to vector<2500x64xf32>
    %slice3A_154 = vector.extract_strided_slice %add3A_152 {offsets = [2500, 0], sizes = [2500, 64], strides = [1, 1]} : vector<5000x64xf32> to vector<2500x64xf32>
    %add3A_155 = arith.addf %slice3A_153, %slice3A_154 : vector<2500x64xf32>
    %slice3A_156 = vector.extract_strided_slice %add3A_155 {offsets = [0, 0], sizes = [1250, 64], strides = [1, 1]} : vector<2500x64xf32> to vector<1250x64xf32>
    %slice3A_157 = vector.extract_strided_slice %add3A_155 {offsets = [1250, 0], sizes = [1250, 64], strides = [1, 1]} : vector<2500x64xf32> to vector<1250x64xf32>
    %add3A_158 = arith.addf %slice3A_156, %slice3A_157 : vector<1250x64xf32>
    %slice3A_159 = vector.extract_strided_slice %add3A_158 {offsets = [0, 0], sizes = [625, 64], strides = [1, 1]} : vector<1250x64xf32> to vector<625x64xf32>
    %slice3A_160 = vector.extract_strided_slice %add3A_158 {offsets = [625, 0], sizes = [625, 64], strides = [1, 1]} : vector<1250x64xf32> to vector<625x64xf32>
    %add3A_161 = arith.addf %slice3A_159, %slice3A_160 : vector<625x64xf32>
    %reduce_sum3A_162 = arith.constant dense<0.000000e+00> : vector<64xf32>
    %reduce_sum3A_163 = vector.multi_reduction <add>, %add3A_161, %reduce_sum3A_162 [0] : vector<625x64xf32> to vector<64xf32>
    %broadcast_in_dim3A_164 = vector.shape_cast %reduce_sum3A_163 : vector<64xf32> to vector<1x64xf32>
    %mul3A_165 = arith.constant 9.99999974E-5 : f32
    %mul3A_166 = vector.broadcast %mul3A_165 : f32 to vector<1x64xf32>
    %mul3A_167 = arith.mulf %broadcast_in_dim3A_164, %mul3A_166 : vector<1x64xf32>
    %get3A_168 = arith.constant 0 : index
    %get3A_169 = arith.constant 0 : index
    %get3A_170 = vector.load %arg11[%get3A_168, %get3A_169] : memref<64x32xf32, #tpu.memory_space<vmem>>, vector<64x32xf32>
    %dot_general3A_171 = arith.constant dense<0.000000e+00> : vector<1x32xf32>
    %dot_general3A_172 = tpu.matmul %mul3A_167, %get3A_170, %dot_general3A_171 {dimension_numbers = #tpu.dot_dimension_numbers<[1], [0], [0], [1], [0, 0, 1, 1], [], []>, transpose_lhs_hint = false} : vector<1x64xf32>, vector<64x32xf32>, vector<1x32xf32> -> vector<1x32xf32>
    %get3A_173 = arith.constant 0 : index
    %get3A_174 = arith.constant 0 : index
    %get3A_175 = vector.load %arg12[%get3A_173, %get3A_174] : memref<1x32xf32, #tpu.memory_space<vmem>>, vector<1x32xf32>
    %add3A_176 = arith.addf %dot_general3A_172, %get3A_175 : vector<1x32xf32>
    %max3A_177 = arith.constant 0.000000e+00 : f32
    %max3A_178 = vector.broadcast %max3A_177 : f32 to vector<1x32xf32>
    %max3A_179 = arith.maximumf %add3A_176, %max3A_178 : vector<1x32xf32>
    %get3A_180 = arith.constant 0 : index
    %get3A_181 = arith.constant 0 : index
    %get3A_182 = vector.load %arg13[%get3A_180, %get3A_181] : memref<32x16xf32, #tpu.memory_space<vmem>>, vector<32x16xf32>
    %dot_general3A_183 = arith.constant dense<0.000000e+00> : vector<1x16xf32>
    %dot_general3A_184 = tpu.matmul %max3A_179, %get3A_182, %dot_general3A_183 {dimension_numbers = #tpu.dot_dimension_numbers<[1], [0], [0], [1], [0, 0, 1, 1], [], []>, transpose_lhs_hint = false} : vector<1x32xf32>, vector<32x16xf32>, vector<1x16xf32> -> vector<1x16xf32>
    %get3A_185 = arith.constant 0 : index
    %get3A_186 = arith.constant 0 : index
    %get3A_187 = vector.load %arg14[%get3A_185, %get3A_186] : memref<1x16xf32, #tpu.memory_space<vmem>>, vector<1x16xf32>
    %add3A_188 = arith.addf %dot_general3A_184, %get3A_187 : vector<1x16xf32>
    %max3A_189 = arith.constant 0.000000e+00 : f32
    %max3A_190 = vector.broadcast %max3A_189 : f32 to vector<1x16xf32>
    %max3A_191 = arith.maximumf %add3A_188, %max3A_190 : vector<1x16xf32>
    %get3A_192 = arith.constant 0 : index
    %get3A_193 = arith.constant 0 : index
    %get3A_194 = vector.load %arg15[%get3A_192, %get3A_193] : memref<16x3xf32, #tpu.memory_space<vmem>>, vector<16x3xf32>
    %dot_general3A_195 = arith.constant dense<0.000000e+00> : vector<1x3xf32>
    %dot_general3A_196 = tpu.matmul %max3A_191, %get3A_194, %dot_general3A_195 {dimension_numbers = #tpu.dot_dimension_numbers<[1], [0], [0], [1], [0, 0, 1, 1], [], []>, transpose_lhs_hint = false} : vector<1x16xf32>, vector<16x3xf32>, vector<1x3xf32> -> vector<1x3xf32>
    %get3A_197 = arith.constant 0 : index
    %get3A_198 = arith.constant 0 : index
    %get3A_199 = vector.load %arg16[%get3A_197, %get3A_198] : memref<1x3xf32, #tpu.memory_space<vmem>>, vector<1x3xf32>
    %add3A_200 = arith.addf %dot_general3A_196, %get3A_199 : vector<1x3xf32>
    %swap3A = arith.constant 0 : index
    %swap3A_201 = arith.constant 0 : index
    %swap3A_202 = vector.load %arg17[%swap3A, %swap3A_201] : memref<1x3xf32, #tpu.memory_space<vmem>>, vector<1x3xf32>
    tpu.vector_store %arg17[%swap3A, %swap3A_201], %add3A_200 {strides = array<i32>} : memref<1x3xf32, #tpu.memory_space<vmem>>, vector<1x3xf32>,
    return
  }
}

</mosaic_0001>

<sc_bundles>
// kernel: kernel.12.cloned.1.call-start
scs
__scs_entry_jumppad:
0x0: {  	(pc) =	sbr.rel $0x88, $3  }
0x1: {  	(tag) =	ssettag $0x0;
	lr =	simm.s32 $0x1  }
0x2: {  	[smem:$0x3F78] =	sst lr;
	_ =	strace $0xD0000000  }
0x3: {  	_ = 	snop  }
0x4: {  	_ = 	snop  }
0x5: {  	_ = 	snop  }
0x6: {  	_ = 	snop  }
0x7: {  	_ = 	snop  }
__scs_overlays_trampoline_lowered:
0x8: {  	[smem:$0x3F87] =	sst s0  }
0x9: {  	[smem:$0x3F88] =	sst s1  }
0xa: {  	[smem:$0x3F89] =	sst s2  }
0xb: {  	[smem:$0x3F8A] =	sst s3  }
0xc: {  	[smem:$0x3F8B] =	sst s4  }
0xd: {  	[smem:$0x3F8C] =	sst s5  }
0xe: {  	[smem:$0x3F8D] =	sst s6  }
0xf: {  	[smem:$0x3F8E] =	sst s7  }
0x10: {  	[smem:$0x3F8F] =	sst s8  }
0x11: {  	[smem:$0x3F90] =	sst s9;
	s0 =	simm.s32 @!p0 $0x0  }
0x12: {  	s1 =	sld [smem:$0x3F76];
	s0 =	simm.s32 @p0 $0x1  }
0x13: {  	[smem:$0x3F91] =	sst s0;
	s0 =	simm.s32 @!p1 $0x0  }
0x14: {  	s2 =	sld [smem:$0x3F75];
	s0 =	simm.s32 @p1 $0x1  }
0x15: {  	[smem:$0x3F92] =	sst s0;
	s0 =	simm.s32 @!p2 $0x0  }
0x16: {  	s3 =	sld [smem:$0x3FDB];
	s0 =	simm.s32 @p2 $0x1  }
0x17: {  	s4 =	simm.s32 $0x1BF5;
	[smem:$0x3F94] =	sst s0  }
0x18: {  	s0 =	sld [smem:$0x3F77];
	_ =	swait.ge [sflag:s4], $0x0  }
0x19: {  	s7 =	sld [smem:$0x3F78]  }
0x1a: {  	s8 =	sadd.s32 $0xFFFFE003, lr  }
0x1b: {  	s9 =	sadd.s32 $0xFFFFFEF7, lr;
	s5 =	simm.s32 $0xFFFFFFFF;
	p2 =	slt.u32 s8, $0xFFFFF086  }
0x1c: {  	p1 =	slt.u32 s9, $0xF7A;
	s5 =	simm.s32 @!p2 $0x0  }
0x1d: {  	s5 =	simm.s32 @p1 $0x1;
	p0 =	seq.s32 s7, s2  }
0x1e: {  	s7 =	smul.u32 @!p0 $0xF7A, s2;
	p2 =	seq.s32 @!p0 s5, $0x0  }
0x1f: {  	s9 =	smul.u32 $0xF7A, s1;
	s8 =	simm.s32 @!p0 $0x1BF5;
	p2 =	por !p2, p0  }
0x20: {  	[sflag:s8] =	ssyncset.s32 @!p0 $0xFFFFF086;
	s6 =	sadd.s32 @!p0 s3, s7;
	s7 =	simm.s32 @!p0 $0x108  }
0x21: {  	s3 =	sadd.s32 s3, s9;
	s6 =	sadd.s32 @!p0 $0x88, s6;
	s7 =	simm.s32 @p2 $0x1082  }
0x22: {  	[simem:s7], [sflag:s8] =	dma.local @!p0 [hbm:s6], $0xF7A  }
0x23: {  	s9 =	sor.u32 $0xD0000000, s2;
	s6 =	simm.s32 $0x108;
	_ =	swait.ge @!p0 [sflag:s8], $0x0  }
0x24: {  	s3 =	sadd.s32 $0x88, s3;
	s6 =	simm.s32 @!p1 $0x1082;
	[sflag:s4] =	ssyncset.s32 $0xFFFFF086  }
0x25: {  	[simem:s6], [sflag:s4] =	dma.local [hbm:s3], $0xF7A  }
0x26: {  	[smem:$0x3F78] =	sst s1;
	(tag) =	ssettag s2;
	_ =	strace s9  }
0x27: {  	s1 =	sld [smem:$0x3F88]  }
0x28: {  	s2 =	sld [smem:$0x3F89]  }
0x29: {  	s4 =	sld [smem:$0x3F8B]  }
0x2a: {  	p0 =	seq.s32 s5, $0x0;
	s5 =	sld [smem:$0x3F8C]  }
0x2b: {  	s6 =	sld [smem:$0x3F8D]  }
0x2c: {  	s7 =	sld [smem:$0x3F8E]  }
0x2d: {  	s3 =	simm.s32 $0x108;
	s8 =	sld [smem:$0x3F8F]  }
0x2e: {  	s3 =	simm.s32 @!p0 $0x1082;
	s9 =	sld [smem:$0x3F90]  }
0x2f: {  	lr =	sadd.s32 s0, s3;
	s0 =	sld [smem:$0x3F87]  }
0x30: {  	s3 =	sld [smem:$0x3F8A]  }
0x31: {  	[smem:$0x3F93] =	sst s10  }
0x32: {  	s10 =	sld [smem:$0x3F91];
	_ =	sdelay $0x3  }
0x33: {  	p0 =	seq.s32 s10, $0x1;
	s10 =	sld [smem:$0x3F93];
	_ =	sdelay $0x3  }
0x34: {  	[smem:$0x3F93] =	sst s10  }
0x35: {  	s10 =	sld [smem:$0x3F92];
	_ =	sdelay $0x3  }
0x36: {  	p1 =	seq.s32 s10, $0x1;
	s10 =	sld [smem:$0x3F93];
	_ =	sdelay $0x3  }
0x37: {  	[smem:$0x3F93] =	sst s10  }
0x38: {  	s10 =	sld [smem:$0x3F94]  }
0x39: {  	_ = 	snop;
	(pc) =	sbr.ind lr, $3  }
0x3a: {  	_ = 	snop  }
0x3b: {  	_ = 	snop  }
0x3c: {  	p2 =	seq.s32 s10, $0x1;
	s10 =	sld [smem:$0x3F93]  }
0x3d: {  	_ =	shalt  }
0x3e: {  	_ =	shalt  }
0x3f: {  	_ =	shalt  }
0x40: {  	_ =	shalt  }
0x41: {  	_ =	shalt  }
0x42: {  	_ =	shalt  }
0x43: {  	_ =	shalt  }
0x44: {  	_ =	shalt  }
0x45: {  	_ =	shalt  }
0x46: {  	_ =	shalt  }
0x47: {  	_ =	shalt  }
0x48: {  	_ =	shalt  }
0x49: {  	_ =	shalt  }
0x4a: {  	_ =	shalt  }
0x4b: {  	_ =	shalt  }
0x4c: {  	_ =	shalt  }
0x4d: {  	_ =	shalt  }
0x4e: {  	_ =	shalt  }
0x4f: {  	_ =	shalt  }
0x50: {  	_ =	shalt  }
0x51: {  	_ =	shalt  }
0x52: {  	_ =	shalt  }
0x53: {  	_ =	shalt  }
0x54: {  	_ =	shalt  }
0x55: {  	_ =	shalt  }
0x56: {  	_ =	shalt  }
0x57: {  	_ =	shalt  }
0x58: {  	_ =	shalt  }
0x59: {  	_ =	shalt  }
0x5a: {  	_ =	shalt  }
0x5b: {  	_ =	shalt  }
0x5c: {  	_ =	shalt  }
0x5d: {  	_ =	shalt  }
0x5e: {  	_ =	shalt  }
0x5f: {  	_ =	shalt  }
0x60: {  	_ =	shalt  }
0x61: {  	_ =	shalt  }
0x62: {  	_ =	shalt  }
0x63: {  	_ =	shalt  }
0x64: {  	_ =	shalt  }
0x65: {  	_ =	shalt  }
0x66: {  	_ =	shalt  }
0x67: {  	_ =	shalt  }
0x68: {  	_ =	shalt  }
0x69: {  	_ =	shalt  }
0x6a: {  	_ =	shalt  }
0x6b: {  	_ =	shalt  }
0x6c: {  	_ =	shalt  }
0x6d: {  	_ =	shalt  }
0x6e: {  	_ =	shalt  }
0x6f: {  	_ =	shalt  }
0x70: {  	_ =	shalt  }
0x71: {  	_ =	shalt  }
0x72: {  	_ =	shalt  }
0x73: {  	_ =	shalt  }
0x74: {  	_ =	shalt  }
0x75: {  	_ =	shalt  }
0x76: {  	_ =	shalt  }
0x77: {  	_ =	shalt  }
0x78: {  	_ =	shalt  }
0x79: {  	_ =	shalt  }
0x7a: {  	_ =	shalt  }
0x7b: {  	_ =	shalt  }
0x7c: {  	_ =	shalt  }
0x7d: {  	_ =	shalt  }
0x7e: {  	_ =	shalt  }
0x7f: {  	_ =	shalt  }
0x80: {  	_ =	shalt  }
0x81: {  	_ =	shalt  }
0x82: {  	_ =	shalt  }
0x83: {  	_ =	shalt  }
0x84: {  	_ =	shalt  }
0x85: {  	_ =	shalt  }
0x86: {  	_ =	shalt  }
0x87: {  	_ =	shalt  }
.Lfunc_end0:
.L_simem_size_0:
called_computation.1_lowered:
.L_overlay_start_0:
0x88: {  	s2 =	sld [smem:$0x3FD9]  }
0x89: {  	s3 =	sld [smem:$0x3FFE];
	_ =	sdelay $0x1  }
0x8a: {  	s1 =	srdreg.scid  }
0x8b: {  	s0 =	sand.u32 $0x1, s1  }
0x8c: {  	s16 =	sshll.u32 s0, $0xA;
	s2 =	sadd.s32 s3, s2  }
0x8d: {  	s2 =	sadd.s32 s2, s16  }
0x8e: {  	[smem:$0x3F9F] =	sst s2  }
0x8f: {  	_ = 	snop  }
0x90: {  	(tm) =	ssettm $0x1  }
0x91: {  	s17 =	sld [smem:$0x3FFB];
	_ =	sdelay $0x3  }
0x92: {  	_ =	strace s17  }
0x93: {  	s2 =	sld [smem:$0x3FFC];
	_ =	sdelay $0x3  }
0x94: {  	_ =	strace s2  }
0x95: {  	s2 =	sld [smem:$0x3FFD];
	_ =	sdelay $0x3  }
0x96: {  	_ =	strace s2  }
0x97: {  	_ =	strace $0x8FFFFFFF  }
0x98: {  	s18 =	sld [smem:$0x3FDB];
	_ =	sdelay $0x1  }
0x99: {  	s19 =	simm.s32 $_scs_section_size  }
0x9a: {  	s4 =	simm.s32 $_size__tile_overlayer_lowered;
	s5 =	simm.s32 $_tile_overlayer_lowered  }
0x9b: {  	s22 =	simm.s32 $0x1BFF;
	s21 =	sshll.u32 s5, $0x1;
	s2 =	sadd.s32 s19, s18  }
0x9c: {  	s6 =	simm.s32 $0x0;
	s20 =	sshll.u32 s4, $0x1;
	s4 =	sadd.s32 s21, s2  }
0x9d: {  	[timem:s6], [sflag:s22] =	dma.local [hbm:s4], s20  }
0x9e: {  	_ =	swait.ge [sflag:s22], s20  }
0x9f: {  	s3 =	ssub.s32 $0x0, s20;
	[sflag:s22] =	ssyncset.done $0x0  }
0xa0: {  	[sflag:s22] =	ssyncadd.s32 s3;
	_ =	sdelay $0x1  }
0xa1: {  	s23 =	simm.s32 $0x1B8B  }
0xa2: {  	_ =	swait.ge [sflag:s23], $0x1  }
0xa3: {  	[sflag:s23] =	ssyncset.done $0x0  }
0xa4: {  	s25 =	simm.s32 $0x1B8E;
	s24 =	sld [smem:$0x3FFE];
	[sflag:s23] =	ssyncadd.s32 $0xFFFFFFFF  }
0xa5: {  	s26 =	simm.s32 $execute0_lowered;
	[smem:$0x3FD2] =	sst s25  }
0xa6: {  	s4 =	sshll.u32 s26, $0x1;
	_ =	strace $0x80000049;
	[dreg:$0x1] =	wrdreg $0xFFFFFFFF  }
0xa7: {  	s28 =	simm.s32 $_size_execute0_lowered;
	s2 =	sadd.s32 s2, s4;
	[dreg:$0x0] =	wrdreg $0x0  }
0xa8: {  	s4 =	sshll.u32 s28, $0x1;
	[dreg:$0x2] =	wrdreg s2  }
0xa9: {  	[dreg:$0x3] =	wrdreg s4  }
0xaa: {  	[dreg:$0x4] =	wrdreg $0xC0  }
0xab: {  	_ =	task [dreg:s6], $0x5FFFF  }
0xac: {  	[dreg:$0x1] =	wrdreg $0xFFFFFFFF  }
0xad: {  	[dreg:$0x0] =	wrdreg $0x60  }
0xae: {  	[dreg:$0x2] =	wrdreg s24  }
0xaf: {  	[dreg:$0x3] =	wrdreg $0x0  }
0xb0: {  	[dreg:$0x4] =	wrdreg $0x9  }
0xb1: {  	_ =	task.clear_ibuf [dreg:s6], $0x5FFFF;
	_ =	strace $0x90000049  }
0xb2: {  	s29 =	simm.s32 $0x9;
	_ =	strace $0x8000004B  }
0xb3: {  	_ =	swait.ge [sflag:s29], $0x1  }
0xb4: {  	[sflag:s29] =	ssyncadd.s32 $0xFFFFFFFF  }
0xb5: {  	_ =	strace $0x9000004B  }
0xb6: {  	_ =	sfence  }
0xb7: {  	s30 =	sld [smem:$0x0];
	_ =	sdelay $0x2  }
0xb8: {  	s31 =	sshll.u32 s1, $0xD;
	s1 =	sshrl.u32 s1, $0x2  }
0xb9: {  	s3 =	sand.u32 $0x4000, s31;
	s1 =	sadd.s32 s1, s30  }
0xba: {  	s0 =	sor.u32 s3, s0;
	s1 =	sshll.u32 s1, $0x11  }
0xbb: {  	s0 =	sor.u32 s1, s0  }
0xbc: {  	s0 =	sadd.s32 $0x8F2B, s0  }
0xbd: {  	[sflag:s0] =	ssyncadd.remote.s32 $0x1  }
0xbe: {  	_ =	sfence.sel $0xFFFF  }
0xbf: {  	[dreg:$0x0] =	wrdreg $0xFFFFFFFF;
	(pc) =	sbr.abs _section_cstart, $3  }
0xc0: {  	[dreg:$0x1] =	wrdreg $0xFFFFFFFF  }
0xc1: {  	_ =	task.clear_ibuf [dreg:s6], $0x2FFFF;
	_ =	strace $0x9FFFFFFF  }
0xc2: {  	(tm) =	ssettm $0x7FFFFFFF  }
0xc3: {  	_ =	shalt  }
tec
execute0_lowered:
.L_overlay_start_1:
0x0: {  	(tag) =	ssettag $0x1  }
0x1: {  	s0 =	rddreg [dreg:$0x0]  }
0x2: {  	s1 =	rddreg [dreg:$0x1];
	s3 =	simm.s32 $0x0;
	s14 =	stileid.u32  }
0x3: {  	s2 =	srdreg.scid;
	s28 =	simm.s32 $0x14080;
	s29 =	simm.s32 $0x14180  }
0x4: {  	s30 =	simm.s32 $0x4;
	s31 =	simm.s32 $0x15600;
	s4 =	sadd.s32 $0xA7B800, s0  }
0x5: {  	[smem:$0x7FF] =	sst s3;
	s9 =	smul.u32 $0x14000, s14;
	s5 =	sadd.s32 $0xAA2A00, s0  }
0x6: {  	s2 =	sand.u32 $0x1, s2;
	s6 =	sadd.s32 $0xACB800, s0;
	s7 =	sadd.s32 $0x4F2400, s0  }
0x7: {  	s8 =	sadd.s32 $0x4E8600, s0;
	s12 =	smul.u32 $0x50000, s14;
	s23 =	sshll.u32 s14, $0x6  }
0x8: {  	_ =	strace $0x8000004A;
	s10 =	smul.u32 $0x140000, s2;
	s19 =	sshll.u32 s2, $0x4  }
0x9: {  	s2 =	ssub.s32 $0x2, s2;
	s11 =	sshrl.u32 s9, $0x3;
	s20 =	sor.u32 s14, s19  }
0xa: {  	s21 =	sshrl.u32 s2, $0x1;
	s12 =	sshrl.u32 s12, $0x2;
	s19 =	simm.s32 $0x5  }
0xb: {  	s11 =	sadd.s32 s11, s0;
	s9 =	sadd.s32 s9, s10;
	s13 =	smul.u32 $0x2710, s20  }
0xc: {  	s2 =	ssub.s32 s2, s21;
	s22 =	sadd.s32 s12, s1;
	s21 =	simm.s32 $0x14100  }
0xd: {  	s9 =	sshrl.u32 s9, $0x3;
	s11 =	sadd.s32 $0xA53800, s11;
	s26 =	smax.u32 s2, $0x1  }
0xe: {  	s2 =	simm.s32 $0x1A600;
	s0 =	sadd.s32 s9, s0;
	[dreg:$0x3] =	wrdreg s11  }
0xf: {  	s24 =	sshrl.u32 s13, $0x3;
	s9 =	smul.u32 $0x27100, s20;
	s11 =	sor.u32 $0x1C05, s23  }
0x10: {  	s14 =	sadd.s32 $0x28, s13;
	s15 =	sadd.s32 $0x50, s13;
	[dreg:$0x9] =	wrdreg s26  }
0x11: {  	s23 =	simm.s32 $0x28;
	s25 =	sadd.s32 s7, s24;
	[dreg:$0x4] =	wrdreg s11  }
0x12: {  	s26 =	simm.s32 $0x6;
	s12 =	sadd.s32 s8, s24;
	[dreg:$0x5] =	wrdreg s25  }
0x13: {  	v0 =	vlaneseq.u32;
	s0 =	sadd.s32 $0x6600, s0;
	s24 =	simm.s32 $0x1;
	[dreg:$0x6] =	wrdreg s12  }
0x14: {  	v1 =	vmul.u32 $0xFFFFFFFF, v0;
	s9 =	sadd.s32 s6, s9;
	[dreg:$0x8] =	wrdreg s0;
	s12 =	sshrl.u32 s22, $0x3  }
0x15: {  	s22 =	simm.s32 $0x3;
	s0 =	simm.s32 $0x17E00;
	[dreg:$0x7] =	wrdreg s9  }
0x16: {  	v0 =	vimm.f32 $0.0e+00;
	v1 =	vadd.s32 $0xF, v1;
	s25 =	simm.s32 $0x1BA00;
	s9 =	simm.s32 $0x2;
	[dreg:$0xa] =	wrdreg s12  }
.LBB2_1:
0x17: {  	s10 =	rddreg [dreg:$0x3]  }
0x18: {  	[spmem:s12], [sflag:s11] =	dma.local [hbm:s10], $0x2800  }
0x19: {  	_ =	swait.ge [sflag:s19], $0x2800  }
0x1a: {  	[sflag:s19] =	ssyncset.done $0x0  }
0x1b: {  	s10 =	simm.s32 $0x200;
	s11 =	simm.s32 $0x0;
	[sflag:s19] =	ssyncadd.s32 $0xFFFFD800  }
.LBB2_2:
0x1c: {  	p0 =	sne.s32 s10, $0x4E00;
	[tilespmem:s11+$0x1BA70] =	vst v0;
	s12 =	smov.u32 s10;
	s10 =	sadd.s32 $0x200, s10  }
.Ltmp0:
0x1d: {  	[tilespmem:s11+$0x1BA50] =	vst v0;
	(pc) =	sbr.rel @p0 .LBB2_2-.Ltmp0, $2  }
0x1e: {  	[tilespmem:s11+$0x1BA60] =	vst v0;
	_ =	sdelay $0x2  }
0x1f: {  	s11 =	sshra.s32 s12, $0x2  }
0x20: {  	[tilespmem:s11+$0x1BA70] =	vst v0  }
0x21: {  	[tilespmem:s11+$0x1BA50] =	vst v0  }
0x22: {  	[tilespmem:s11+$0x1BA60] =	vst v0  }
0x23: {  	[bflag:$0x0] =	sbarrier.arrive $0xFFFF  }
0x24: {  	s11 =	simm.s32 $0x0;
	s12 =	simm.s32 $0x14000;
	s10 =	rddreg [dreg:$0x5]  }
0x25: {  	[tilespmem:s12], [sflag:$0x3] =	stream.linear.gather [hbm4b:s10+s11], $0x28, $0x38;
	[tilespmem:$0x1CE00] =	vst v63  }
0x26: {  	s13 =	rddreg [dreg:$0x6]  }
0x27: {  	[tilespmem:s21], [sflag:$0x3] =	stream.linear.gather [hbm4b:s13+s11], $0x28, $0x38;
	[tilespmem:$0x1CE00] =	vst v63  }
0x28: {  	_ =	swait.ge [sflag:s22], $0x28  }
0x29: {  	[sflag:s22] =	ssyncset.done $0x0  }
0x2a: {  	[sflag:s22] =	ssyncadd.s32 $0xFFFFFFD8  }
0x2b: {  	_ =	swait.ge [sflag:s22], $0x28  }
0x2c: {  	[sflag:s22] =	ssyncset.done $0x0  }
0x2d: {  	s16 =	simm.s32 $0x14200;
	[sflag:s22] =	ssyncadd.s32 $0xFFFFFFD8  }
0x2e: {  	[tilespmem:s16], [sflag:$0x1] =	stream.indirect.gather [hbm4b:s5+s23], $0x80, s12, s23, $0xb8;
	[tilespmem:$0x1CE00] =	vst v63  }
0x2f: {  	s17 =	simm.s32 $0x16A00  }
0x30: {  	[tilespmem:s17], [sflag:$0x1] =	stream.indirect.gather [hbm4b:s4+s23], $0x80, s21, s23, $0xb8;
	[tilespmem:$0x1CE00] =	vst v63  }
0x31: {  	s20 =	simm.s32 $0x19200;
	s18 =	rddreg [dreg:$0x7]  }
0x32: {  	[tilespmem:s20], [sflag:$0x1] =	stream.linear.gather [hbm4b:s18+s11], $0x1400, $0x38;
	[tilespmem:$0x1CE00] =	vst v63  }
0x33: {  	s20 =	simm.s32 $0x0  }
.LBB2_4:
0x34: {  	s12 =	smul.u32 $0x50, s20;
	_ =	sdelay $0x1  }
0x35: {  	s10 =	sadd.s32 s12, s14  }
0x36: {  	s13 =	sshrl.u32 s10, $0x3  }
0x37: {  	s16 =	sadd.s32 s7, s13  }
0x38: {  	[tilespmem:s28], [sflag:$0x4] =	stream.linear.gather [hbm4b:s16+s11], $0x28, $0x38;
	[tilespmem:$0x1CE00] =	vst v63  }
0x39: {  	s13 =	sadd.s32 s8, s13  }
0x3a: {  	[tilespmem:s29], [sflag:$0x4] =	stream.linear.gather [hbm4b:s13+s11], $0x28, $0x38;
	[tilespmem:$0x1CE00] =	vst v63  }
0x3b: {  	_ =	swait.ge [sflag:s30], $0x28  }
0x3c: {  	[sflag:s30] =	ssyncset.done $0x0  }
0x3d: {  	[sflag:s30] =	ssyncadd.s32 $0xFFFFFFD8  }
0x3e: {  	_ =	swait.ge [sflag:s30], $0x28  }
0x3f: {  	[sflag:s30] =	ssyncset.done $0x0  }
0x40: {  	[sflag:s30] =	ssyncadd.s32 $0xFFFFFFD8  }
0x41: {  	[tilespmem:s31], [sflag:$0x2] =	stream.indirect.gather [hbm4b:s5+s23], $0x80, s28, s23, $0xb8;
	[tilespmem:$0x1CE00] =	vst v63  }
0x42: {  	s10 =	sshll.u32 s10, $0x4  }
0x43: {  	[tilespmem:s0], [sflag:$0x2] =	stream.indirect.gather [hbm4b:s4+s23], $0x80, s29, s23, $0xb8;
	[tilespmem:$0x1CE00] =	vst v63  }
0x44: {  	s10 =	sadd.s32 s6, s10  }
0x45: {  	[tilespmem:s2], [sflag:$0x2] =	stream.linear.gather [hbm4b:s10+s11], $0x1400, $0x38;
	[tilespmem:$0x1CE00] =	vst v63  }
0x46: {  	_ =	swait.ge [sflag:s24], $0x1400  }
0x47: {  	[sflag:s24] =	ssyncset.done $0x0  }
0x48: {  	[sflag:s24] =	ssyncadd.s32 $0xFFFFEC00  }
0x49: {  	_ =	swait.ge [sflag:s24], $0x1400  }
0x4a: {  	[sflag:s24] =	ssyncset.done $0x0  }
0x4b: {  	[sflag:s24] =	ssyncadd.s32 $0xFFFFEC00  }
0x4c: {  	_ =	swait.ge [sflag:s24], $0x1400  }
0x4d: {  	[sflag:s24] =	ssyncset.done $0x0  }
0x4e: {  	s16 =	simm.s32 $0x0;
	[sflag:s24] =	ssyncadd.s32 $0xFFFFEC00  }
0x4f: {  	v5 =	vld [tilespmem:s16+$0x19220]  }
0x50: {  	v6 =	vld [tilespmem:s16+$0x19200]  }
0x51: {  	v7 =	vld [tilespmem:s16+$0x14220]  }
0x52: {  	v8 =	vld [tilespmem:s16+$0x14200]  }
0x53: {  	v9 =	vld [tilespmem:s16+$0x16A00]  }
0x54: {  	v10 =	vld [tilespmem:s16+$0x14210]  }
0x55: {  	v11 =	vld [tilespmem:s16+$0x16A10]  }
0x56: {  	v12 =	vld [tilespmem:s16+$0x16A20]  }
0x57: {  	v13 =	vld [tilespmem:s16+$0x19210]  }
0x58: {  	v14 =	vld [tilespmem:s16+$0x14230]  }
0x59: {  	v15 =	vld [tilespmem:s16+$0x16A30]  }
0x5a: {  	s13 =	simm.s32 $0x80;
	v16 =	vld [tilespmem:s16+$0x19230]  }
0x5b: {  	v8 =	vmul.f32 v9, v8;
	v9 =	vld [tilespmem:s13+$0x19200]  }
0x5c: {  	v10 =	vmul.f32 v11, v10;
	v11 =	vld [tilespmem:s13+$0x14220]  }
0x5d: {  	v7 =	vmul.f32 v12, v7;
	v12 =	vld [tilespmem:s13+$0x16A00]  }
0x5e: {  	v6 =	vmul.f32 v6, v8;
	v8 =	vld [tilespmem:s13+$0x14200];
	v10 =	vmul.f32 v13, v10  }
0x5f: {  	v13 =	vld [tilespmem:s13+$0x14210]  }
0x60: {  	v5 =	vmul.f32 v5, v7;
	v7 =	vmul.f32 v15, v14;
	v6 =	vadd.f32 v10, v6;
	v10 =	vld [tilespmem:s13+$0x16A10]  }
0x61: {  	v14 =	vld [tilespmem:s13+$0x16A20]  }
0x62: {  	v5 =	vadd.f32 v5, v6;
	v6 =	vmul.f32 v16, v7;
	v7 =	vld [tilespmem:s13+$0x19210];
	_ =	sdelay $0x1  }
0x63: {  	v17 =	vld [tilespmem:s13+$0x19220];
	v16 =	vadd.f32 v6, v5  }
0x64: {  	v15 =	vld [tilespmem:s13+$0x14230];
	v6 =	vmul.f32 v12, v8;
	v10 =	vmul.f32 v10, v13  }
0x65: {  	v11 =	vmul.f32 v14, v11;
	v8 =	vld [tilespmem:s13+$0x16A30];
	v12 =	vperm.xlane v16, v1  }
0x66: {  	v9 =	vmul.f32 v9, v6;
	v10 =	vmul.f32 v7, v10  }
0x67: {  	v12 =	vadd.f32 v16, v12  }
0x68: {  	v4 =	vld [tilespmem:s16+$0x14240];
	v11 =	vmul.f32 v17, v11;
	v10 =	vadd.f32 v10, v9  }
0x69: {  	v3 =	vld [tilespmem:s16+$0x14250];
	v12 =	vmax.f32 v12, $-5.000000000e+00  }
0x6a: {  	v2 =	vld [tilespmem:s16+$0x14260];
	v14 =	vmul.f32 v8, v15;
	v15 =	vadd.f32 v11, v10;
	v11 =	vmin.f32 v12, $5.000000000e+00  }
0x6b: {  	v18 =	vld [tilespmem:s13+$0x19230];
	v12 =	vmul.f32 $1.442695020e+00, v11  }
0x6c: {  	v5 =	vld [tilespmem:s13+$0x14240]  }
0x6d: {  	v13 =	vld [tilespmem:s16+$0x14270];
	(erf) = vpow2.f32 v12  }
0x6e: {  	v6 =	vld [tilespmem:s13+$0x14250]  }
0x6f: {  	s17 =	simm.s32 $0x100;
	v7 =	vld [tilespmem:s13+$0x14260]  }
0x70: {  	v8 =	vld [tilespmem:s17+$0x19220]  }
0x71: {  	v9 =	vld [tilespmem:s17+$0x19200];
	v14 =	vmul.f32 v18, v14  }
0x72: {  	v10 =	vld [tilespmem:s17+$0x14220]  }
0x73: {  	v11 =	vld [tilespmem:s17+$0x14200];
	v15 =	vadd.f32 v14, v15  }
0x74: {  	v14 =	vld [tilespmem:s17+$0x16A00]  }
0x75: {  	s10 =	simm.s32 $0x600;
	v12 =	vld [tilespmem:s17+$0x14210];
	v16 =	vperm.xlane v15, v1  }
.LBB2_5:
0x76: {  	p0 =	sne.s32 s10, $0x4E00;
	v17 =	vld [tilespmem:s17+$0x16A10];
	v18 =	vpop (erf)  }
0x77: {  	v19 =	vld [tilespmem:s17+$0x16A20];
	v15 =	vadd.f32 v15, v16;
	v16 =	vmul.f32 v18, v4;
	v13 =	vmul.f32 v13, v18;
	[tilespmem:s16+$0x1BA40] =	vst v18  }
0x78: {  	v21 =	vmul.f32 v18, v3;
	v18 =	vmul.f32 v18, v2;
	v4 =	vmovc v5;
	v3 =	vmovc v6;
	v2 =	vmov v7;
	v20 =	vld [tilespmem:s17+$0x19210]  }
0x79: {  	v22 =	vld [tilespmem:s17+$0x14230];
	v5 =	vmax.f32 v15, $-5.000000000e+00;
	[tilespmem:s16+$0x1BA30] =	vst v13  }
0x7a: {  	v6 =	vmul.f32 v14, v11;
	v11 =	vld [tilespmem:s17+$0x16A30];
	v7 =	vmin.f32 v5, $5.000000000e+00;
	[tilespmem:s16+$0x1BA00] =	vst v16  }
0x7b: {  	v12 =	vmul.f32 v17, v12;
	v5 =	vld [tilespmem:s17+$0x14240];
	v7 =	vmul.f32 $1.442695020e+00, v7;
	[tilespmem:s16+$0x1BA10] =	vst v21  }
0x7c: {  	v9 =	vmul.f32 v9, v6;
	v10 =	vmul.f32 v19, v10;
	v14 =	vld [tilespmem:s17+$0x19230];
	[tilespmem:s16+$0x1BA20] =	vst v18;
	s16 =	smov.u32 s13;
	s13 =	smov.u32 s17  }
0x7d: {  	v12 =	vmul.f32 v20, v12;
	v6 =	vld [tilespmem:s13+$0x14250];
	(erf) = vpow2.f32 v7  }
0x7e: {  	v7 =	vld [tilespmem:s13+$0x14260]  }
0x7f: {  	s17 =	sshra.s32 s10, $0x2;
	v10 =	vmul.f32 v8, v10;
	v12 =	vadd.f32 v12, v9;
	v11 =	vmul.f32 v11, v22;
	v13 =	vld [tilespmem:s16+$0x14270]  }
0x80: {  	v8 =	vld [tilespmem:s17+$0x19220]  }
.Ltmp1:
0x81: {  	v9 =	vld [tilespmem:s17+$0x19200];
	v12 =	vadd.f32 v10, v12;
	v14 =	vmul.f32 v14, v11;
	(pc) =	sbr.rel @p0 .LBB2_5-.Ltmp1, $4  }
0x82: {  	v10 =	vld [tilespmem:s17+$0x14220]  }
0x83: {  	v11 =	vld [tilespmem:s17+$0x14200];
	v15 =	vadd.f32 v14, v12  }
0x84: {  	v14 =	vld [tilespmem:s17+$0x16A00]  }
0x85: {  	s10 =	sadd.s32 $0x200, s10;
	v12 =	vld [tilespmem:s17+$0x14210];
	v16 =	vperm.xlane v15, v1  }
0x86: {  	v17 =	vld [tilespmem:s17+$0x16A10];
	v18 =	vpop (erf)  }
0x87: {  	v19 =	vld [tilespmem:s17+$0x16A20];
	[tilespmem:s16+$0x1BA40] =	vst v18;
	v13 =	vmul.f32 v13, v18  }
0x88: {  	v4 =	vmul.f32 v18, v4;
	v20 =	vld [tilespmem:s17+$0x19210]  }
0x89: {  	v3 =	vmul.f32 v18, v3;
	v21 =	vld [tilespmem:s17+$0x14230];
	[tilespmem:s16+$0x1BA30] =	vst v13  }
0x8a: {  	v13 =	vld [tilespmem:s17+$0x16A30];
	[tilespmem:s16+$0x1BA00] =	vst v4;
	v4 =	vmul.f32 v14, v11  }
0x8b: {  	v14 =	vadd.f32 v15, v16;
	v11 =	vld [tilespmem:s17+$0x14240];
	v12 =	vmul.f32 v17, v12;
	[tilespmem:s16+$0x1BA10] =	vst v3  }
0x8c: {  	v3 =	vmul.f32 v9, v4;
	v4 =	vld [tilespmem:s17+$0x19230]  }
0x8d: {  	v10 =	vmul.f32 v19, v10;
	v9 =	vmax.f32 v14, $-5.000000000e+00;
	v12 =	vmul.f32 v20, v12  }
0x8e: {  	v9 =	vmin.f32 v9, $5.000000000e+00  }
0x8f: {  	v8 =	vmul.f32 v8, v10;
	v3 =	vadd.f32 v12, v3;
	v10 =	vmul.f32 v13, v21  }
0x90: {  	v9 =	vmul.f32 $1.442695020e+00, v9  }
0x91: {  	v3 =	vadd.f32 v8, v3;
	v4 =	vmul.f32 v4, v10  }
0x92: {  	(erf) = vpow2.f32 v9  }
0x93: {  	v3 =	vadd.f32 v4, v3  }
0x94: {  	v2 =	vmul.f32 v18, v2  }
0x95: {  	v4 =	vperm.xlane v3, v1  }
0x96: {  	[tilespmem:s16+$0x1BA20] =	vst v2  }
0x97: {  	v2 =	vld [tilespmem:s13+$0x14270];
	v3 =	vadd.f32 v3, v4;
	_ =	sdelay $0x1  }
0x98: {  	v3 =	vmax.f32 v3, $-5.000000000e+00  }
0x99: {  	v3 =	vmin.f32 v3, $5.000000000e+00  }
0x9a: {  	v8 =	vpop (erf);
	v3 =	vmul.f32 $1.442695020e+00, v3  }
0x9b: {  	v9 =	vld [tilespmem:s17+$0x14260];
	v2 =	vmul.f32 v2, v8  }
0x9c: {  	v4 =	vld [tilespmem:s17+$0x14250];
	v5 =	vmul.f32 v8, v5;
	[tilespmem:s13+$0x1BA40] =	vst v8;
	(erf) = vpow2.f32 v3  }
0x9d: {  	[tilespmem:s13+$0x1BA30] =	vst v2;
	v2 =	vmul.f32 v8, v7  }
0x9e: {  	[tilespmem:s13+$0x1BA00] =	vst v5;
	v3 =	vmul.f32 v8, v6  }
0x9f: {  	[tilespmem:s13+$0x1BA20] =	vst v2  }
0xa0: {  	[tilespmem:s13+$0x1BA10] =	vst v3  }
0xa1: {  	v2 =	vld [tilespmem:s17+$0x14270];
	_ =	sdelay $0x3  }
0xa2: {  	v3 =	vpop (erf)  }
0xa3: {  	v2 =	vmul.f32 v2, v3  }
0xa4: {  	v5 =	vmul.f32 v3, v11;
	[tilespmem:s17+$0x1BA40] =	vst v3  }
0xa5: {  	v4 =	vmul.f32 v3, v4;
	[tilespmem:s17+$0x1BA30] =	vst v2  }
0xa6: {  	v2 =	vmul.f32 v3, v9;
	[tilespmem:s17+$0x1BA00] =	vst v5  }
0xa7: {  	[tilespmem:s17+$0x1BA10] =	vst v4  }
0xa8: {  	p0 =	seq.s32 s20, $0x7C;
	[tilespmem:s17+$0x1BA20] =	vst v2  }
0xa9: {  	[spmem:s1] =	stream.indirect.scatter.add.f32 [tilespmem:s25], [sflag:$0x6], $0x80, s21, s23, $0xb8;
	[tilespmem:$0x1CE00] =	vst v63  }
0xaa: {  	s10 =	sadd.s32 @!p0 s12, s15;
	_ =	swait.ge [sflag:s26], $0x1400  }
0xab: {  	s12 =	sshrl.u32 @!p0 s10, $0x3;
	s16 =	simm.s32 @!p0 $0x0;
	[sflag:s26] =	ssyncset.done $0x0  }
0xac: {  	s13 =	sadd.s32 @!p0 s7, s12;
	s17 =	simm.s32 @!p0 $0x14000;
	[sflag:s26] =	ssyncadd.s32 $0xFFFFEC00  }
0xad: {  	[tilespmem:s17], [sflag:$0x3] =	stream.linear.gather @!p0 [hbm4b:s13+s16], $0x28, $0x38;
	[tilespmem:$0x1CE00] =	vst v63  }
0xae: {  	s12 =	sadd.s32 @!p0 s8, s12;
	s13 =	simm.s32 @!p0 $0x14100  }
0xaf: {  	[tilespmem:s13], [sflag:$0x3] =	stream.linear.gather @!p0 [hbm4b:s12+s16], $0x28, $0x38;
	[tilespmem:$0x1CE00] =	vst v63  }
0xb0: {  	s12 =	simm.s32 @!p0 $0x3  }
0xb1: {  	_ =	swait.ge @!p0 [sflag:s12], $0x28  }
0xb2: {  	[sflag:s12] =	ssyncset.done @!p0 $0x0  }
0xb3: {  	[sflag:s12] =	ssyncadd.s32 @!p0 $0xFFFFFFD8  }
0xb4: {  	_ =	swait.ge @!p0 [sflag:s12], $0x28  }
0xb5: {  	[sflag:s12] =	ssyncset.done @!p0 $0x0  }
0xb6: {  	s18 =	simm.s32 @!p0 $0x14200;
	[sflag:s12] =	ssyncadd.s32 @!p0 $0xFFFFFFD8;
	s12 =	simm.s32 @!p0 $0x28  }
0xb7: {  	[tilespmem:s18], [sflag:$0x1] =	stream.indirect.gather @!p0 [hbm4b:s5+s12], $0x80, s17, s12, $0xb8;
	[tilespmem:$0x1CE00] =	vst v63  }
0xb8: {  	s10 =	sshll.u32 @!p0 s10, $0x4;
	s17 =	simm.s32 @!p0 $0x16A00  }
0xb9: {  	[tilespmem:s17], [sflag:$0x1] =	stream.indirect.gather @!p0 [hbm4b:s4+s12], $0x80, s13, s12, $0xb8;
	[tilespmem:$0x1CE00] =	vst v63  }
0xba: {  	s10 =	sadd.s32 @!p0 s6, s10;
	s12 =	simm.s32 @!p0 $0x19200  }
0xbb: {  	[tilespmem:s12], [sflag:$0x1] =	stream.linear.gather @!p0 [hbm4b:s10+s16], $0x1400, $0x38;
	[tilespmem:$0x1CE00] =	vst v63  }
0xbc: {  	_ =	swait.ge [sflag:s9], $0x1400  }
0xbd: {  	[sflag:s9] =	ssyncset.done $0x0  }
0xbe: {  	[sflag:s9] =	ssyncadd.s32 $0xFFFFEC00  }
0xbf: {  	_ =	swait.ge [sflag:s9], $0x1400  }
0xc0: {  	[sflag:s9] =	ssyncset.done $0x0  }
0xc1: {  	[sflag:s9] =	ssyncadd.s32 $0xFFFFEC00  }
0xc2: {  	_ =	swait.ge [sflag:s9], $0x1400  }
0xc3: {  	[sflag:s9] =	ssyncset.done $0x0  }
0xc4: {  	s13 =	simm.s32 $0x0;
	[sflag:s9] =	ssyncadd.s32 $0xFFFFEC00  }
0xc5: {  	v5 =	vld [tilespmem:s13+$0x1A620]  }
0xc6: {  	v6 =	vld [tilespmem:s13+$0x1A600]  }
0xc7: {  	v7 =	vld [tilespmem:s13+$0x15620]  }
0xc8: {  	v8 =	vld [tilespmem:s13+$0x15600]  }
0xc9: {  	v9 =	vld [tilespmem:s13+$0x17E00]  }
0xca: {  	v10 =	vld [tilespmem:s13+$0x15610]  }
0xcb: {  	v11 =	vld [tilespmem:s13+$0x17E10]  }
0xcc: {  	v12 =	vld [tilespmem:s13+$0x17E20]  }
0xcd: {  	v13 =	vld [tilespmem:s13+$0x1A610]  }
0xce: {  	v14 =	vld [tilespmem:s13+$0x15630]  }
0xcf: {  	v15 =	vld [tilespmem:s13+$0x17E30]  }
0xd0: {  	s12 =	simm.s32 $0x80;
	v16 =	vld [tilespmem:s13+$0x1A630]  }
0xd1: {  	v8 =	vmul.f32 v9, v8;
	v9 =	vld [tilespmem:s12+$0x1A600]  }
0xd2: {  	v10 =	vmul.f32 v11, v10;
	v11 =	vld [tilespmem:s12+$0x15620]  }
0xd3: {  	v7 =	vmul.f32 v12, v7;
	v12 =	vld [tilespmem:s12+$0x17E00]  }
0xd4: {  	v6 =	vmul.f32 v6, v8;
	v8 =	vld [tilespmem:s12+$0x15600];
	v10 =	vmul.f32 v13, v10  }
0xd5: {  	v13 =	vld [tilespmem:s12+$0x15610]  }
0xd6: {  	v5 =	vmul.f32 v5, v7;
	v7 =	vmul.f32 v15, v14;
	v6 =	vadd.f32 v10, v6;
	v10 =	vld [tilespmem:s12+$0x17E10]  }
0xd7: {  	v14 =	vld [tilespmem:s12+$0x17E20]  }
0xd8: {  	v5 =	vadd.f32 v5, v6;
	v6 =	vmul.f32 v16, v7;
	v7 =	vld [tilespmem:s12+$0x1A610];
	_ =	sdelay $0x1  }
0xd9: {  	v17 =	vld [tilespmem:s12+$0x1A620];
	v16 =	vadd.f32 v6, v5  }
0xda: {  	v15 =	vld [tilespmem:s12+$0x15630];
	v6 =	vmul.f32 v12, v8;
	v10 =	vmul.f32 v10, v13  }
0xdb: {  	v11 =	vmul.f32 v14, v11;
	v8 =	vld [tilespmem:s12+$0x17E30];
	v12 =	vperm.xlane v16, v1  }
0xdc: {  	v9 =	vmul.f32 v9, v6;
	v10 =	vmul.f32 v7, v10  }
0xdd: {  	v12 =	vadd.f32 v16, v12  }
0xde: {  	v4 =	vld [tilespmem:s13+$0x15640];
	v11 =	vmul.f32 v17, v11;
	v10 =	vadd.f32 v10, v9  }
0xdf: {  	v3 =	vld [tilespmem:s13+$0x15650];
	v12 =	vmax.f32 v12, $-5.000000000e+00  }
0xe0: {  	v2 =	vld [tilespmem:s13+$0x15660];
	v14 =	vmul.f32 v8, v15;
	v15 =	vadd.f32 v11, v10;
	v11 =	vmin.f32 v12, $5.000000000e+00  }
0xe1: {  	v18 =	vld [tilespmem:s12+$0x1A630];
	v12 =	vmul.f32 $1.442695020e+00, v11  }
0xe2: {  	v5 =	vld [tilespmem:s12+$0x15640]  }
0xe3: {  	v13 =	vld [tilespmem:s13+$0x15670];
	(erf) = vpow2.f32 v12  }
0xe4: {  	v6 =	vld [tilespmem:s12+$0x15650]  }
0xe5: {  	s16 =	simm.s32 $0x100;
	v7 =	vld [tilespmem:s12+$0x15660]  }
0xe6: {  	v8 =	vld [tilespmem:s16+$0x1A620]  }
0xe7: {  	v9 =	vld [tilespmem:s16+$0x1A600];
	v14 =	vmul.f32 v18, v14  }
0xe8: {  	v10 =	vld [tilespmem:s16+$0x15620]  }
0xe9: {  	v11 =	vld [tilespmem:s16+$0x15600];
	v15 =	vadd.f32 v14, v15  }
0xea: {  	v14 =	vld [tilespmem:s16+$0x17E00]  }
0xeb: {  	s10 =	simm.s32 $0x600;
	v12 =	vld [tilespmem:s16+$0x15610];
	v16 =	vperm.xlane v15, v1  }
.LBB2_7:
0xec: {  	p0 =	sne.s32 s10, $0x4E00;
	v17 =	vld [tilespmem:s16+$0x17E10];
	v18 =	vpop (erf)  }
0xed: {  	v19 =	vld [tilespmem:s16+$0x17E20];
	v15 =	vadd.f32 v15, v16;
	v16 =	vmul.f32 v18, v4;
	v13 =	vmul.f32 v13, v18;
	[tilespmem:s13+$0x1BA40] =	vst v18  }
0xee: {  	v21 =	vmul.f32 v18, v3;
	v18 =	vmul.f32 v18, v2;
	v4 =	vmovc v5;
	v3 =	vmovc v6;
	v2 =	vmov v7;
	v20 =	vld [tilespmem:s16+$0x1A610]  }
0xef: {  	v22 =	vld [tilespmem:s16+$0x15630];
	v5 =	vmax.f32 v15, $-5.000000000e+00;
	[tilespmem:s13+$0x1BA30] =	vst v13  }
0xf0: {  	v6 =	vmul.f32 v14, v11;
	v11 =	vld [tilespmem:s16+$0x17E30];
	v7 =	vmin.f32 v5, $5.000000000e+00;
	[tilespmem:s13+$0x1BA00] =	vst v16  }
0xf1: {  	v12 =	vmul.f32 v17, v12;
	v5 =	vld [tilespmem:s16+$0x15640];
	v7 =	vmul.f32 $1.442695020e+00, v7;
	[tilespmem:s13+$0x1BA10] =	vst v21  }
0xf2: {  	v9 =	vmul.f32 v9, v6;
	v10 =	vmul.f32 v19, v10;
	v14 =	vld [tilespmem:s16+$0x1A630];
	[tilespmem:s13+$0x1BA20] =	vst v18;
	s13 =	smov.u32 s12;
	s12 =	smov.u32 s16  }
0xf3: {  	v12 =	vmul.f32 v20, v12;
	v6 =	vld [tilespmem:s12+$0x15650];
	(erf) = vpow2.f32 v7  }
0xf4: {  	v7 =	vld [tilespmem:s12+$0x15660]  }
0xf5: {  	s16 =	sshra.s32 s10, $0x2;
	v10 =	vmul.f32 v8, v10;
	v12 =	vadd.f32 v12, v9;
	v11 =	vmul.f32 v11, v22;
	v13 =	vld [tilespmem:s13+$0x15670]  }
0xf6: {  	v8 =	vld [tilespmem:s16+$0x1A620]  }
.Ltmp2:
0xf7: {  	v9 =	vld [tilespmem:s16+$0x1A600];
	v12 =	vadd.f32 v10, v12;
	v14 =	vmul.f32 v14, v11;
	(pc) =	sbr.rel @p0 .LBB2_7-.Ltmp2, $4  }
0xf8: {  	v10 =	vld [tilespmem:s16+$0x15620]  }
0xf9: {  	v11 =	vld [tilespmem:s16+$0x15600];
	v15 =	vadd.f32 v14, v12  }
0xfa: {  	v14 =	vld [tilespmem:s16+$0x17E00]  }
0xfb: {  	s10 =	sadd.s32 $0x200, s10;
	v12 =	vld [tilespmem:s16+$0x15610];
	v16 =	vperm.xlane v15, v1  }
0xfc: {  	v17 =	vld [tilespmem:s16+$0x17E10];
	v18 =	vpop (erf)  }
0xfd: {  	v19 =	vld [tilespmem:s16+$0x17E20];
	[tilespmem:s13+$0x1BA40] =	vst v18;
	v13 =	vmul.f32 v13, v18  }
0xfe: {  	v4 =	vmul.f32 v18, v4;
	v20 =	vld [tilespmem:s16+$0x1A610]  }
0xff: {  	v3 =	vmul.f32 v18, v3;
	v21 =	vld [tilespmem:s16+$0x15630];
	[tilespmem:s13+$0x1BA30] =	vst v13  }
0x100: {  	v54 =	vmul.f32 v14, v11;
	v13 =	vld [tilespmem:s16+$0x17E30];
	[tilespmem:s13+$0x1BA00] =	vst v4  }
0x101: {  	v56 =	vadd.f32 v15, v16;
	v55 =	vld [tilespmem:s16+$0x15640];
	v12 =	vmul.f32 v17, v12;
	[tilespmem:s13+$0x1BA10] =	vst v3  }
0x102: {  	v3 =	vmul.f32 v9, v54;
	v57 =	vld [tilespmem:s16+$0x1A630]  }
0x103: {  	v58 =	vmax.f32 v56, $-5.000000000e+00;
	v10 =	vmul.f32 v19, v10;
	v12 =	vmul.f32 v20, v12  }
0x104: {  	v9 =	vmin.f32 v58, $5.000000000e+00  }
0x105: {  	v8 =	vmul.f32 v8, v10;
	v3 =	vadd.f32 v12, v3;
	v59 =	vmul.f32 v13, v21  }
0x106: {  	v9 =	vmul.f32 $1.442695020e+00, v9  }
0x107: {  	v3 =	vadd.f32 v8, v3;
	v4 =	vmul.f32 v57, v59  }
0x108: {  	(erf) = vpow2.f32 v9  }
0x109: {  	v3 =	vadd.f32 v4, v3  }
0x10a: {  	v2 =	vmul.f32 v18, v2  }
0x10b: {  	v4 =	vperm.xlane v3, v1  }
0x10c: {  	[tilespmem:s13+$0x1BA20] =	vst v2  }
0x10d: {  	v2 =	vld [tilespmem:s12+$0x15670];
	v3 =	vadd.f32 v3, v4;
	_ =	sdelay $0x1  }
0x10e: {  	v3 =	vmax.f32 v3, $-5.000000000e+00  }
0x10f: {  	v3 =	vmin.f32 v3, $5.000000000e+00  }
0x110: {  	v61 =	vpop (erf);
	v3 =	vmul.f32 $1.442695020e+00, v3  }
0x111: {  	v60 =	vld [tilespmem:s16+$0x15650];
	v2 =	vmul.f32 v2, v61  }
0x112: {  	v62 =	vld [tilespmem:s16+$0x15660];
	v5 =	vmul.f32 v61, v5;
	[tilespmem:s12+$0x1BA40] =	vst v61;
	(erf) = vpow2.f32 v3  }
0x113: {  	[tilespmem:s12+$0x1BA30] =	vst v2;
	v2 =	vmul.f32 v61, v7  }
0x114: {  	[tilespmem:s12+$0x1BA00] =	vst v5;
	v3 =	vmul.f32 v61, v6  }
0x115: {  	[tilespmem:s12+$0x1BA20] =	vst v2  }
0x116: {  	[tilespmem:s12+$0x1BA10] =	vst v3  }
0x117: {  	v2 =	vld [tilespmem:s16+$0x15670];
	_ =	sdelay $0x3  }
0x118: {  	v3 =	vpop (erf)  }
0x119: {  	v2 =	vmul.f32 v2, v3  }
0x11a: {  	v63 =	vmul.f32 v3, v55;
	[tilespmem:s16+$0x1BA40] =	vst v3  }
0x11b: {  	v4 =	vmul.f32 v3, v60;
	[tilespmem:s16+$0x1BA30] =	vst v2  }
0x11c: {  	s20 =	sadd.s32 $0x1, s20;
	v2 =	vmul.f32 v3, v62;
	[tilespmem:s16+$0x1BA00] =	vst v63  }
0x11d: {  	p0 =	sne.s32 s20, $0x7D;
	[tilespmem:s16+$0x1BA10] =	vst v4  }
.Ltmp3:
0x11e: {  	[tilespmem:s16+$0x1BA20] =	vst v2;
	(pc) =	sbr.rel @p0 .LBB2_4-.Ltmp3, $4  }
0x11f: {  	[spmem:s1] =	stream.indirect.scatter.add.f32 [tilespmem:s25], [sflag:$0x5], $0x80, s29, s23, $0xb8;
	[tilespmem:$0x1CE00] =	vst v63  }
0x120: {  	_ =	swait.ge [sflag:s19], $0x1400  }
0x121: {  	[sflag:s19] =	ssyncset.done $0x0  }
0x122: {  	[sflag:s19] =	ssyncadd.s32 $0xFFFFEC00  }
0x123: {  	[bflag:$0x0] =	sbarrier.arrive $0xFFFF  }
0x124: {  	s11 =	rddreg [dreg:$0x4]  }
0x125: {  	s10 =	rddreg [dreg:$0x8]  }
0x126: {  	s12 =	rddreg [dreg:$0xa]  }
0x127: {  	[hbm:s10], [sflag:s11] =	dma.local [spmem:s12], $0x2800  }
0x128: {  	_ =	swait.ge [sflag:s19], $0x2800  }
0x129: {  	s3 =	sadd.s32 $0x1, s3;
	s20 =	rddreg [dreg:$0x9]  }
0x12a: {  	p0 =	sne.s32 s3, s20  }
.Ltmp4:
0x12b: {  	_ = 	snop;
	(pc) =	sbr.rel @p0 .LBB2_1-.Ltmp4, $3  }
0x12c: {  	_ =	sdelay $0x1  }
0x12d: {  	[sflag:s19] =	ssyncset.done $0x0  }
0x12e: {  	[sflag:s19] =	ssyncadd.s32 $0xFFFFD800  }
0x12f: {  	_ =	sfence.sel $0x180000  }
0x130: {  	[bflag:$0x0] =	sbarrier.arrive $0xFFFF  }
0x131: {  	_ =	strace $0x9000004A  }
0x132: {  	s0 =	stileid.u32;
	[bflag:$0x2] =	sbarrier.arrive $0xFFFF  }
0x133: {  	p0 =	sne.s32 s0, $0x0;
	s0 =	rddreg [dreg:$0x2]  }
0x134: {  	s0 =	sadd.s32 @!p0 $0x100000, s0  }
0x135: {  	[sflag:s0] =	ssyncadd.tile.s32 @!p0 $0x1;
	_ =	shalt  }
.Lfunc_end2:
_tile_overlayer_lowered:
.L_overlay_start_2:
0x136: {  	(tag) =	ssettag $0x2  }
0x137: {  	s0 =	rddreg [dreg:$0x0];
	s2 =	stileid.u32  }
0x138: {  	s1 =	rddreg [dreg:$0x1];
	p0 =	sne.s32 s2, $0x0  }
0x139: {  	s3 =	rddreg [dreg:$0x2];
	[bflag:$0x3] =	sbarrier.arrive $0xFFFF;
	s2 =	simm.s32 @!p0 $0x1C05  }
0x13a: {  	[timem:s3], [sflag:s2] =	dma.local @!p0 [hbm:s0], s1  }
0x13b: {  	s0 =	simm.s32 @!p0 $0x5  }
0x13c: {  	_ =	swait.ge @!p0 [sflag:s0], s1  }
0x13d: {  	s1 =	ssub.s32 @!p0 $0x0, s1;
	[sflag:s0] =	ssyncset.done @!p0 $0x0  }
0x13e: {  	[sflag:s0] =	ssyncadd.s32 @!p0 s1  }
0x13f: {  	[bflag:$0x3] =	sbarrier.arrive $0xFFFF  }
0x140: {  	_ =	shalt  }

// kernel: kernel.9.cloned.1.call-start
scs
__scs_entry_jumppad:
0x0: {  	(pc) =	sbr.rel $0x88, $3  }
0x1: {  	(tag) =	ssettag $0x0;
	lr =	simm.s32 $0x1  }
0x2: {  	[smem:$0x3F78] =	sst lr;
	_ =	strace $0xD0000000  }
0x3: {  	_ = 	snop  }
0x4: {  	_ = 	snop  }
0x5: {  	_ = 	snop  }
0x6: {  	_ = 	snop  }
0x7: {  	_ = 	snop  }
__scs_overlays_trampoline_lowered:
0x8: {  	[smem:$0x3F87] =	sst s0  }
0x9: {  	[smem:$0x3F88] =	sst s1  }
0xa: {  	[smem:$0x3F89] =	sst s2  }
0xb: {  	[smem:$0x3F8A] =	sst s3  }
0xc: {  	[smem:$0x3F8B] =	sst s4  }
0xd: {  	[smem:$0x3F8C] =	sst s5  }
0xe: {  	[smem:$0x3F8D] =	sst s6  }
0xf: {  	[smem:$0x3F8E] =	sst s7  }
0x10: {  	[smem:$0x3F8F] =	sst s8  }
0x11: {  	[smem:$0x3F90] =	sst s9;
	s0 =	simm.s32 @!p0 $0x0  }
0x12: {  	s1 =	sld [smem:$0x3F76];
	s0 =	simm.s32 @p0 $0x1  }
0x13: {  	[smem:$0x3F91] =	sst s0;
	s0 =	simm.s32 @!p1 $0x0  }
0x14: {  	s2 =	sld [smem:$0x3F75];
	s0 =	simm.s32 @p1 $0x1  }
0x15: {  	[smem:$0x3F92] =	sst s0;
	s0 =	simm.s32 @!p2 $0x0  }
0x16: {  	s3 =	sld [smem:$0x3FDB];
	s0 =	simm.s32 @p2 $0x1  }
0x17: {  	s4 =	simm.s32 $0x1BF5;
	[smem:$0x3F94] =	sst s0  }
0x18: {  	s0 =	sld [smem:$0x3F77];
	_ =	swait.ge [sflag:s4], $0x0  }
0x19: {  	s7 =	sld [smem:$0x3F78]  }
0x1a: {  	s8 =	sadd.s32 $0xFFFFE003, lr  }
0x1b: {  	s9 =	sadd.s32 $0xFFFFFEF7, lr;
	s5 =	simm.s32 $0xFFFFFFFF;
	p2 =	slt.u32 s8, $0xFFFFF086  }
0x1c: {  	p1 =	slt.u32 s9, $0xF7A;
	s5 =	simm.s32 @!p2 $0x0  }
0x1d: {  	s5 =	simm.s32 @p1 $0x1;
	p0 =	seq.s32 s7, s2  }
0x1e: {  	s7 =	smul.u32 @!p0 $0xF7A, s2;
	p2 =	seq.s32 @!p0 s5, $0x0  }
0x1f: {  	s9 =	smul.u32 $0xF7A, s1;
	s8 =	simm.s32 @!p0 $0x1BF5;
	p2 =	por !p2, p0  }
0x20: {  	[sflag:s8] =	ssyncset.s32 @!p0 $0xFFFFF086;
	s6 =	sadd.s32 @!p0 s3, s7;
	s7 =	simm.s32 @!p0 $0x108  }
0x21: {  	s3 =	sadd.s32 s3, s9;
	s6 =	sadd.s32 @!p0 $0x88, s6;
	s7 =	simm.s32 @p2 $0x1082  }
0x22: {  	[simem:s7], [sflag:s8] =	dma.local @!p0 [hbm:s6], $0xF7A  }
0x23: {  	s9 =	sor.u32 $0xD0000000, s2;
	s6 =	simm.s32 $0x108;
	_ =	swait.ge @!p0 [sflag:s8], $0x0  }
0x24: {  	s3 =	sadd.s32 $0x88, s3;
	s6 =	simm.s32 @!p1 $0x1082;
	[sflag:s4] =	ssyncset.s32 $0xFFFFF086  }
0x25: {  	[simem:s6], [sflag:s4] =	dma.local [hbm:s3], $0xF7A  }
0x26: {  	[smem:$0x3F78] =	sst s1;
	(tag) =	ssettag s2;
	_ =	strace s9  }
0x27: {  	s1 =	sld [smem:$0x3F88]  }
0x28: {  	s2 =	sld [smem:$0x3F89]  }
0x29: {  	s4 =	sld [smem:$0x3F8B]  }
0x2a: {  	p0 =	seq.s32 s5, $0x0;
	s5 =	sld [smem:$0x3F8C]  }
0x2b: {  	s6 =	sld [smem:$0x3F8D]  }
0x2c: {  	s7 =	sld [smem:$0x3F8E]  }
0x2d: {  	s3 =	simm.s32 $0x108;
	s8 =	sld [smem:$0x3F8F]  }
0x2e: {  	s3 =	simm.s32 @!p0 $0x1082;
	s9 =	sld [smem:$0x3F90]  }
0x2f: {  	lr =	sadd.s32 s0, s3;
	s0 =	sld [smem:$0x3F87]  }
0x30: {  	s3 =	sld [smem:$0x3F8A]  }
0x31: {  	[smem:$0x3F93] =	sst s10  }
0x32: {  	s10 =	sld [smem:$0x3F91];
	_ =	sdelay $0x3  }
0x33: {  	p0 =	seq.s32 s10, $0x1;
	s10 =	sld [smem:$0x3F93];
	_ =	sdelay $0x3  }
0x34: {  	[smem:$0x3F93] =	sst s10  }
0x35: {  	s10 =	sld [smem:$0x3F92];
	_ =	sdelay $0x3  }
0x36: {  	p1 =	seq.s32 s10, $0x1;
	s10 =	sld [smem:$0x3F93];
	_ =	sdelay $0x3  }
0x37: {  	[smem:$0x3F93] =	sst s10  }
0x38: {  	s10 =	sld [smem:$0x3F94]  }
0x39: {  	_ = 	snop;
	(pc) =	sbr.ind lr, $3  }
0x3a: {  	_ = 	snop  }
0x3b: {  	_ = 	snop  }
0x3c: {  	p2 =	seq.s32 s10, $0x1;
	s10 =	sld [smem:$0x3F93]  }
0x3d: {  	_ =	shalt  }
0x3e: {  	_ =	shalt  }
0x3f: {  	_ =	shalt  }
0x40: {  	_ =	shalt  }
0x41: {  	_ =	shalt  }
0x42: {  	_ =	shalt  }
0x43: {  	_ =	shalt  }
0x44: {  	_ =	shalt  }
0x45: {  	_ =	shalt  }
0x46: {  	_ =	shalt  }
0x47: {  	_ =	shalt  }
0x48: {  	_ =	shalt  }
0x49: {  	_ =	shalt  }
0x4a: {  	_ =	shalt  }
0x4b: {  	_ =	shalt  }
0x4c: {  	_ =	shalt  }
0x4d: {  	_ =	shalt  }
0x4e: {  	_ =	shalt  }
0x4f: {  	_ =	shalt  }
0x50: {  	_ =	shalt  }
0x51: {  	_ =	shalt  }
0x52: {  	_ =	shalt  }
0x53: {  	_ =	shalt  }
0x54: {  	_ =	shalt  }
0x55: {  	_ =	shalt  }
0x56: {  	_ =	shalt  }
0x57: {  	_ =	shalt  }
0x58: {  	_ =	shalt  }
0x59: {  	_ =	shalt  }
0x5a: {  	_ =	shalt  }
0x5b: {  	_ =	shalt  }
0x5c: {  	_ =	shalt  }
0x5d: {  	_ =	shalt  }
0x5e: {  	_ =	shalt  }
0x5f: {  	_ =	shalt  }
0x60: {  	_ =	shalt  }
0x61: {  	_ =	shalt  }
0x62: {  	_ =	shalt  }
0x63: {  	_ =	shalt  }
0x64: {  	_ =	shalt  }
0x65: {  	_ =	shalt  }
0x66: {  	_ =	shalt  }
0x67: {  	_ =	shalt  }
0x68: {  	_ =	shalt  }
0x69: {  	_ =	shalt  }
0x6a: {  	_ =	shalt  }
0x6b: {  	_ =	shalt  }
0x6c: {  	_ =	shalt  }
0x6d: {  	_ =	shalt  }
0x6e: {  	_ =	shalt  }
0x6f: {  	_ =	shalt  }
0x70: {  	_ =	shalt  }
0x71: {  	_ =	shalt  }
0x72: {  	_ =	shalt  }
0x73: {  	_ =	shalt  }
0x74: {  	_ =	shalt  }
0x75: {  	_ =	shalt  }
0x76: {  	_ =	shalt  }
0x77: {  	_ =	shalt  }
0x78: {  	_ =	shalt  }
0x79: {  	_ =	shalt  }
0x7a: {  	_ =	shalt  }
0x7b: {  	_ =	shalt  }
0x7c: {  	_ =	shalt  }
0x7d: {  	_ =	shalt  }
0x7e: {  	_ =	shalt  }
0x7f: {  	_ =	shalt  }
0x80: {  	_ =	shalt  }
0x81: {  	_ =	shalt  }
0x82: {  	_ =	shalt  }
0x83: {  	_ =	shalt  }
0x84: {  	_ =	shalt  }
0x85: {  	_ =	shalt  }
0x86: {  	_ =	shalt  }
0x87: {  	_ =	shalt  }
.Lfunc_end0:
.L_simem_size_0:
called_computation_lowered:
.L_overlay_start_0:
0x88: {  	s2 =	sld [smem:$0x3FD9]  }
0x89: {  	s3 =	sld [smem:$0x3FFE];
	_ =	sdelay $0x1  }
0x8a: {  	s1 =	srdreg.scid  }
0x8b: {  	s0 =	sand.u32 $0x1, s1  }
0x8c: {  	s16 =	sshll.u32 s0, $0xA;
	s2 =	sadd.s32 s3, s2  }
0x8d: {  	s2 =	sadd.s32 s2, s16  }
0x8e: {  	[smem:$0x3F9F] =	sst s2  }
0x8f: {  	_ = 	snop  }
0x90: {  	(tm) =	ssettm $0x1  }
0x91: {  	s17 =	sld [smem:$0x3FFB];
	_ =	sdelay $0x3  }
0x92: {  	_ =	strace s17  }
0x93: {  	s2 =	sld [smem:$0x3FFC];
	_ =	sdelay $0x3  }
0x94: {  	_ =	strace s2  }
0x95: {  	s2 =	sld [smem:$0x3FFD];
	_ =	sdelay $0x3  }
0x96: {  	_ =	strace s2  }
0x97: {  	_ =	strace $0x8FFFFFFF  }
0x98: {  	s18 =	sld [smem:$0x3FDB];
	_ =	sdelay $0x1  }
0x99: {  	s19 =	simm.s32 $_scs_section_size  }
0x9a: {  	s4 =	simm.s32 $_size__tile_overlayer_lowered;
	s5 =	simm.s32 $_tile_overlayer_lowered  }
0x9b: {  	s22 =	simm.s32 $0x1BFF;
	s21 =	sshll.u32 s5, $0x1;
	s2 =	sadd.s32 s19, s18  }
0x9c: {  	s6 =	simm.s32 $0x0;
	s20 =	sshll.u32 s4, $0x1;
	s4 =	sadd.s32 s21, s2  }
0x9d: {  	[timem:s6], [sflag:s22] =	dma.local [hbm:s4], s20  }
0x9e: {  	_ =	swait.ge [sflag:s22], s20  }
0x9f: {  	s3 =	ssub.s32 $0x0, s20;
	[sflag:s22] =	ssyncset.done $0x0  }
0xa0: {  	[sflag:s22] =	ssyncadd.s32 s3;
	_ =	sdelay $0x1  }
0xa1: {  	s23 =	simm.s32 $0x1B8B  }
0xa2: {  	_ =	swait.ge [sflag:s23], $0x1  }
0xa3: {  	[sflag:s23] =	ssyncset.done $0x0  }
0xa4: {  	s25 =	simm.s32 $0x1B8E;
	s24 =	sld [smem:$0x3FFE];
	[sflag:s23] =	ssyncadd.s32 $0xFFFFFFFF  }
0xa5: {  	s26 =	simm.s32 $execute0_lowered;
	[smem:$0x3FD2] =	sst s25  }
0xa6: {  	s4 =	sshll.u32 s26, $0x1;
	_ =	strace $0x80000046;
	[dreg:$0x1] =	wrdreg $0xFFFFFFFF  }
0xa7: {  	s28 =	simm.s32 $_size_execute0_lowered;
	s2 =	sadd.s32 s2, s4;
	[dreg:$0x0] =	wrdreg $0x0  }
0xa8: {  	s4 =	sshll.u32 s28, $0x1;
	[dreg:$0x2] =	wrdreg s2  }
0xa9: {  	[dreg:$0x3] =	wrdreg s4  }
0xaa: {  	[dreg:$0x4] =	wrdreg $0xC0  }
0xab: {  	_ =	task [dreg:s6], $0x5FFFF  }
0xac: {  	[dreg:$0x1] =	wrdreg $0xFFFFFFFF  }
0xad: {  	[dreg:$0x0] =	wrdreg $0x60  }
0xae: {  	[dreg:$0x2] =	wrdreg s24  }
0xaf: {  	[dreg:$0x3] =	wrdreg $0x0  }
0xb0: {  	[dreg:$0x4] =	wrdreg $0x9  }
0xb1: {  	_ =	task.clear_ibuf [dreg:s6], $0x5FFFF;
	_ =	strace $0x90000046  }
0xb2: {  	s29 =	simm.s32 $0x9;
	_ =	strace $0x80000048  }
0xb3: {  	_ =	swait.ge [sflag:s29], $0x1  }
0xb4: {  	[sflag:s29] =	ssyncadd.s32 $0xFFFFFFFF  }
0xb5: {  	_ =	strace $0x90000048  }
0xb6: {  	_ =	sfence  }
0xb7: {  	s30 =	sld [smem:$0x0];
	_ =	sdelay $0x2  }
0xb8: {  	s31 =	sshll.u32 s1, $0xD;
	s1 =	sshrl.u32 s1, $0x2  }
0xb9: {  	s3 =	sand.u32 $0x4000, s31;
	s1 =	sadd.s32 s1, s30  }
0xba: {  	s0 =	sor.u32 s3, s0;
	s1 =	sshll.u32 s1, $0x11  }
0xbb: {  	s0 =	sor.u32 s1, s0  }
0xbc: {  	s0 =	sadd.s32 $0x8F2B, s0  }
0xbd: {  	[sflag:s0] =	ssyncadd.remote.s32 $0x1  }
0xbe: {  	_ =	sfence.sel $0xFFFF  }
0xbf: {  	[dreg:$0x0] =	wrdreg $0xFFFFFFFF;
	(pc) =	sbr.abs _section_cstart, $3  }
0xc0: {  	[dreg:$0x1] =	wrdreg $0xFFFFFFFF  }
0xc1: {  	_ =	task.clear_ibuf [dreg:s6], $0x2FFFF;
	_ =	strace $0x9FFFFFFF  }
0xc2: {  	(tm) =	ssettm $0x7FFFFFFF  }
0xc3: {  	_ =	shalt  }
tec
execute0_lowered:
.L_overlay_start_1:
0x0: {  	(tag) =	ssettag $0x1  }
0x1: {  	s0 =	rddreg [dreg:$0x0]  }
0x2: {  	s1 =	rddreg [dreg:$0x1];
	s3 =	simm.s32 $0x0;
	s14 =	stileid.u32  }
0x3: {  	s2 =	srdreg.scid;
	s28 =	simm.s32 $0x14080;
	s29 =	simm.s32 $0x14180  }
0x4: {  	s30 =	simm.s32 $0x4;
	s31 =	simm.s32 $0x15600;
	s4 =	sadd.s32 $0xA05400, s0  }
0x5: {  	[smem:$0x7FF] =	sst s3;
	s9 =	smul.u32 $0x14000, s14;
	s5 =	sadd.s32 $0x9DE200, s0  }
0x6: {  	s2 =	sand.u32 $0x1, s2;
	s6 =	sadd.s32 $0x4FC200, s0;
	s7 =	sadd.s32 $0x4F2400, s0  }
0x7: {  	s8 =	sadd.s32 $0x4E8600, s0;
	s12 =	smul.u32 $0x50000, s14;
	s23 =	sshll.u32 s14, $0x6  }
0x8: {  	_ =	strace $0x80000047;
	s10 =	smul.u32 $0x140000, s2;
	s19 =	sshll.u32 s2, $0x4  }
0x9: {  	s2 =	ssub.s32 $0x2, s2;
	s11 =	sshrl.u32 s9, $0x3;
	s20 =	sor.u32 s14, s19  }
0xa: {  	s21 =	sshrl.u32 s2, $0x1;
	s12 =	sshrl.u32 s12, $0x2;
	s19 =	simm.s32 $0x5  }
0xb: {  	s11 =	sadd.s32 s11, s0;
	s9 =	sadd.s32 s9, s10;
	s13 =	smul.u32 $0x2710, s20  }
0xc: {  	s2 =	ssub.s32 s2, s21;
	s22 =	sadd.s32 s12, s1;
	s21 =	simm.s32 $0x14100  }
0xd: {  	s9 =	sshrl.u32 s9, $0x3;
	s11 =	sadd.s32 $0xA53800, s11;
	s26 =	smax.u32 s2, $0x1  }
0xe: {  	s2 =	simm.s32 $0x1A600;
	s0 =	sadd.s32 s9, s0;
	[dreg:$0x3] =	wrdreg s11  }
0xf: {  	s24 =	sshrl.u32 s13, $0x3;
	s9 =	smul.u32 $0x27100, s20;
	s11 =	sor.u32 $0x1C05, s23  }
0x10: {  	s14 =	sadd.s32 $0x28, s13;
	s15 =	sadd.s32 $0x50, s13;
	[dreg:$0x9] =	wrdreg s26  }
0x11: {  	s23 =	simm.s32 $0x28;
	s25 =	sadd.s32 s7, s24;
	[dreg:$0x4] =	wrdreg s11  }
0x12: {  	s26 =	simm.s32 $0x6;
	s12 =	sadd.s32 s8, s24;
	[dreg:$0x5] =	wrdreg s25  }
0x13: {  	v0 =	vlaneseq.u32;
	s0 =	sadd.s32 $0xA7B800, s0;
	s24 =	simm.s32 $0x1;
	[dreg:$0x6] =	wrdreg s12  }
0x14: {  	v1 =	vmul.u32 $0xFFFFFFFF, v0;
	s9 =	sadd.s32 s6, s9;
	[dreg:$0x8] =	wrdreg s0;
	s12 =	sshrl.u32 s22, $0x3  }
0x15: {  	s22 =	simm.s32 $0x3;
	s0 =	simm.s32 $0x17E00;
	[dreg:$0x7] =	wrdreg s9  }
0x16: {  	v0 =	vimm.f32 $0.0e+00;
	v1 =	vadd.s32 $0xF, v1;
	s25 =	simm.s32 $0x1BA00;
	s9 =	simm.s32 $0x2;
	[dreg:$0xa] =	wrdreg s12  }
.LBB2_1:
0x17: {  	s10 =	rddreg [dreg:$0x3]  }
0x18: {  	[spmem:s12], [sflag:s11] =	dma.local [hbm:s10], $0x2800  }
0x19: {  	_ =	swait.ge [sflag:s19], $0x2800  }
0x1a: {  	[sflag:s19] =	ssyncset.done $0x0  }
0x1b: {  	s10 =	simm.s32 $0x200;
	s11 =	simm.s32 $0x0;
	[sflag:s19] =	ssyncadd.s32 $0xFFFFD800  }
.LBB2_2:
0x1c: {  	p0 =	sne.s32 s10, $0x4E00;
	[tilespmem:s11+$0x1BA70] =	vst v0;
	s12 =	smov.u32 s10;
	s10 =	sadd.s32 $0x200, s10  }
.Ltmp0:
0x1d: {  	[tilespmem:s11+$0x1BA50] =	vst v0;
	(pc) =	sbr.rel @p0 .LBB2_2-.Ltmp0, $2  }
0x1e: {  	[tilespmem:s11+$0x1BA60] =	vst v0;
	_ =	sdelay $0x2  }
0x1f: {  	s11 =	sshra.s32 s12, $0x2  }
0x20: {  	[tilespmem:s11+$0x1BA70] =	vst v0  }
0x21: {  	[tilespmem:s11+$0x1BA50] =	vst v0  }
0x22: {  	[tilespmem:s11+$0x1BA60] =	vst v0  }
0x23: {  	[bflag:$0x0] =	sbarrier.arrive $0xFFFF  }
0x24: {  	s11 =	simm.s32 $0x0;
	s12 =	simm.s32 $0x14000;
	s10 =	rddreg [dreg:$0x5]  }
0x25: {  	[tilespmem:s12], [sflag:$0x3] =	stream.linear.gather [hbm4b:s10+s11], $0x28, $0x38;
	[tilespmem:$0x1CE00] =	vst v63  }
0x26: {  	s13 =	rddreg [dreg:$0x6]  }
0x27: {  	[tilespmem:s21], [sflag:$0x3] =	stream.linear.gather [hbm4b:s13+s11], $0x28, $0x38;
	[tilespmem:$0x1CE00] =	vst v63  }
0x28: {  	_ =	swait.ge [sflag:s22], $0x28  }
0x29: {  	[sflag:s22] =	ssyncset.done $0x0  }
0x2a: {  	[sflag:s22] =	ssyncadd.s32 $0xFFFFFFD8  }
0x2b: {  	_ =	swait.ge [sflag:s22], $0x28  }
0x2c: {  	[sflag:s22] =	ssyncset.done $0x0  }
0x2d: {  	s16 =	simm.s32 $0x14200;
	[sflag:s22] =	ssyncadd.s32 $0xFFFFFFD8  }
0x2e: {  	[tilespmem:s16], [sflag:$0x1] =	stream.indirect.gather [hbm4b:s5+s23], $0x80, s12, s23, $0xb8;
	[tilespmem:$0x1CE00] =	vst v63  }
0x2f: {  	s17 =	simm.s32 $0x16A00  }
0x30: {  	[tilespmem:s17], [sflag:$0x1] =	stream.indirect.gather [hbm4b:s4+s23], $0x80, s21, s23, $0xb8;
	[tilespmem:$0x1CE00] =	vst v63  }
0x31: {  	s20 =	simm.s32 $0x19200;
	s18 =	rddreg [dreg:$0x7]  }
0x32: {  	[tilespmem:s20], [sflag:$0x1] =	stream.linear.gather [hbm4b:s18+s11], $0x1400, $0x38;
	[tilespmem:$0x1CE00] =	vst v63  }
0x33: {  	s20 =	simm.s32 $0x0  }
.LBB2_4:
0x34: {  	s12 =	smul.u32 $0x50, s20;
	_ =	sdelay $0x1  }
0x35: {  	s10 =	sadd.s32 s12, s14  }
0x36: {  	s13 =	sshrl.u32 s10, $0x3  }
0x37: {  	s16 =	sadd.s32 s7, s13  }
0x38: {  	[tilespmem:s28], [sflag:$0x4] =	stream.linear.gather [hbm4b:s16+s11], $0x28, $0x38;
	[tilespmem:$0x1CE00] =	vst v63  }
0x39: {  	s13 =	sadd.s32 s8, s13  }
0x3a: {  	[tilespmem:s29], [sflag:$0x4] =	stream.linear.gather [hbm4b:s13+s11], $0x28, $0x38;
	[tilespmem:$0x1CE00] =	vst v63  }
0x3b: {  	_ =	swait.ge [sflag:s30], $0x28  }
0x3c: {  	[sflag:s30] =	ssyncset.done $0x0  }
0x3d: {  	[sflag:s30] =	ssyncadd.s32 $0xFFFFFFD8  }
0x3e: {  	_ =	swait.ge [sflag:s30], $0x28  }
0x3f: {  	[sflag:s30] =	ssyncset.done $0x0  }
0x40: {  	[sflag:s30] =	ssyncadd.s32 $0xFFFFFFD8  }
0x41: {  	[tilespmem:s31], [sflag:$0x2] =	stream.indirect.gather [hbm4b:s5+s23], $0x80, s28, s23, $0xb8;
	[tilespmem:$0x1CE00] =	vst v63  }
0x42: {  	s10 =	sshll.u32 s10, $0x4  }
0x43: {  	[tilespmem:s0], [sflag:$0x2] =	stream.indirect.gather [hbm4b:s4+s23], $0x80, s29, s23, $0xb8;
	[tilespmem:$0x1CE00] =	vst v63  }
0x44: {  	s10 =	sadd.s32 s6, s10  }
0x45: {  	[tilespmem:s2], [sflag:$0x2] =	stream.linear.gather [hbm4b:s10+s11], $0x1400, $0x38;
	[tilespmem:$0x1CE00] =	vst v63  }
0x46: {  	_ =	swait.ge [sflag:s24], $0x1400  }
0x47: {  	[sflag:s24] =	ssyncset.done $0x0  }
0x48: {  	[sflag:s24] =	ssyncadd.s32 $0xFFFFEC00  }
0x49: {  	_ =	swait.ge [sflag:s24], $0x1400  }
0x4a: {  	[sflag:s24] =	ssyncset.done $0x0  }
0x4b: {  	[sflag:s24] =	ssyncadd.s32 $0xFFFFEC00  }
0x4c: {  	_ =	swait.ge [sflag:s24], $0x1400  }
0x4d: {  	[sflag:s24] =	ssyncset.done $0x0  }
0x4e: {  	s16 =	simm.s32 $0x0;
	[sflag:s24] =	ssyncadd.s32 $0xFFFFEC00  }
0x4f: {  	v5 =	vld [tilespmem:s16+$0x19220]  }
0x50: {  	v6 =	vld [tilespmem:s16+$0x19200]  }
0x51: {  	v7 =	vld [tilespmem:s16+$0x14220]  }
0x52: {  	v8 =	vld [tilespmem:s16+$0x14200]  }
0x53: {  	v9 =	vld [tilespmem:s16+$0x16A00]  }
0x54: {  	v10 =	vld [tilespmem:s16+$0x14210]  }
0x55: {  	v11 =	vld [tilespmem:s16+$0x16A10]  }
0x56: {  	v12 =	vld [tilespmem:s16+$0x16A20]  }
0x57: {  	v13 =	vld [tilespmem:s16+$0x19210]  }
0x58: {  	v14 =	vld [tilespmem:s16+$0x14230]  }
0x59: {  	v15 =	vld [tilespmem:s16+$0x16A30]  }
0x5a: {  	s13 =	simm.s32 $0x80;
	v16 =	vld [tilespmem:s16+$0x19230]  }
0x5b: {  	v8 =	vmul.f32 v9, v8;
	v9 =	vld [tilespmem:s13+$0x19200]  }
0x5c: {  	v10 =	vmul.f32 v11, v10;
	v11 =	vld [tilespmem:s13+$0x14220]  }
0x5d: {  	v7 =	vmul.f32 v12, v7;
	v12 =	vld [tilespmem:s13+$0x16A00]  }
0x5e: {  	v6 =	vmul.f32 v6, v8;
	v8 =	vld [tilespmem:s13+$0x14200];
	v10 =	vmul.f32 v13, v10  }
0x5f: {  	v13 =	vld [tilespmem:s13+$0x14210]  }
0x60: {  	v5 =	vmul.f32 v5, v7;
	v7 =	vmul.f32 v15, v14;
	v6 =	vadd.f32 v10, v6;
	v10 =	vld [tilespmem:s13+$0x16A10]  }
0x61: {  	v14 =	vld [tilespmem:s13+$0x16A20]  }
0x62: {  	v5 =	vadd.f32 v5, v6;
	v6 =	vmul.f32 v16, v7;
	v7 =	vld [tilespmem:s13+$0x19210];
	_ =	sdelay $0x1  }
0x63: {  	v17 =	vld [tilespmem:s13+$0x19220];
	v16 =	vadd.f32 v6, v5  }
0x64: {  	v15 =	vld [tilespmem:s13+$0x14230];
	v6 =	vmul.f32 v12, v8;
	v10 =	vmul.f32 v10, v13  }
0x65: {  	v11 =	vmul.f32 v14, v11;
	v8 =	vld [tilespmem:s13+$0x16A30];
	v12 =	vperm.xlane v16, v1  }
0x66: {  	v9 =	vmul.f32 v9, v6;
	v10 =	vmul.f32 v7, v10  }
0x67: {  	v12 =	vadd.f32 v16, v12  }
0x68: {  	v4 =	vld [tilespmem:s16+$0x14240];
	v11 =	vmul.f32 v17, v11;
	v10 =	vadd.f32 v10, v9  }
0x69: {  	v3 =	vld [tilespmem:s16+$0x14250];
	v12 =	vmax.f32 v12, $-5.000000000e+00  }
0x6a: {  	v2 =	vld [tilespmem:s16+$0x14260];
	v14 =	vmul.f32 v8, v15;
	v15 =	vadd.f32 v11, v10;
	v11 =	vmin.f32 v12, $5.000000000e+00  }
0x6b: {  	v18 =	vld [tilespmem:s13+$0x19230];
	v12 =	vmul.f32 $1.442695020e+00, v11  }
0x6c: {  	v5 =	vld [tilespmem:s13+$0x14240]  }
0x6d: {  	v13 =	vld [tilespmem:s16+$0x14270];
	(erf) = vpow2.f32 v12  }
0x6e: {  	v6 =	vld [tilespmem:s13+$0x14250]  }
0x6f: {  	s17 =	simm.s32 $0x100;
	v7 =	vld [tilespmem:s13+$0x14260]  }
0x70: {  	v8 =	vld [tilespmem:s17+$0x19220]  }
0x71: {  	v9 =	vld [tilespmem:s17+$0x19200];
	v14 =	vmul.f32 v18, v14  }
0x72: {  	v10 =	vld [tilespmem:s17+$0x14220]  }
0x73: {  	v11 =	vld [tilespmem:s17+$0x14200];
	v15 =	vadd.f32 v14, v15  }
0x74: {  	v14 =	vld [tilespmem:s17+$0x16A00]  }
0x75: {  	s10 =	simm.s32 $0x600;
	v12 =	vld [tilespmem:s17+$0x14210];
	v16 =	vperm.xlane v15, v1  }
.LBB2_5:
0x76: {  	p0 =	sne.s32 s10, $0x4E00;
	v17 =	vld [tilespmem:s17+$0x16A10];
	v18 =	vpop (erf)  }
0x77: {  	v19 =	vld [tilespmem:s17+$0x16A20];
	v15 =	vadd.f32 v15, v16;
	v16 =	vmul.f32 v18, v4;
	v13 =	vmul.f32 v13, v18;
	[tilespmem:s16+$0x1BA40] =	vst v18  }
0x78: {  	v21 =	vmul.f32 v18, v3;
	v18 =	vmul.f32 v18, v2;
	v4 =	vmovc v5;
	v3 =	vmovc v6;
	v2 =	vmov v7;
	v20 =	vld [tilespmem:s17+$0x19210]  }
0x79: {  	v22 =	vld [tilespmem:s17+$0x14230];
	v5 =	vmax.f32 v15, $-5.000000000e+00;
	[tilespmem:s16+$0x1BA30] =	vst v13  }
0x7a: {  	v6 =	vmul.f32 v14, v11;
	v11 =	vld [tilespmem:s17+$0x16A30];
	v7 =	vmin.f32 v5, $5.000000000e+00;
	[tilespmem:s16+$0x1BA00] =	vst v16  }
0x7b: {  	v12 =	vmul.f32 v17, v12;
	v5 =	vld [tilespmem:s17+$0x14240];
	v7 =	vmul.f32 $1.442695020e+00, v7;
	[tilespmem:s16+$0x1BA10] =	vst v21  }
0x7c: {  	v9 =	vmul.f32 v9, v6;
	v10 =	vmul.f32 v19, v10;
	v14 =	vld [tilespmem:s17+$0x19230];
	[tilespmem:s16+$0x1BA20] =	vst v18;
	s16 =	smov.u32 s13;
	s13 =	smov.u32 s17  }
0x7d: {  	v12 =	vmul.f32 v20, v12;
	v6 =	vld [tilespmem:s13+$0x14250];
	(erf) = vpow2.f32 v7  }
0x7e: {  	v7 =	vld [tilespmem:s13+$0x14260]  }
0x7f: {  	s17 =	sshra.s32 s10, $0x2;
	v10 =	vmul.f32 v8, v10;
	v12 =	vadd.f32 v12, v9;
	v11 =	vmul.f32 v11, v22;
	v13 =	vld [tilespmem:s16+$0x14270]  }
0x80: {  	v8 =	vld [tilespmem:s17+$0x19220]  }
.Ltmp1:
0x81: {  	v9 =	vld [tilespmem:s17+$0x19200];
	v12 =	vadd.f32 v10, v12;
	v14 =	vmul.f32 v14, v11;
	(pc) =	sbr.rel @p0 .LBB2_5-.Ltmp1, $4  }
0x82: {  	v10 =	vld [tilespmem:s17+$0x14220]  }
0x83: {  	v11 =	vld [tilespmem:s17+$0x14200];
	v15 =	vadd.f32 v14, v12  }
0x84: {  	v14 =	vld [tilespmem:s17+$0x16A00]  }
0x85: {  	s10 =	sadd.s32 $0x200, s10;
	v12 =	vld [tilespmem:s17+$0x14210];
	v16 =	vperm.xlane v15, v1  }
0x86: {  	v17 =	vld [tilespmem:s17+$0x16A10];
	v18 =	vpop (erf)  }
0x87: {  	v19 =	vld [tilespmem:s17+$0x16A20];
	[tilespmem:s16+$0x1BA40] =	vst v18;
	v13 =	vmul.f32 v13, v18  }
0x88: {  	v4 =	vmul.f32 v18, v4;
	v20 =	vld [tilespmem:s17+$0x19210]  }
0x89: {  	v3 =	vmul.f32 v18, v3;
	v21 =	vld [tilespmem:s17+$0x14230];
	[tilespmem:s16+$0x1BA30] =	vst v13  }
0x8a: {  	v13 =	vld [tilespmem:s17+$0x16A30];
	[tilespmem:s16+$0x1BA00] =	vst v4;
	v4 =	vmul.f32 v14, v11  }
0x8b: {  	v14 =	vadd.f32 v15, v16;
	v11 =	vld [tilespmem:s17+$0x14240];
	v12 =	vmul.f32 v17, v12;
	[tilespmem:s16+$0x1BA10] =	vst v3  }
0x8c: {  	v3 =	vmul.f32 v9, v4;
	v4 =	vld [tilespmem:s17+$0x19230]  }
0x8d: {  	v10 =	vmul.f32 v19, v10;
	v9 =	vmax.f32 v14, $-5.000000000e+00;
	v12 =	vmul.f32 v20, v12  }
0x8e: {  	v9 =	vmin.f32 v9, $5.000000000e+00  }
0x8f: {  	v8 =	vmul.f32 v8, v10;
	v3 =	vadd.f32 v12, v3;
	v10 =	vmul.f32 v13, v21  }
0x90: {  	v9 =	vmul.f32 $1.442695020e+00, v9  }
0x91: {  	v3 =	vadd.f32 v8, v3;
	v4 =	vmul.f32 v4, v10  }
0x92: {  	(erf) = vpow2.f32 v9  }
0x93: {  	v3 =	vadd.f32 v4, v3  }
0x94: {  	v2 =	vmul.f32 v18, v2  }
0x95: {  	v4 =	vperm.xlane v3, v1  }
0x96: {  	[tilespmem:s16+$0x1BA20] =	vst v2  }
0x97: {  	v2 =	vld [tilespmem:s13+$0x14270];
	v3 =	vadd.f32 v3, v4;
	_ =	sdelay $0x1  }
0x98: {  	v3 =	vmax.f32 v3, $-5.000000000e+00  }
0x99: {  	v3 =	vmin.f32 v3, $5.000000000e+00  }
0x9a: {  	v8 =	vpop (erf);
	v3 =	vmul.f32 $1.442695020e+00, v3  }
0x9b: {  	v9 =	vld [tilespmem:s17+$0x14260];
	v2 =	vmul.f32 v2, v8  }
0x9c: {  	v4 =	vld [tilespmem:s17+$0x14250];
	v5 =	vmul.f32 v8, v5;
	[tilespmem:s13+$0x1BA40] =	vst v8;
	(erf) = vpow2.f32 v3  }
0x9d: {  	[tilespmem:s13+$0x1BA30] =	vst v2;
	v2 =	vmul.f32 v8, v7  }
0x9e: {  	[tilespmem:s13+$0x1BA00] =	vst v5;
	v3 =	vmul.f32 v8, v6  }
0x9f: {  	[tilespmem:s13+$0x1BA20] =	vst v2  }
0xa0: {  	[tilespmem:s13+$0x1BA10] =	vst v3  }
0xa1: {  	v2 =	vld [tilespmem:s17+$0x14270];
	_ =	sdelay $0x3  }
0xa2: {  	v3 =	vpop (erf)  }
0xa3: {  	v2 =	vmul.f32 v2, v3  }
0xa4: {  	v5 =	vmul.f32 v3, v11;
	[tilespmem:s17+$0x1BA40] =	vst v3  }
0xa5: {  	v4 =	vmul.f32 v3, v4;
	[tilespmem:s17+$0x1BA30] =	vst v2  }
0xa6: {  	v2 =	vmul.f32 v3, v9;
	[tilespmem:s17+$0x1BA00] =	vst v5  }
0xa7: {  	[tilespmem:s17+$0x1BA10] =	vst v4  }
0xa8: {  	p0 =	seq.s32 s20, $0x7C;
	[tilespmem:s17+$0x1BA20] =	vst v2  }
0xa9: {  	[spmem:s1] =	stream.indirect.scatter.add.f32 [tilespmem:s25], [sflag:$0x6], $0x80, s21, s23, $0xb8;
	[tilespmem:$0x1CE00] =	vst v63  }
0xaa: {  	s10 =	sadd.s32 @!p0 s12, s15;
	_ =	swait.ge [sflag:s26], $0x1400  }
0xab: {  	s12 =	sshrl.u32 @!p0 s10, $0x3;
	s16 =	simm.s32 @!p0 $0x0;
	[sflag:s26] =	ssyncset.done $0x0  }
0xac: {  	s13 =	sadd.s32 @!p0 s7, s12;
	s17 =	simm.s32 @!p0 $0x14000;
	[sflag:s26] =	ssyncadd.s32 $0xFFFFEC00  }
0xad: {  	[tilespmem:s17], [sflag:$0x3] =	stream.linear.gather @!p0 [hbm4b:s13+s16], $0x28, $0x38;
	[tilespmem:$0x1CE00] =	vst v63  }
0xae: {  	s12 =	sadd.s32 @!p0 s8, s12;
	s13 =	simm.s32 @!p0 $0x14100  }
0xaf: {  	[tilespmem:s13], [sflag:$0x3] =	stream.linear.gather @!p0 [hbm4b:s12+s16], $0x28, $0x38;
	[tilespmem:$0x1CE00] =	vst v63  }
0xb0: {  	s12 =	simm.s32 @!p0 $0x3  }
0xb1: {  	_ =	swait.ge @!p0 [sflag:s12], $0x28  }
0xb2: {  	[sflag:s12] =	ssyncset.done @!p0 $0x0  }
0xb3: {  	[sflag:s12] =	ssyncadd.s32 @!p0 $0xFFFFFFD8  }
0xb4: {  	_ =	swait.ge @!p0 [sflag:s12], $0x28  }
0xb5: {  	[sflag:s12] =	ssyncset.done @!p0 $0x0  }
0xb6: {  	s18 =	simm.s32 @!p0 $0x14200;
	[sflag:s12] =	ssyncadd.s32 @!p0 $0xFFFFFFD8;
	s12 =	simm.s32 @!p0 $0x28  }
0xb7: {  	[tilespmem:s18], [sflag:$0x1] =	stream.indirect.gather @!p0 [hbm4b:s5+s12], $0x80, s17, s12, $0xb8;
	[tilespmem:$0x1CE00] =	vst v63  }
0xb8: {  	s10 =	sshll.u32 @!p0 s10, $0x4;
	s17 =	simm.s32 @!p0 $0x16A00  }
0xb9: {  	[tilespmem:s17], [sflag:$0x1] =	stream.indirect.gather @!p0 [hbm4b:s4+s12], $0x80, s13, s12, $0xb8;
	[tilespmem:$0x1CE00] =	vst v63  }
0xba: {  	s10 =	sadd.s32 @!p0 s6, s10;
	s12 =	simm.s32 @!p0 $0x19200  }
0xbb: {  	[tilespmem:s12], [sflag:$0x1] =	stream.linear.gather @!p0 [hbm4b:s10+s16], $0x1400, $0x38;
	[tilespmem:$0x1CE00] =	vst v63  }
0xbc: {  	_ =	swait.ge [sflag:s9], $0x1400  }
0xbd: {  	[sflag:s9] =	ssyncset.done $0x0  }
0xbe: {  	[sflag:s9] =	ssyncadd.s32 $0xFFFFEC00  }
0xbf: {  	_ =	swait.ge [sflag:s9], $0x1400  }
0xc0: {  	[sflag:s9] =	ssyncset.done $0x0  }
0xc1: {  	[sflag:s9] =	ssyncadd.s32 $0xFFFFEC00  }
0xc2: {  	_ =	swait.ge [sflag:s9], $0x1400  }
0xc3: {  	[sflag:s9] =	ssyncset.done $0x0  }
0xc4: {  	s13 =	simm.s32 $0x0;
	[sflag:s9] =	ssyncadd.s32 $0xFFFFEC00  }
0xc5: {  	v5 =	vld [tilespmem:s13+$0x1A620]  }
0xc6: {  	v6 =	vld [tilespmem:s13+$0x1A600]  }
0xc7: {  	v7 =	vld [tilespmem:s13+$0x15620]  }
0xc8: {  	v8 =	vld [tilespmem:s13+$0x15600]  }
0xc9: {  	v9 =	vld [tilespmem:s13+$0x17E00]  }
0xca: {  	v10 =	vld [tilespmem:s13+$0x15610]  }
0xcb: {  	v11 =	vld [tilespmem:s13+$0x17E10]  }
0xcc: {  	v12 =	vld [tilespmem:s13+$0x17E20]  }
0xcd: {  	v13 =	vld [tilespmem:s13+$0x1A610]  }
0xce: {  	v14 =	vld [tilespmem:s13+$0x15630]  }
0xcf: {  	v15 =	vld [tilespmem:s13+$0x17E30]  }
0xd0: {  	s12 =	simm.s32 $0x80;
	v16 =	vld [tilespmem:s13+$0x1A630]  }
0xd1: {  	v8 =	vmul.f32 v9, v8;
	v9 =	vld [tilespmem:s12+$0x1A600]  }
0xd2: {  	v10 =	vmul.f32 v11, v10;
	v11 =	vld [tilespmem:s12+$0x15620]  }
0xd3: {  	v7 =	vmul.f32 v12, v7;
	v12 =	vld [tilespmem:s12+$0x17E00]  }
0xd4: {  	v6 =	vmul.f32 v6, v8;
	v8 =	vld [tilespmem:s12+$0x15600];
	v10 =	vmul.f32 v13, v10  }
0xd5: {  	v13 =	vld [tilespmem:s12+$0x15610]  }
0xd6: {  	v5 =	vmul.f32 v5, v7;
	v7 =	vmul.f32 v15, v14;
	v6 =	vadd.f32 v10, v6;
	v10 =	vld [tilespmem:s12+$0x17E10]  }
0xd7: {  	v14 =	vld [tilespmem:s12+$0x17E20]  }
0xd8: {  	v5 =	vadd.f32 v5, v6;
	v6 =	vmul.f32 v16, v7;
	v7 =	vld [tilespmem:s12+$0x1A610];
	_ =	sdelay $0x1  }
0xd9: {  	v17 =	vld [tilespmem:s12+$0x1A620];
	v16 =	vadd.f32 v6, v5  }
0xda: {  	v15 =	vld [tilespmem:s12+$0x15630];
	v6 =	vmul.f32 v12, v8;
	v10 =	vmul.f32 v10, v13  }
0xdb: {  	v11 =	vmul.f32 v14, v11;
	v8 =	vld [tilespmem:s12+$0x17E30];
	v12 =	vperm.xlane v16, v1  }
0xdc: {  	v9 =	vmul.f32 v9, v6;
	v10 =	vmul.f32 v7, v10  }
0xdd: {  	v12 =	vadd.f32 v16, v12  }
0xde: {  	v4 =	vld [tilespmem:s13+$0x15640];
	v11 =	vmul.f32 v17, v11;
	v10 =	vadd.f32 v10, v9  }
0xdf: {  	v3 =	vld [tilespmem:s13+$0x15650];
	v12 =	vmax.f32 v12, $-5.000000000e+00  }
0xe0: {  	v2 =	vld [tilespmem:s13+$0x15660];
	v14 =	vmul.f32 v8, v15;
	v15 =	vadd.f32 v11, v10;
	v11 =	vmin.f32 v12, $5.000000000e+00  }
0xe1: {  	v18 =	vld [tilespmem:s12+$0x1A630];
	v12 =	vmul.f32 $1.442695020e+00, v11  }
0xe2: {  	v5 =	vld [tilespmem:s12+$0x15640]  }
0xe3: {  	v13 =	vld [tilespmem:s13+$0x15670];
	(erf) = vpow2.f32 v12  }
0xe4: {  	v6 =	vld [tilespmem:s12+$0x15650]  }
0xe5: {  	s16 =	simm.s32 $0x100;
	v7 =	vld [tilespmem:s12+$0x15660]  }
0xe6: {  	v8 =	vld [tilespmem:s16+$0x1A620]  }
0xe7: {  	v9 =	vld [tilespmem:s16+$0x1A600];
	v14 =	vmul.f32 v18, v14  }
0xe8: {  	v10 =	vld [tilespmem:s16+$0x15620]  }
0xe9: {  	v11 =	vld [tilespmem:s16+$0x15600];
	v15 =	vadd.f32 v14, v15  }
0xea: {  	v14 =	vld [tilespmem:s16+$0x17E00]  }
0xeb: {  	s10 =	simm.s32 $0x600;
	v12 =	vld [tilespmem:s16+$0x15610];
	v16 =	vperm.xlane v15, v1  }
.LBB2_7:
0xec: {  	p0 =	sne.s32 s10, $0x4E00;
	v17 =	vld [tilespmem:s16+$0x17E10];
	v18 =	vpop (erf)  }
0xed: {  	v19 =	vld [tilespmem:s16+$0x17E20];
	v15 =	vadd.f32 v15, v16;
	v16 =	vmul.f32 v18, v4;
	v13 =	vmul.f32 v13, v18;
	[tilespmem:s13+$0x1BA40] =	vst v18  }
0xee: {  	v21 =	vmul.f32 v18, v3;
	v18 =	vmul.f32 v18, v2;
	v4 =	vmovc v5;
	v3 =	vmovc v6;
	v2 =	vmov v7;
	v20 =	vld [tilespmem:s16+$0x1A610]  }
0xef: {  	v22 =	vld [tilespmem:s16+$0x15630];
	v5 =	vmax.f32 v15, $-5.000000000e+00;
	[tilespmem:s13+$0x1BA30] =	vst v13  }
0xf0: {  	v6 =	vmul.f32 v14, v11;
	v11 =	vld [tilespmem:s16+$0x17E30];
	v7 =	vmin.f32 v5, $5.000000000e+00;
	[tilespmem:s13+$0x1BA00] =	vst v16  }
0xf1: {  	v12 =	vmul.f32 v17, v12;
	v5 =	vld [tilespmem:s16+$0x15640];
	v7 =	vmul.f32 $1.442695020e+00, v7;
	[tilespmem:s13+$0x1BA10] =	vst v21  }
0xf2: {  	v9 =	vmul.f32 v9, v6;
	v10 =	vmul.f32 v19, v10;
	v14 =	vld [tilespmem:s16+$0x1A630];
	[tilespmem:s13+$0x1BA20] =	vst v18;
	s13 =	smov.u32 s12;
	s12 =	smov.u32 s16  }
0xf3: {  	v12 =	vmul.f32 v20, v12;
	v6 =	vld [tilespmem:s12+$0x15650];
	(erf) = vpow2.f32 v7  }
0xf4: {  	v7 =	vld [tilespmem:s12+$0x15660]  }
0xf5: {  	s16 =	sshra.s32 s10, $0x2;
	v10 =	vmul.f32 v8, v10;
	v12 =	vadd.f32 v12, v9;
	v11 =	vmul.f32 v11, v22;
	v13 =	vld [tilespmem:s13+$0x15670]  }
0xf6: {  	v8 =	vld [tilespmem:s16+$0x1A620]  }
.Ltmp2:
0xf7: {  	v9 =	vld [tilespmem:s16+$0x1A600];
	v12 =	vadd.f32 v10, v12;
	v14 =	vmul.f32 v14, v11;
	(pc) =	sbr.rel @p0 .LBB2_7-.Ltmp2, $4  }
0xf8: {  	v10 =	vld [tilespmem:s16+$0x15620]  }
0xf9: {  	v11 =	vld [tilespmem:s16+$0x15600];
	v15 =	vadd.f32 v14, v12  }
0xfa: {  	v14 =	vld [tilespmem:s16+$0x17E00]  }
0xfb: {  	s10 =	sadd.s32 $0x200, s10;
	v12 =	vld [tilespmem:s16+$0x15610];
	v16 =	vperm.xlane v15, v1  }
0xfc: {  	v17 =	vld [tilespmem:s16+$0x17E10];
	v18 =	vpop (erf)  }
0xfd: {  	v19 =	vld [tilespmem:s16+$0x17E20];
	[tilespmem:s13+$0x1BA40] =	vst v18;
	v13 =	vmul.f32 v13, v18  }
0xfe: {  	v4 =	vmul.f32 v18, v4;
	v20 =	vld [tilespmem:s16+$0x1A610]  }
0xff: {  	v3 =	vmul.f32 v18, v3;
	v21 =	vld [tilespmem:s16+$0x15630];
	[tilespmem:s13+$0x1BA30] =	vst v13  }
0x100: {  	v54 =	vmul.f32 v14, v11;
	v13 =	vld [tilespmem:s16+$0x17E30];
	[tilespmem:s13+$0x1BA00] =	vst v4  }
0x101: {  	v56 =	vadd.f32 v15, v16;
	v55 =	vld [tilespmem:s16+$0x15640];
	v12 =	vmul.f32 v17, v12;
	[tilespmem:s13+$0x1BA10] =	vst v3  }
0x102: {  	v3 =	vmul.f32 v9, v54;
	v57 =	vld [tilespmem:s16+$0x1A630]  }
0x103: {  	v58 =	vmax.f32 v56, $-5.000000000e+00;
	v10 =	vmul.f32 v19, v10;
	v12 =	vmul.f32 v20, v12  }
0x104: {  	v9 =	vmin.f32 v58, $5.000000000e+00  }
0x105: {  	v8 =	vmul.f32 v8, v10;
	v3 =	vadd.f32 v12, v3;
	v59 =	vmul.f32 v13, v21  }
0x106: {  	v9 =	vmul.f32 $1.442695020e+00, v9  }
0x107: {  	v3 =	vadd.f32 v8, v3;
	v4 =	vmul.f32 v57, v59  }
0x108: {  	(erf) = vpow2.f32 v9  }
0x109: {  	v3 =	vadd.f32 v4, v3  }
0x10a: {  	v2 =	vmul.f32 v18, v2  }
0x10b: {  	v4 =	vperm.xlane v3, v1  }
0x10c: {  	[tilespmem:s13+$0x1BA20] =	vst v2  }
0x10d: {  	v2 =	vld [tilespmem:s12+$0x15670];
	v3 =	vadd.f32 v3, v4;
	_ =	sdelay $0x1  }
0x10e: {  	v3 =	vmax.f32 v3, $-5.000000000e+00  }
0x10f: {  	v3 =	vmin.f32 v3, $5.000000000e+00  }
0x110: {  	v61 =	vpop (erf);
	v3 =	vmul.f32 $1.442695020e+00, v3  }
0x111: {  	v60 =	vld [tilespmem:s16+$0x15650];
	v2 =	vmul.f32 v2, v61  }
0x112: {  	v62 =	vld [tilespmem:s16+$0x15660];
	v5 =	vmul.f32 v61, v5;
	[tilespmem:s12+$0x1BA40] =	vst v61;
	(erf) = vpow2.f32 v3  }
0x113: {  	[tilespmem:s12+$0x1BA30] =	vst v2;
	v2 =	vmul.f32 v61, v7  }
0x114: {  	[tilespmem:s12+$0x1BA00] =	vst v5;
	v3 =	vmul.f32 v61, v6  }
0x115: {  	[tilespmem:s12+$0x1BA20] =	vst v2  }
0x116: {  	[tilespmem:s12+$0x1BA10] =	vst v3  }
0x117: {  	v2 =	vld [tilespmem:s16+$0x15670];
	_ =	sdelay $0x3  }
0x118: {  	v3 =	vpop (erf)  }
0x119: {  	v2 =	vmul.f32 v2, v3  }
0x11a: {  	v63 =	vmul.f32 v3, v55;
	[tilespmem:s16+$0x1BA40] =	vst v3  }
0x11b: {  	v4 =	vmul.f32 v3, v60;
	[tilespmem:s16+$0x1BA30] =	vst v2  }
0x11c: {  	s20 =	sadd.s32 $0x1, s20;
	v2 =	vmul.f32 v3, v62;
	[tilespmem:s16+$0x1BA00] =	vst v63  }
0x11d: {  	p0 =	sne.s32 s20, $0x7D;
	[tilespmem:s16+$0x1BA10] =	vst v4  }
.Ltmp3:
0x11e: {  	[tilespmem:s16+$0x1BA20] =	vst v2;
	(pc) =	sbr.rel @p0 .LBB2_4-.Ltmp3, $4  }
0x11f: {  	[spmem:s1] =	stream.indirect.scatter.add.f32 [tilespmem:s25], [sflag:$0x5], $0x80, s29, s23, $0xb8;
	[tilespmem:$0x1CE00] =	vst v63  }
0x120: {  	_ =	swait.ge [sflag:s19], $0x1400  }
0x121: {  	[sflag:s19] =	ssyncset.done $0x0  }
0x122: {  	[sflag:s19] =	ssyncadd.s32 $0xFFFFEC00  }
0x123: {  	[bflag:$0x0] =	sbarrier.arrive $0xFFFF  }
0x124: {  	s11 =	rddreg [dreg:$0x4]  }
0x125: {  	s10 =	rddreg [dreg:$0x8]  }
0x126: {  	s12 =	rddreg [dreg:$0xa]  }
0x127: {  	[hbm:s10], [sflag:s11] =	dma.local [spmem:s12], $0x2800  }
0x128: {  	_ =	swait.ge [sflag:s19], $0x2800  }
0x129: {  	s3 =	sadd.s32 $0x1, s3;
	s20 =	rddreg [dreg:$0x9]  }
0x12a: {  	p0 =	sne.s32 s3, s20  }
.Ltmp4:
0x12b: {  	_ = 	snop;
	(pc) =	sbr.rel @p0 .LBB2_1-.Ltmp4, $3  }
0x12c: {  	_ =	sdelay $0x1  }
0x12d: {  	[sflag:s19] =	ssyncset.done $0x0  }
0x12e: {  	[sflag:s19] =	ssyncadd.s32 $0xFFFFD800  }
0x12f: {  	_ =	sfence.sel $0x180000  }
0x130: {  	[bflag:$0x0] =	sbarrier.arrive $0xFFFF  }
0x131: {  	_ =	strace $0x90000047  }
0x132: {  	s0 =	stileid.u32;
	[bflag:$0x2] =	sbarrier.arrive $0xFFFF  }
0x133: {  	p0 =	sne.s32 s0, $0x0;
	s0 =	rddreg [dreg:$0x2]  }
0x134: {  	s0 =	sadd.s32 @!p0 $0x100000, s0  }
0x135: {  	[sflag:s0] =	ssyncadd.tile.s32 @!p0 $0x1;
	_ =	shalt  }
.Lfunc_end2:
_tile_overlayer_lowered:
.L_overlay_start_2:
0x136: {  	(tag) =	ssettag $0x2  }
0x137: {  	s0 =	rddreg [dreg:$0x0];
	s2 =	stileid.u32  }
0x138: {  	s1 =	rddreg [dreg:$0x1];
	p0 =	sne.s32 s2, $0x0  }
0x139: {  	s3 =	rddreg [dreg:$0x2];
	[bflag:$0x3] =	sbarrier.arrive $0xFFFF;
	s2 =	simm.s32 @!p0 $0x1C05  }
0x13a: {  	[timem:s3], [sflag:s2] =	dma.local @!p0 [hbm:s0], s1  }
0x13b: {  	s0 =	simm.s32 @!p0 $0x5  }
0x13c: {  	_ =	swait.ge @!p0 [sflag:s0], s1  }
0x13d: {  	s1 =	ssub.s32 @!p0 $0x0, s1;
	[sflag:s0] =	ssyncset.done @!p0 $0x0  }
0x13e: {  	[sflag:s0] =	ssyncadd.s32 @!p0 s1  }
0x13f: {  	[bflag:$0x3] =	sbarrier.arrive $0xFFFF  }
0x140: {  	_ =	shalt  }

</sc_bundles>
